<compile_context>
chip_gen: v7x
topology: tpu7x:2x2x1
jax: 0.10.2.dev20260603
libtpu: 0.0.44.dev20260713+nightly
codegen_flags: <defaults>
</compile_context>

<pallas_src>
import functools

import jax
import jax.numpy as jnp
from jax import lax
from jax.experimental import pallas as pl
from jax.experimental.pallas import tpu as pltpu
from jax.experimental.pallas import tpu_sc as plsc

F32 = jnp.float32

_NC = 2
_NS = 16
_NW = _NC * _NS
_C = 80


def _node_pre_body(x_ref, wn_ref, bn_ref, g1_ref, b1_ref, wp_ref, bp_ref,
                   wl_ref, bl_ref, np_ref, hv_ref, l2_ref):
    x = x_ref[...]
    t = jnp.dot(x, wn_ref[...], preferred_element_type=F32) + bn_ref[...]
    mask = lax.broadcasted_iota(jnp.int32, t.shape, 1) < 20
    m = jnp.sum(t, axis=1, keepdims=True) * (1.0 / 20.0)
    d = jnp.where(mask, t - m, 0.0)
    v = jnp.sum(d * d, axis=1, keepdims=True) * (1.0 / 20.0)
    y = d * lax.rsqrt(v + 1e-5) * g1_ref[...] + b1_ref[...]
    np_ref[...] = jnp.where(mask, jnp.maximum(y, 0.0), 0.0)
    hv_ref[...] = jnp.dot(x, wp_ref[...], preferred_element_type=F32) + bp_ref[...]
    l2_ref[...] = jnp.dot(x, wl_ref[...], preferred_element_type=F32) + bl_ref[...]


def _kron_body(sp_ref, dp_ref, m0_ref, wk_ref, bk_ref, g2_ref, b2_ref,
               ek_ref):
    sp = sp_ref[...]
    dp = dp_ref[...]
    spx = jnp.dot(sp, m0_ref[...], preferred_element_type=F32)
    kron = spx * jnp.tile(dp, (1, 20))
    ek = jnp.dot(kron, wk_ref[...], preferred_element_type=F32) + bk_ref[...]
    m = jnp.mean(ek, axis=1, keepdims=True)
    d = ek - m
    v = jnp.mean(d * d, axis=1, keepdims=True)
    y = d * lax.rsqrt(v + 1e-5) * g2_ref[...] + b2_ref[...]
    ek_ref[...] = jnp.maximum(y, 0.0)


def _final_body(x_ref, u0_ref, u1_ref, d0_ref, d1_ref, k0_ref, k1_ref,
                wih_ref, bih_ref, whh_ref, bhh_ref, gl_ref, bl_ref,
                wc1_ref, wc2_ref, bc_ref, g3_ref, b3_ref, out_ref):
    x = x_ref[...]
    den = d0_ref[:, :1] + d1_ref[:, :1]
    ctx = jnp.maximum((u0_ref[...] + u1_ref[...]) / (den + 1e-9), 0.0)
    gi = jnp.dot(ctx, wih_ref[...], preferred_element_type=F32) + bih_ref[...]
    gh = jnp.dot(x, whh_ref[...], preferred_element_type=F32) + bhh_ref[...]
    r = jax.nn.sigmoid(gi[:, :128] + gh[:, :128])
    z = jax.nn.sigmoid(gi[:, 128:256] + gh[:, 128:256])
    nc = jnp.tanh(gi[:, 256:] + r * gh[:, 256:])
    h = (1.0 - z) * nc + z * x
    g = jnp.maximum(h, 0.0)
    m = jnp.mean(g, axis=1, keepdims=True)
    d = g - m
    v = jnp.mean(d * d, axis=1, keepdims=True)
    g = d * lax.rsqrt(v + 1e-5) * gl_ref[...] + bl_ref[...]
    kf = k0_ref[...] + k1_ref[...]
    o = (jnp.dot(g, wc1_ref[...], preferred_element_type=F32)
         + jnp.dot(kf, wc2_ref[...], preferred_element_type=F32) + bc_ref[...])
    m2 = jnp.mean(o, axis=1, keepdims=True)
    d2 = o - m2
    v2 = jnp.mean(d2 * d2, axis=1, keepdims=True)
    y = d2 * lax.rsqrt(v2 + 1e-5) * g3_ref[...] + b3_ref[...]
    out_ref[...] = jnp.maximum(y, 0.0)


def _gather_pass_body(src_h, dst_h, np_h, sp_out, dp_out,
                      sidx0, sidx1, didx0, didx1, spb0, spb1, dpb0, dpb1,
                      sem0, sem1, *, epw, nchunk):
    c = lax.axis_index("c")
    s = lax.axis_index("s")
    wid = s * _NC + c
    tbase = wid * epw

    def fetch(j, sidx, didx, spb, dpb, sem):
        base = tbase + j * _C
        pltpu.sync_copy(src_h.at[pl.ds(base, _C)], sidx)
        pltpu.sync_copy(dst_h.at[pl.ds(base, _C)], didx)
        pltpu.async_copy(np_h.at[sidx], spb, sem)
        pltpu.async_copy(np_h.at[didx], dpb, sem)

    fetch(0, sidx0, didx0, spb0, dpb0, sem0)
    fetch(1, sidx1, didx1, spb1, dpb1, sem1)

    def half(j, sidx, didx, spb, dpb, sem, prefetch):
        base = tbase + j * _C
        pltpu.make_async_copy(np_h.at[pl.ds(tbase, _C)], spb, sem).wait()
        pltpu.make_async_copy(np_h.at[pl.ds(tbase, _C)], dpb, sem).wait()
        pltpu.sync_copy(spb, sp_out.at[pl.ds(base, _C)])
        pltpu.sync_copy(dpb, dp_out.at[pl.ds(base, _C)])
        if prefetch:
            @pl.when(j + 2 < nchunk)
            def _():
                fetch(j + 2, sidx, didx, spb, dpb, sem)

    def chunk2(i, carry):
        half(2 * i, sidx0, didx0, spb0, dpb0, sem0, True)
        half(2 * i + 1, sidx1, didx1, spb1, dpb1, sem1, True)
        return carry

    lax.fori_loop(0, nchunk // 2, chunk2, 0)
    if nchunk % 2 == 1:
        half(nchunk - 1, sidx0, didx0, spb0, dpb0, sem0, False)


def _edge_pass_body(src_h, dst_h, hv_h, ld_h, ls_h, zu_h, zd_h,
                    u0_out, u1_out, d0_out, d1_out,
                    sidx, didx, gbuf, wrow, wbuf, ldv, lsv,
                    uacc, dacc, semg,
                    *, n_pad, epw, nchunk):
    c = lax.axis_index("c")
    s = lax.axis_index("s")
    wid = s * _NC + c
    rz = n_pad // _NS
    pltpu.sync_copy(zu_h, uacc.at[pl.ds(s * rz, rz)])
    pltpu.sync_copy(zd_h, dacc.at[pl.ds(s * rz, rz)])
    pltpu.sync_copy(ld_h, ldv)
    pltpu.sync_copy(ls_h, lsv)
    for r in range(_C):
        wrow[r] = jnp.zeros((16,), F32)
    plsc.subcore_barrier()

    iota16 = lax.iota(jnp.int32, 16)
    zeros16 = jnp.zeros((16,), jnp.int32)
    tbase = wid * epw

    def chunk(i, carry):
        base = tbase + i * _C
        pltpu.sync_copy(src_h.at[pl.ds(base, _C)], sidx)
        pltpu.sync_copy(dst_h.at[pl.ds(base, _C)], didx)
        cp1 = pltpu.async_copy(hv_h.at[sidx], gbuf, semg)
        for jj in range(_C // 16):
            sv = sidx[pl.ds(jj * 16, 16)]
            dv = didx[pl.ds(jj * 16, 16)]
            lv = plsc.load_gather(ldv, [dv]) + plsc.load_gather(lsv, [sv])
            w = jnp.exp(jnp.maximum(lv, 0.0))
            wbuf[pl.ds(jj * 16, 16)] = w
            plsc.store_scatter(wrow, [iota16 + (jj * 16), zeros16], w)
        cp1.wait()

        def scale(cc, carry2):
            wv = plsc.load_gather(wbuf, [jnp.full((16,), 0, jnp.int32) + cc])
            for r in range(8):
                gbuf[cc, pl.ds(r * 16, 16)] = gbuf[cc, pl.ds(r * 16, 16)] * wv
            return carry2

        lax.fori_loop(0, _C, scale, 0, unroll=4)
        pltpu.sync_copy(wrow, dacc.at[didx], add=True)
        pltpu.sync_copy(gbuf, uacc.at[didx], add=True)
        return carry

    lax.fori_loop(0, nchunk, chunk, 0)
    plsc.subcore_barrier()
    rows = pl.ds(s * rz, rz)

    @pl.when(c == 0)
    def _():
        pltpu.sync_copy(uacc.at[rows], u0_out.at[rows])
        pltpu.sync_copy(dacc.at[rows], d0_out.at[rows])

    @pl.when(c == 1)
    def _():
        pltpu.sync_copy(uacc.at[rows], u1_out.at[rows])
        pltpu.sync_copy(dacc.at[rows], d1_out.at[rows])


def _kron_scatter_body(ek_h, dst_h, zu_h, k0_out, k1_out,
                       didx0, didx1, ekb0, ekb1, kacc, semr0, semr1,
                       *, n_pad, epw, nchunk):
    c = lax.axis_index("c")
    s = lax.axis_index("s")
    wid = s * _NC + c
    rz = n_pad // _NS
    pltpu.sync_copy(zu_h, kacc.at[pl.ds(s * rz, rz)])
    plsc.subcore_barrier()

    tbase = wid * epw
    pltpu.sync_copy(dst_h.at[pl.ds(tbase, _C)], didx0)
    pltpu.async_copy(ek_h.at[pl.ds(tbase, _C)], ekb0, semr0)
    pltpu.sync_copy(dst_h.at[pl.ds(tbase + _C, _C)], didx1)
    pltpu.async_copy(ek_h.at[pl.ds(tbase + _C, _C)], ekb1, semr1)

    def chunk2(i, carry):
        def half(idx_b, ek_b, sem, j):
            pltpu.make_async_copy(ek_h.at[pl.ds(tbase, _C)], ek_b, sem).wait()
            pltpu.sync_copy(ek_b, kacc.at[idx_b], add=True)

            @pl.when(j + 2 < nchunk)
            def _():
                base = tbase + (j + 2) * _C
                pltpu.sync_copy(dst_h.at[pl.ds(base, _C)], idx_b)
                pltpu.async_copy(ek_h.at[pl.ds(base, _C)], ek_b, sem)

        half(didx0, ekb0, semr0, 2 * i)
        half(didx1, ekb1, semr1, 2 * i + 1)
        return carry

    lax.fori_loop(0, nchunk // 2, chunk2, 0)
    if nchunk % 2 == 1:
        pltpu.make_async_copy(ek_h.at[pl.ds(tbase, _C)], ekb0, semr0).wait()
        pltpu.sync_copy(ekb0, kacc.at[didx0], add=True)
    plsc.subcore_barrier()
    rows = pl.ds(s * rz, rz)

    @pl.when(c == 0)
    def _():
        pltpu.sync_copy(kacc.at[rows], k0_out.at[rows])

    @pl.when(c == 1)
    def _():
        pltpu.sync_copy(kacc.at[rows], k1_out.at[rows])


@jax.jit
def kernel(x, edge_index, Wn, bn, g1, b1, Wk, bk, g2, b2, We, be, Wp, bp,
           Wih, bih, Whh, bhh, g_ln, b_ln, Wc, bc, g3, b3):
    n, d = x.shape
    e = edge_index.shape[1]
    src = edge_index[0]
    dst = edge_index[1]

    wn_pad = jnp.pad(Wn, ((0, 0), (0, 12)))
    bn_pad = jnp.pad(bn, (0, 12)).reshape(1, 32)
    g1_pad = jnp.pad(g1, (0, 12)).reshape(1, 32)
    b1_pad = jnp.pad(b1, (0, 12)).reshape(1, 32)
    wl = jnp.concatenate([We[:d], We[d:]], axis=1)
    bl = jnp.stack([be[0], jnp.zeros((), F32)]).reshape(1, 2)
    wk_pad = jnp.pad(Wk.reshape(20, 20, 128),
                     ((0, 0), (0, 12), (0, 0))).reshape(640, 128)
    m0 = jnp.kron(jnp.eye(32, 20, dtype=F32), jnp.ones((1, 32), F32))

    nb = 2000
    grid_a = n // nb
    np_pad, hv, l2 = pl.pallas_call(
        _node_pre_body,
        grid=(grid_a,),
        in_specs=[
            pl.BlockSpec((nb, d), lambda i: (i, 0)),
            pl.BlockSpec((d, 32), lambda i: (0, 0)),
            pl.BlockSpec((1, 32), lambda i: (0, 0)),
            pl.BlockSpec((1, 32), lambda i: (0, 0)),
            pl.BlockSpec((1, 32), lambda i: (0, 0)),
            pl.BlockSpec((d, d), lambda i: (0, 0)),
            pl.BlockSpec((1, d), lambda i: (0, 0)),
            pl.BlockSpec((d, 2), lambda i: (0, 0)),
            pl.BlockSpec((1, 2), lambda i: (0, 0)),
        ],
        out_specs=[
            pl.BlockSpec((nb, 32), lambda i: (i, 0)),
            pl.BlockSpec((nb, d), lambda i: (i, 0)),
            pl.BlockSpec((nb, 2), lambda i: (i, 0)),
        ],
        out_shape=[
            jax.ShapeDtypeStruct((n, 32), F32),
            jax.ShapeDtypeStruct((n, d), F32),
            jax.ShapeDtypeStruct((n, 2), F32),
        ],
    )(x, wn_pad, bn_pad, g1_pad, b1_pad, Wp, bp.reshape(1, d), wl, bl)

    ldst = l2[:, 0]
    lsrc = l2[:, 1]

    epw = e // _NW
    nchunk = epw // _C
    n_pad = ((n + 127) // 128) * 128
    rz = n_pad // _NS
    zu = jnp.zeros((rz, d), F32)
    zd = jnp.zeros((rz, 16), F32)
    mesh = plsc.VectorSubcoreMesh(core_axis_name="c", subcore_axis_name="s",
                                  num_cores=_NC, num_subcores=_NS)
    gather_pass = pl.kernel(
        functools.partial(_gather_pass_body, epw=epw, nchunk=nchunk),
        out_type=[
            jax.ShapeDtypeStruct((e, 32), F32),
            jax.ShapeDtypeStruct((e, 32), F32),
        ],
        mesh=mesh,
        compiler_params=pltpu.CompilerParams(needs_layout_passes=False, use_tc_tiling_on_sc=False),
        scratch_types=[
            pltpu.VMEM((_C,), jnp.int32),
            pltpu.VMEM((_C,), jnp.int32),
            pltpu.VMEM((_C,), jnp.int32),
            pltpu.VMEM((_C,), jnp.int32),
            pltpu.VMEM((_C, 32), F32),
            pltpu.VMEM((_C, 32), F32),
            pltpu.VMEM((_C, 32), F32),
            pltpu.VMEM((_C, 32), F32),
            pltpu.SemaphoreType.DMA,
            pltpu.SemaphoreType.DMA,
        ],
    )
    sp, dp = gather_pass(src, dst, np_pad)

    edge_pass = pl.kernel(
        functools.partial(_edge_pass_body, n_pad=n_pad, epw=epw,
                          nchunk=nchunk),
        out_type=[
            jax.ShapeDtypeStruct((n_pad, d), F32),
            jax.ShapeDtypeStruct((n_pad, d), F32),
            jax.ShapeDtypeStruct((n_pad, 16), F32),
            jax.ShapeDtypeStruct((n_pad, 16), F32),
        ],
        mesh=mesh,
        compiler_params=pltpu.CompilerParams(needs_layout_passes=False, use_tc_tiling_on_sc=False),
        scratch_types=[
            pltpu.VMEM((_C,), jnp.int32),
            pltpu.VMEM((_C,), jnp.int32),
            pltpu.VMEM((_C, d), F32),
            pltpu.VMEM((_C, 16), F32),
            pltpu.VMEM((_C,), F32),
            pltpu.VMEM((n,), F32),
            pltpu.VMEM((n,), F32),
            pltpu.VMEM_SHARED((n_pad, d), F32),
            pltpu.VMEM_SHARED((n_pad, 16), F32),
            pltpu.SemaphoreType.DMA,
        ],
    )
    u0, u1, den0, den1 = edge_pass(src, dst, hv, ldst, lsrc, zu, zd)
    u0, u1 = u0[:n], u1[:n]
    den0, den1 = den0[:n], den1[:n]

    bsz = 2560
    grid_c = e // bsz
    ek = pl.pallas_call(
        _kron_body,
        grid=(grid_c,),
        in_specs=[
            pl.BlockSpec((bsz, 32), lambda i: (i, 0)),
            pl.BlockSpec((bsz, 32), lambda i: (i, 0)),
            pl.BlockSpec((32, 640), lambda i: (0, 0)),
            pl.BlockSpec((640, d), lambda i: (0, 0)),
            pl.BlockSpec((1, d), lambda i: (0, 0)),
            pl.BlockSpec((1, d), lambda i: (0, 0)),
            pl.BlockSpec((1, d), lambda i: (0, 0)),
        ],
        out_specs=pl.BlockSpec((bsz, d), lambda i: (i, 0)),
        out_shape=jax.ShapeDtypeStruct((e, d), F32),
    )(sp, dp, m0, wk_pad, bk.reshape(1, d), g2.reshape(1, d),
      b2.reshape(1, d))

    kron_scatter = pl.kernel(
        functools.partial(_kron_scatter_body, n_pad=n_pad, epw=epw,
                          nchunk=nchunk),
        out_type=[
            jax.ShapeDtypeStruct((n_pad, d), F32),
            jax.ShapeDtypeStruct((n_pad, d), F32),
        ],
        mesh=mesh,
        compiler_params=pltpu.CompilerParams(needs_layout_passes=False, use_tc_tiling_on_sc=False),
        scratch_types=[
            pltpu.VMEM((_C,), jnp.int32),
            pltpu.VMEM((_C,), jnp.int32),
            pltpu.VMEM((_C, d), F32),
            pltpu.VMEM((_C, d), F32),
            pltpu.VMEM_SHARED((n_pad, d), F32),
            pltpu.SemaphoreType.DMA,
            pltpu.SemaphoreType.DMA,
        ],
    )
    k0, k1 = kron_scatter(ek, dst, zu)
    k0, k1 = k0[:n], k1[:n]

    out = pl.pallas_call(
        _final_body,
        grid=(grid_a,),
        in_specs=[
            pl.BlockSpec((nb, d), lambda i: (i, 0)),
            pl.BlockSpec((nb, d), lambda i: (i, 0)),
            pl.BlockSpec((nb, d), lambda i: (i, 0)),
            pl.BlockSpec((nb, 16), lambda i: (i, 0)),
            pl.BlockSpec((nb, 16), lambda i: (i, 0)),
            pl.BlockSpec((nb, d), lambda i: (i, 0)),
            pl.BlockSpec((nb, d), lambda i: (i, 0)),
            pl.BlockSpec((d, 3 * d), lambda i: (0, 0)),
            pl.BlockSpec((1, 3 * d), lambda i: (0, 0)),
            pl.BlockSpec((d, 3 * d), lambda i: (0, 0)),
            pl.BlockSpec((1, 3 * d), lambda i: (0, 0)),
            pl.BlockSpec((1, d), lambda i: (0, 0)),
            pl.BlockSpec((1, d), lambda i: (0, 0)),
            pl.BlockSpec((d, d), lambda i: (0, 0)),
            pl.BlockSpec((d, d), lambda i: (0, 0)),
            pl.BlockSpec((1, d), lambda i: (0, 0)),
            pl.BlockSpec((1, d), lambda i: (0, 0)),
            pl.BlockSpec((1, d), lambda i: (0, 0)),
        ],
        out_specs=pl.BlockSpec((nb, d), lambda i: (i, 0)),
        out_shape=jax.ShapeDtypeStruct((n, d), F32),
    )(x, u0, u1, den0, den1, k0, k1,
      Wih.T, bih.reshape(1, 3 * d), Whh.T, bhh.reshape(1, 3 * d),
      g_ln.reshape(1, d), b_ln.reshape(1, d),
      Wc[:d], Wc[d:], bc.reshape(1, d),
      g3.reshape(1, d), b3.reshape(1, d))
    return out

# --- scband reference (transcript-rebuilt; emitter-appended) ---
"""Pipeline reference for scband-kafpgnn-76871324663925 (READ-ONLY COPY).

The authoritative reference and input builder live on the scoring server;
editing this copy changes nothing except your own understanding.
"""

import jax, jax.numpy as jnp
import numpy as np

N = 10000
E = 320000
D = 128
OUT = 128

def layernorm(x, g, b, eps=1e-5):
    m = jnp.mean(x, axis=-1, keepdims=True)
    v = jnp.var(x, axis=-1, keepdims=True)
    return (x - m) / jnp.sqrt(v + eps) * g + b

def setup_inputs(seed: int = 0) -> dict:
    key = jax.random.key(seed)
    ks = jax.random.split(key, 16)
    s = 0.05
    inp = {}
    inp['x'] = jax.random.normal(ks[0], (N, D), dtype=jnp.float32)
    inp['edge_index'] = jax.random.randint(ks[1], (2, E), 0, N)
    # KroneckerMessage params: proj_node Linear(D,20)+LN(20); proj_kron Linear(400,OUT)+LN(OUT)
    inp['Wn'] = jax.random.normal(ks[2], (D, 20), dtype=jnp.float32) * s
    inp['bn'] = jnp.zeros((20,), dtype=jnp.float32)
    inp['g1'] = jnp.ones((20,), dtype=jnp.float32)
    inp['b1'] = jnp.zeros((20,), dtype=jnp.float32)
    inp['Wk'] = jax.random.normal(ks[3], (400, OUT), dtype=jnp.float32) * s
    inp['bk'] = jnp.zeros((OUT,), dtype=jnp.float32)
    inp['g2'] = jnp.ones((OUT,), dtype=jnp.float32)
    inp['b2'] = jnp.zeros((OUT,), dtype=jnp.float32)
    # project_edge Linear(2D,1)
    inp['We'] = jax.random.normal(ks[4], (2 * D, 1), dtype=jnp.float32) * s
    inp['be'] = jnp.zeros((1,), dtype=jnp.float32)
    # AttentiveGRU2 project_node Linear(D, graph_feat_size=D)
    inp['Wp'] = jax.random.normal(ks[5], (D, D), dtype=jnp.float32) * s
    inp['bp'] = jnp.zeros((D,), dtype=jnp.float32)
    # GRUCell(input=D, hidden=D)
    inp['Wih'] = jax.random.normal(ks[6], (3 * D, D), dtype=jnp.float32) * s
    inp['bih'] = jnp.zeros((3 * D,), dtype=jnp.float32)
    inp['Whh'] = jax.random.normal(ks[7], (3 * D, D), dtype=jnp.float32) * s
    inp['bhh'] = jnp.zeros((3 * D,), dtype=jnp.float32)
    # layer_norm(graph_feat_size)
    inp['g_ln'] = jnp.ones((D,), dtype=jnp.float32)
    inp['b_ln'] = jnp.zeros((D,), dtype=jnp.float32)
    # concat_proj Linear(D+OUT, D)+LN(D)
    inp['Wc'] = jax.random.normal(ks[8], (D + OUT, D), dtype=jnp.float32) * s
    inp['bc'] = jnp.zeros((D,), dtype=jnp.float32)
    inp['g3'] = jnp.ones((D,), dtype=jnp.float32)
    inp['b3'] = jnp.zeros((D,), dtype=jnp.float32)
    return inp

def reference(x, edge_index, Wn, bn, g1, b1, Wk, bk, g2, b2, We, be, Wp, bp, Wih, bih, Whh, bhh, g_ln, b_ln, Wc, bc, g3, b3):
    n_nodes = x.shape[0]
    src = edge_index[0]
    dst = edge_index[1]
    # --- KroneckerMessage ---
    node_proj = jax.nn.relu(layernorm(x @ Wn + bn, g1, b1))
    sp = node_proj[src]
    dp = node_proj[dst]
    kron = jnp.einsum('ba,bk->bak', sp, dp).reshape(sp.shape[0], sp.shape[1] * dp.shape[1])
    kron = jax.nn.relu(layernorm(kron @ Wk + bk, g2, b2))
    kron_feat = jax.ops.segment_sum(kron, dst, num_segments=n_nodes)
    # --- edge logits (project_edge on [dst_h, src_h]) ---
    he = jnp.concatenate([x[dst], x[src]], axis=1)
    logits = jax.nn.relu(he @ We + be)  # (E, 1)
    # --- edge_softmax over incoming edges per destination node ---
    mx = jax.ops.segment_max(logits, dst, num_segments=n_nodes)
    ex = jnp.exp(logits - mx[dst])
    den = jax.ops.segment_sum(ex, dst, num_segments=n_nodes)
    a = ex / (den[dst] + 1e-9)
    # --- AttentiveGRU2 ---
    hv = x @ Wp + bp
    msg = hv[src] * a
    c = jax.ops.segment_sum(msg, dst, num_segments=n_nodes)
    context = jax.nn.relu(c)
    gi = context @ Wih.T + bih
    gh = x @ Whh.T + bhh
    ir, iz, inn = jnp.split(gi, 3, axis=1)
    hr, hz, hn = jnp.split(gh, 3, axis=1)
    r = jax.nn.sigmoid(ir + hr)
    z = jax.nn.sigmoid(iz + hz)
    ncand = jnp.tanh(inn + r * hn)
    h = (1.0 - z) * ncand + z * x
    node_feats_gru = jax.nn.relu(h)
    node_feats_gru = layernorm(node_feats_gru, g_ln, b_ln)
    # --- concat + proj ---
    out = jnp.concatenate([node_feats_gru, kron_feat], axis=1)
    out = jax.nn.relu(layernorm(out @ Wc + bc, g3, b3))
    return out

if __name__ == "__main__":
    import jax
    _d = setup_inputs()
    print(jax.jit(kernel)(*tuple(_d.values())))

</pallas_src>

<mosaic_0001>
#map = affine_map<(d0, d1) -> (0)>
#map1 = affine_map<(d0, d1) -> (0, 0)>
module attributes {stable_mosaic.version = 14 : i64} {
  func.func @_edge_pass_body(%arg0: i32, %arg1: i32, %arg2: memref<320000xi32, #tpu.memory_space<hbm>>, %arg3: memref<320000xi32, #tpu.memory_space<hbm>>, %arg4: memref<10000x128xf32, #tpu.memory_space<hbm>>, %arg5: memref<10000xf32, #tpu.memory_space<hbm>>, %arg6: memref<10000xf32, #tpu.memory_space<hbm>>, %arg7: memref<632x128xf32, #tpu.memory_space<hbm>>, %arg8: memref<632x16xf32, #tpu.memory_space<hbm>>, %arg9: memref<10112x128xf32, #tpu.memory_space<hbm>>, %arg10: memref<10112x128xf32, #tpu.memory_space<hbm>>, %arg11: memref<10112x16xf32, #tpu.memory_space<hbm>>, %arg12: memref<10112x16xf32, #tpu.memory_space<hbm>>, %arg13: memref<80xi32, #tpu.memory_space<vmem>>, %arg14: memref<80xi32, #tpu.memory_space<vmem>>, %arg15: memref<80x128xf32, #tpu.memory_space<vmem>>, %arg16: memref<80x16xf32, #tpu.memory_space<vmem>>, %arg17: memref<80xf32, #tpu.memory_space<vmem>>, %arg18: memref<10000xf32, #tpu.memory_space<vmem>>, %arg19: memref<10000xf32, #tpu.memory_space<vmem>>, %arg20: memref<10112x128xf32, #tpu.memory_space<vmem_shared>>, %arg21: memref<10112x16xf32, #tpu.memory_space<vmem_shared>>, %arg22: memref<!tpu.dma_semaphore, #tpu.memory_space<semaphore_mem>>) attributes {dimension_semantics = [#tpu.dimension_semantics<core_parallel>, #tpu.dimension_semantics<subcore_parallel>], iteration_bounds = array<i64: 2, 16>, scalar_prefetch = 0 : i64, scratch_operands = 10 : i64, tpu.core_type = #tpu.core_type<sc_vector_subcore>, window_params = [{transform_indices = #map}, {transform_indices = #map}, {transform_indices = #map1}, {transform_indices = #map}, {transform_indices = #map}, {transform_indices = #map1}, {transform_indices = #map1}, {transform_indices = #map1}, {transform_indices = #map1}, {transform_indices = #map1}, {transform_indices = #map1}]} {
    %mul3A = arith.constant 2 : i32
    %mul3A_0 = arith.muli %arg1, %mul3A : i32
    %add3A = arith.addi %mul3A_0, %arg0 : i32
    %mul3A_1 = arith.constant 632 : i32
    %mul3A_2 = arith.muli %arg1, %mul3A_1 : i32
    "tpu.region"() ({
      %run_scoped3A = tpu.sem_alloc : memref<!tpu.dma_semaphore, #tpu.memory_space<semaphore_mem>>
      %dma_start3A = arith.constant 0 : i32
      %dma_start3A_502 = tpu.memref_slice %arg20[%mul3A_2, %dma_start3A] : memref<10112x128xf32, #tpu.memory_space<vmem_shared>> -> memref<632x128xf32, #tpu.memory_space<vmem_shared>>
      tpu.enqueue_dma source(%arg7 : memref<632x128xf32, #tpu.memory_space<hbm>>) target(%dma_start3A_502 : memref<632x128xf32, #tpu.memory_space<vmem_shared>>) target_semaphore(%run_scoped3A : memref<!tpu.dma_semaphore, #tpu.memory_space<semaphore_mem>>)
      %dma_wait3A = arith.constant 0 : i32
      %dma_wait3A_503 = tpu.memref_slice %arg20[%mul3A_2, %dma_wait3A] : memref<10112x128xf32, #tpu.memory_space<vmem_shared>> -> memref<632x128xf32, #tpu.memory_space<vmem_shared>>
      tpu.wait_dma2 semaphore(%run_scoped3A : memref<!tpu.dma_semaphore, #tpu.memory_space<semaphore_mem>>) src(%arg7 : memref<632x128xf32, #tpu.memory_space<hbm>>) dst(%dma_wait3A_503 : memref<632x128xf32, #tpu.memory_space<vmem_shared>>)
      tpu.yield
    }) : () -> ()
    %mul3A_3 = arith.constant 632 : i32
    %mul3A_4 = arith.muli %arg1, %mul3A_3 : i32
    "tpu.region"() ({
      %run_scoped3A = tpu.sem_alloc : memref<!tpu.dma_semaphore, #tpu.memory_space<semaphore_mem>>
      %dma_start3A = arith.constant 0 : i32
      %dma_start3A_502 = tpu.memref_slice %arg21[%mul3A_4, %dma_start3A] : memref<10112x16xf32, #tpu.memory_space<vmem_shared>> -> memref<632x16xf32, #tpu.memory_space<vmem_shared>>
      tpu.enqueue_dma source(%arg8 : memref<632x16xf32, #tpu.memory_space<hbm>>) target(%dma_start3A_502 : memref<632x16xf32, #tpu.memory_space<vmem_shared>>) target_semaphore(%run_scoped3A : memref<!tpu.dma_semaphore, #tpu.memory_space<semaphore_mem>>)
      %dma_wait3A = arith.constant 0 : i32
      %dma_wait3A_503 = tpu.memref_slice %arg21[%mul3A_4, %dma_wait3A] : memref<10112x16xf32, #tpu.memory_space<vmem_shared>> -> memref<632x16xf32, #tpu.memory_space<vmem_shared>>
      tpu.wait_dma2 semaphore(%run_scoped3A : memref<!tpu.dma_semaphore, #tpu.memory_space<semaphore_mem>>) src(%arg8 : memref<632x16xf32, #tpu.memory_space<hbm>>) dst(%dma_wait3A_503 : memref<632x16xf32, #tpu.memory_space<vmem_shared>>)
      tpu.yield
    }) : () -> ()
    "tpu.region"() ({
      %run_scoped3A = tpu.sem_alloc : memref<!tpu.dma_semaphore, #tpu.memory_space<semaphore_mem>>
      tpu.enqueue_dma source(%arg5 : memref<10000xf32, #tpu.memory_space<hbm>>) target(%arg18 : memref<10000xf32, #tpu.memory_space<vmem>>) target_semaphore(%run_scoped3A : memref<!tpu.dma_semaphore, #tpu.memory_space<semaphore_mem>>)
      tpu.wait_dma2 semaphore(%run_scoped3A : memref<!tpu.dma_semaphore, #tpu.memory_space<semaphore_mem>>) src(%arg5 : memref<10000xf32, #tpu.memory_space<hbm>>) dst(%arg18 : memref<10000xf32, #tpu.memory_space<vmem>>)
      tpu.yield
    }) : () -> ()
    "tpu.region"() ({
      %run_scoped3A = tpu.sem_alloc : memref<!tpu.dma_semaphore, #tpu.memory_space<semaphore_mem>>
      tpu.enqueue_dma source(%arg6 : memref<10000xf32, #tpu.memory_space<hbm>>) target(%arg19 : memref<10000xf32, #tpu.memory_space<vmem>>) target_semaphore(%run_scoped3A : memref<!tpu.dma_semaphore, #tpu.memory_space<semaphore_mem>>)
      tpu.wait_dma2 semaphore(%run_scoped3A : memref<!tpu.dma_semaphore, #tpu.memory_space<semaphore_mem>>) src(%arg6 : memref<10000xf32, #tpu.memory_space<hbm>>) dst(%arg19 : memref<10000xf32, #tpu.memory_space<vmem>>)
      tpu.yield
    }) : () -> ()
    %broadcast_in_dim3A = arith.constant 0.000000e+00 : f32
    %broadcast_in_dim3A_5 = vector.broadcast %broadcast_in_dim3A : f32 to vector<16xf32>
    %swap3A = arith.constant 0 : i32
    %swap3A_6 = arith.index_cast %swap3A : i32 to index
    %swap3A_7 = arith.constant 0 : index
    %swap3A_8 = tpu.vector_load %arg16[%swap3A_6, %swap3A_7] {strides = array<i32>} : memref<80x16xf32, #tpu.memory_space<vmem>>, vector<16xf32>,
    tpu.vector_store %arg16[%swap3A_6, %swap3A_7], %broadcast_in_dim3A_5 {strides = array<i32>} : memref<80x16xf32, #tpu.memory_space<vmem>>, vector<16xf32>,
    %broadcast_in_dim3A_9 = arith.constant 0.000000e+00 : f32
    %broadcast_in_dim3A_10 = vector.broadcast %broadcast_in_dim3A_9 : f32 to vector<16xf32>
    %swap3A_11 = arith.constant 1 : i32
    %swap3A_12 = arith.index_cast %swap3A_11 : i32 to index
    %swap3A_13 = arith.constant 0 : index
    %swap3A_14 = tpu.vector_load %arg16[%swap3A_12, %swap3A_13] {strides = array<i32>} : memref<80x16xf32, #tpu.memory_space<vmem>>, vector<16xf32>,
    tpu.vector_store %arg16[%swap3A_12, %swap3A_13], %broadcast_in_dim3A_10 {strides = array<i32>} : memref<80x16xf32, #tpu.memory_space<vmem>>, vector<16xf32>,
    %broadcast_in_dim3A_15 = arith.constant 0.000000e+00 : f32
    %broadcast_in_dim3A_16 = vector.broadcast %broadcast_in_dim3A_15 : f32 to vector<16xf32>
    %swap3A_17 = arith.constant 2 : i32
    %swap3A_18 = arith.index_cast %swap3A_17 : i32 to index
    %swap3A_19 = arith.constant 0 : index
    %swap3A_20 = tpu.vector_load %arg16[%swap3A_18, %swap3A_19] {strides = array<i32>} : memref<80x16xf32, #tpu.memory_space<vmem>>, vector<16xf32>,
    tpu.vector_store %arg16[%swap3A_18, %swap3A_19], %broadcast_in_dim3A_16 {strides = array<i32>} : memref<80x16xf32, #tpu.memory_space<vmem>>, vector<16xf32>,
    %broadcast_in_dim3A_21 = arith.constant 0.000000e+00 : f32
    %broadcast_in_dim3A_22 = vector.broadcast %broadcast_in_dim3A_21 : f32 to vector<16xf32>
    %swap3A_23 = arith.constant 3 : i32
    %swap3A_24 = arith.index_cast %swap3A_23 : i32 to index
    %swap3A_25 = arith.constant 0 : index
    %swap3A_26 = tpu.vector_load %arg16[%swap3A_24, %swap3A_25] {strides = array<i32>} : memref<80x16xf32, #tpu.memory_space<vmem>>, vector<16xf32>,
    tpu.vector_store %arg16[%swap3A_24, %swap3A_25], %broadcast_in_dim3A_22 {strides = array<i32>} : memref<80x16xf32, #tpu.memory_space<vmem>>, vector<16xf32>,
    %broadcast_in_dim3A_27 = arith.constant 0.000000e+00 : f32
    %broadcast_in_dim3A_28 = vector.broadcast %broadcast_in_dim3A_27 : f32 to vector<16xf32>
    %swap3A_29 = arith.constant 4 : i32
    %swap3A_30 = arith.index_cast %swap3A_29 : i32 to index
    %swap3A_31 = arith.constant 0 : index
    %swap3A_32 = tpu.vector_load %arg16[%swap3A_30, %swap3A_31] {strides = array<i32>} : memref<80x16xf32, #tpu.memory_space<vmem>>, vector<16xf32>,
    tpu.vector_store %arg16[%swap3A_30, %swap3A_31], %broadcast_in_dim3A_28 {strides = array<i32>} : memref<80x16xf32, #tpu.memory_space<vmem>>, vector<16xf32>,
    %broadcast_in_dim3A_33 = arith.constant 0.000000e+00 : f32
    %broadcast_in_dim3A_34 = vector.broadcast %broadcast_in_dim3A_33 : f32 to vector<16xf32>
    %swap3A_35 = arith.constant 5 : i32
    %swap3A_36 = arith.index_cast %swap3A_35 : i32 to index
    %swap3A_37 = arith.constant 0 : index
    %swap3A_38 = tpu.vector_load %arg16[%swap3A_36, %swap3A_37] {strides = array<i32>} : memref<80x16xf32, #tpu.memory_space<vmem>>, vector<16xf32>,
    tpu.vector_store %arg16[%swap3A_36, %swap3A_37], %broadcast_in_dim3A_34 {strides = array<i32>} : memref<80x16xf32, #tpu.memory_space<vmem>>, vector<16xf32>,
    %broadcast_in_dim3A_39 = arith.constant 0.000000e+00 : f32
    %broadcast_in_dim3A_40 = vector.broadcast %broadcast_in_dim3A_39 : f32 to vector<16xf32>
    %swap3A_41 = arith.constant 6 : i32
    %swap3A_42 = arith.index_cast %swap3A_41 : i32 to index
    %swap3A_43 = arith.constant 0 : index
    %swap3A_44 = tpu.vector_load %arg16[%swap3A_42, %swap3A_43] {strides = array<i32>} : memref<80x16xf32, #tpu.memory_space<vmem>>, vector<16xf32>,
    tpu.vector_store %arg16[%swap3A_42, %swap3A_43], %broadcast_in_dim3A_40 {strides = array<i32>} : memref<80x16xf32, #tpu.memory_space<vmem>>, vector<16xf32>,
    %broadcast_in_dim3A_45 = arith.constant 0.000000e+00 : f32
    %broadcast_in_dim3A_46 = vector.broadcast %broadcast_in_dim3A_45 : f32 to vector<16xf32>
    %swap3A_47 = arith.constant 7 : i32
    %swap3A_48 = arith.index_cast %swap3A_47 : i32 to index
    %swap3A_49 = arith.constant 0 : index
    %swap3A_50 = tpu.vector_load %arg16[%swap3A_48, %swap3A_49] {strides = array<i32>} : memref<80x16xf32, #tpu.memory_space<vmem>>, vector<16xf32>,
    tpu.vector_store %arg16[%swap3A_48, %swap3A_49], %broadcast_in_dim3A_46 {strides = array<i32>} : memref<80x16xf32, #tpu.memory_space<vmem>>, vector<16xf32>,
    %broadcast_in_dim3A_51 = arith.constant 0.000000e+00 : f32
    %broadcast_in_dim3A_52 = vector.broadcast %broadcast_in_dim3A_51 : f32 to vector<16xf32>
    %swap3A_53 = arith.constant 8 : i32
    %swap3A_54 = arith.index_cast %swap3A_53 : i32 to index
    %swap3A_55 = arith.constant 0 : index
    %swap3A_56 = tpu.vector_load %arg16[%swap3A_54, %swap3A_55] {strides = array<i32>} : memref<80x16xf32, #tpu.memory_space<vmem>>, vector<16xf32>,
    tpu.vector_store %arg16[%swap3A_54, %swap3A_55], %broadcast_in_dim3A_52 {strides = array<i32>} : memref<80x16xf32, #tpu.memory_space<vmem>>, vector<16xf32>,
    %broadcast_in_dim3A_57 = arith.constant 0.000000e+00 : f32
    %broadcast_in_dim3A_58 = vector.broadcast %broadcast_in_dim3A_57 : f32 to vector<16xf32>
    %swap3A_59 = arith.constant 9 : i32
    %swap3A_60 = arith.index_cast %swap3A_59 : i32 to index
    %swap3A_61 = arith.constant 0 : index
    %swap3A_62 = tpu.vector_load %arg16[%swap3A_60, %swap3A_61] {strides = array<i32>} : memref<80x16xf32, #tpu.memory_space<vmem>>, vector<16xf32>,
    tpu.vector_store %arg16[%swap3A_60, %swap3A_61], %broadcast_in_dim3A_58 {strides = array<i32>} : memref<80x16xf32, #tpu.memory_space<vmem>>, vector<16xf32>,
    %broadcast_in_dim3A_63 = arith.constant 0.000000e+00 : f32
    %broadcast_in_dim3A_64 = vector.broadcast %broadcast_in_dim3A_63 : f32 to vector<16xf32>
    %swap3A_65 = arith.constant 10 : i32
    %swap3A_66 = arith.index_cast %swap3A_65 : i32 to index
    %swap3A_67 = arith.constant 0 : index
    %swap3A_68 = tpu.vector_load %arg16[%swap3A_66, %swap3A_67] {strides = array<i32>} : memref<80x16xf32, #tpu.memory_space<vmem>>, vector<16xf32>,
    tpu.vector_store %arg16[%swap3A_66, %swap3A_67], %broadcast_in_dim3A_64 {strides = array<i32>} : memref<80x16xf32, #tpu.memory_space<vmem>>, vector<16xf32>,
    %broadcast_in_dim3A_69 = arith.constant 0.000000e+00 : f32
    %broadcast_in_dim3A_70 = vector.broadcast %broadcast_in_dim3A_69 : f32 to vector<16xf32>
    %swap3A_71 = arith.constant 11 : i32
    %swap3A_72 = arith.index_cast %swap3A_71 : i32 to index
    %swap3A_73 = arith.constant 0 : index
    %swap3A_74 = tpu.vector_load %arg16[%swap3A_72, %swap3A_73] {strides = array<i32>} : memref<80x16xf32, #tpu.memory_space<vmem>>, vector<16xf32>,
    tpu.vector_store %arg16[%swap3A_72, %swap3A_73], %broadcast_in_dim3A_70 {strides = array<i32>} : memref<80x16xf32, #tpu.memory_space<vmem>>, vector<16xf32>,
    %broadcast_in_dim3A_75 = arith.constant 0.000000e+00 : f32
    %broadcast_in_dim3A_76 = vector.broadcast %broadcast_in_dim3A_75 : f32 to vector<16xf32>
    %swap3A_77 = arith.constant 12 : i32
    %swap3A_78 = arith.index_cast %swap3A_77 : i32 to index
    %swap3A_79 = arith.constant 0 : index
    %swap3A_80 = tpu.vector_load %arg16[%swap3A_78, %swap3A_79] {strides = array<i32>} : memref<80x16xf32, #tpu.memory_space<vmem>>, vector<16xf32>,
    tpu.vector_store %arg16[%swap3A_78, %swap3A_79], %broadcast_in_dim3A_76 {strides = array<i32>} : memref<80x16xf32, #tpu.memory_space<vmem>>, vector<16xf32>,
    %broadcast_in_dim3A_81 = arith.constant 0.000000e+00 : f32
    %broadcast_in_dim3A_82 = vector.broadcast %broadcast_in_dim3A_81 : f32 to vector<16xf32>
    %swap3A_83 = arith.constant 13 : i32
    %swap3A_84 = arith.index_cast %swap3A_83 : i32 to index
    %swap3A_85 = arith.constant 0 : index
    %swap3A_86 = tpu.vector_load %arg16[%swap3A_84, %swap3A_85] {strides = array<i32>} : memref<80x16xf32, #tpu.memory_space<vmem>>, vector<16xf32>,
    tpu.vector_store %arg16[%swap3A_84, %swap3A_85], %broadcast_in_dim3A_82 {strides = array<i32>} : memref<80x16xf32, #tpu.memory_space<vmem>>, vector<16xf32>,
    %broadcast_in_dim3A_87 = arith.constant 0.000000e+00 : f32
    %broadcast_in_dim3A_88 = vector.broadcast %broadcast_in_dim3A_87 : f32 to vector<16xf32>
    %swap3A_89 = arith.constant 14 : i32
    %swap3A_90 = arith.index_cast %swap3A_89 : i32 to index
    %swap3A_91 = arith.constant 0 : index
    %swap3A_92 = tpu.vector_load %arg16[%swap3A_90, %swap3A_91] {strides = array<i32>} : memref<80x16xf32, #tpu.memory_space<vmem>>, vector<16xf32>,
    tpu.vector_store %arg16[%swap3A_90, %swap3A_91], %broadcast_in_dim3A_88 {strides = array<i32>} : memref<80x16xf32, #tpu.memory_space<vmem>>, vector<16xf32>,
    %broadcast_in_dim3A_93 = arith.constant 0.000000e+00 : f32
    %broadcast_in_dim3A_94 = vector.broadcast %broadcast_in_dim3A_93 : f32 to vector<16xf32>
    %swap3A_95 = arith.constant 15 : i32
    %swap3A_96 = arith.index_cast %swap3A_95 : i32 to index
    %swap3A_97 = arith.constant 0 : index
    %swap3A_98 = tpu.vector_load %arg16[%swap3A_96, %swap3A_97] {strides = array<i32>} : memref<80x16xf32, #tpu.memory_space<vmem>>, vector<16xf32>,
    tpu.vector_store %arg16[%swap3A_96, %swap3A_97], %broadcast_in_dim3A_94 {strides = array<i32>} : memref<80x16xf32, #tpu.memory_space<vmem>>, vector<16xf32>,
    %broadcast_in_dim3A_99 = arith.constant 0.000000e+00 : f32
    %broadcast_in_dim3A_100 = vector.broadcast %broadcast_in_dim3A_99 : f32 to vector<16xf32>
    %swap3A_101 = arith.constant 16 : i32
    %swap3A_102 = arith.index_cast %swap3A_101 : i32 to index
    %swap3A_103 = arith.constant 0 : index
    %swap3A_104 = tpu.vector_load %arg16[%swap3A_102, %swap3A_103] {strides = array<i32>} : memref<80x16xf32, #tpu.memory_space<vmem>>, vector<16xf32>,
    tpu.vector_store %arg16[%swap3A_102, %swap3A_103], %broadcast_in_dim3A_100 {strides = array<i32>} : memref<80x16xf32, #tpu.memory_space<vmem>>, vector<16xf32>,
    %broadcast_in_dim3A_105 = arith.constant 0.000000e+00 : f32
    %broadcast_in_dim3A_106 = vector.broadcast %broadcast_in_dim3A_105 : f32 to vector<16xf32>
    %swap3A_107 = arith.constant 17 : i32
    %swap3A_108 = arith.index_cast %swap3A_107 : i32 to index
    %swap3A_109 = arith.constant 0 : index
    %swap3A_110 = tpu.vector_load %arg16[%swap3A_108, %swap3A_109] {strides = array<i32>} : memref<80x16xf32, #tpu.memory_space<vmem>>, vector<16xf32>,
    tpu.vector_store %arg16[%swap3A_108, %swap3A_109], %broadcast_in_dim3A_106 {strides = array<i32>} : memref<80x16xf32, #tpu.memory_space<vmem>>, vector<16xf32>,
    %broadcast_in_dim3A_111 = arith.constant 0.000000e+00 : f32
    %broadcast_in_dim3A_112 = vector.broadcast %broadcast_in_dim3A_111 : f32 to vector<16xf32>
    %swap3A_113 = arith.constant 18 : i32
    %swap3A_114 = arith.index_cast %swap3A_113 : i32 to index
    %swap3A_115 = arith.constant 0 : index
    %swap3A_116 = tpu.vector_load %arg16[%swap3A_114, %swap3A_115] {strides = array<i32>} : memref<80x16xf32, #tpu.memory_space<vmem>>, vector<16xf32>,
    tpu.vector_store %arg16[%swap3A_114, %swap3A_115], %broadcast_in_dim3A_112 {strides = array<i32>} : memref<80x16xf32, #tpu.memory_space<vmem>>, vector<16xf32>,
    %broadcast_in_dim3A_117 = arith.constant 0.000000e+00 : f32
    %broadcast_in_dim3A_118 = vector.broadcast %broadcast_in_dim3A_117 : f32 to vector<16xf32>
    %swap3A_119 = arith.constant 19 : i32
    %swap3A_120 = arith.index_cast %swap3A_119 : i32 to index
    %swap3A_121 = arith.constant 0 : index
    %swap3A_122 = tpu.vector_load %arg16[%swap3A_120, %swap3A_121] {strides = array<i32>} : memref<80x16xf32, #tpu.memory_space<vmem>>, vector<16xf32>,
    tpu.vector_store %arg16[%swap3A_120, %swap3A_121], %broadcast_in_dim3A_118 {strides = array<i32>} : memref<80x16xf32, #tpu.memory_space<vmem>>, vector<16xf32>,
    %broadcast_in_dim3A_123 = arith.constant 0.000000e+00 : f32
    %broadcast_in_dim3A_124 = vector.broadcast %broadcast_in_dim3A_123 : f32 to vector<16xf32>
    %swap3A_125 = arith.constant 20 : i32
    %swap3A_126 = arith.index_cast %swap3A_125 : i32 to index
    %swap3A_127 = arith.constant 0 : index
    %swap3A_128 = tpu.vector_load %arg16[%swap3A_126, %swap3A_127] {strides = array<i32>} : memref<80x16xf32, #tpu.memory_space<vmem>>, vector<16xf32>,
    tpu.vector_store %arg16[%swap3A_126, %swap3A_127], %broadcast_in_dim3A_124 {strides = array<i32>} : memref<80x16xf32, #tpu.memory_space<vmem>>, vector<16xf32>,
    %broadcast_in_dim3A_129 = arith.constant 0.000000e+00 : f32
    %broadcast_in_dim3A_130 = vector.broadcast %broadcast_in_dim3A_129 : f32 to vector<16xf32>
    %swap3A_131 = arith.constant 21 : i32
    %swap3A_132 = arith.index_cast %swap3A_131 : i32 to index
    %swap3A_133 = arith.constant 0 : index
    %swap3A_134 = tpu.vector_load %arg16[%swap3A_132, %swap3A_133] {strides = array<i32>} : memref<80x16xf32, #tpu.memory_space<vmem>>, vector<16xf32>,
    tpu.vector_store %arg16[%swap3A_132, %swap3A_133], %broadcast_in_dim3A_130 {strides = array<i32>} : memref<80x16xf32, #tpu.memory_space<vmem>>, vector<16xf32>,
    %broadcast_in_dim3A_135 = arith.constant 0.000000e+00 : f32
    %broadcast_in_dim3A_136 = vector.broadcast %broadcast_in_dim3A_135 : f32 to vector<16xf32>
    %swap3A_137 = arith.constant 22 : i32
    %swap3A_138 = arith.index_cast %swap3A_137 : i32 to index
    %swap3A_139 = arith.constant 0 : index
    %swap3A_140 = tpu.vector_load %arg16[%swap3A_138, %swap3A_139] {strides = array<i32>} : memref<80x16xf32, #tpu.memory_space<vmem>>, vector<16xf32>,
    tpu.vector_store %arg16[%swap3A_138, %swap3A_139], %broadcast_in_dim3A_136 {strides = array<i32>} : memref<80x16xf32, #tpu.memory_space<vmem>>, vector<16xf32>,
    %broadcast_in_dim3A_141 = arith.constant 0.000000e+00 : f32
    %broadcast_in_dim3A_142 = vector.broadcast %broadcast_in_dim3A_141 : f32 to vector<16xf32>
    %swap3A_143 = arith.constant 23 : i32
    %swap3A_144 = arith.index_cast %swap3A_143 : i32 to index
    %swap3A_145 = arith.constant 0 : index
    %swap3A_146 = tpu.vector_load %arg16[%swap3A_144, %swap3A_145] {strides = array<i32>} : memref<80x16xf32, #tpu.memory_space<vmem>>, vector<16xf32>,
    tpu.vector_store %arg16[%swap3A_144, %swap3A_145], %broadcast_in_dim3A_142 {strides = array<i32>} : memref<80x16xf32, #tpu.memory_space<vmem>>, vector<16xf32>,
    %broadcast_in_dim3A_147 = arith.constant 0.000000e+00 : f32
    %broadcast_in_dim3A_148 = vector.broadcast %broadcast_in_dim3A_147 : f32 to vector<16xf32>
    %swap3A_149 = arith.constant 24 : i32
    %swap3A_150 = arith.index_cast %swap3A_149 : i32 to index
    %swap3A_151 = arith.constant 0 : index
    %swap3A_152 = tpu.vector_load %arg16[%swap3A_150, %swap3A_151] {strides = array<i32>} : memref<80x16xf32, #tpu.memory_space<vmem>>, vector<16xf32>,
    tpu.vector_store %arg16[%swap3A_150, %swap3A_151], %broadcast_in_dim3A_148 {strides = array<i32>} : memref<80x16xf32, #tpu.memory_space<vmem>>, vector<16xf32>,
    %broadcast_in_dim3A_153 = arith.constant 0.000000e+00 : f32
    %broadcast_in_dim3A_154 = vector.broadcast %broadcast_in_dim3A_153 : f32 to vector<16xf32>
    %swap3A_155 = arith.constant 25 : i32
    %swap3A_156 = arith.index_cast %swap3A_155 : i32 to index
    %swap3A_157 = arith.constant 0 : index
    %swap3A_158 = tpu.vector_load %arg16[%swap3A_156, %swap3A_157] {strides = array<i32>} : memref<80x16xf32, #tpu.memory_space<vmem>>, vector<16xf32>,
    tpu.vector_store %arg16[%swap3A_156, %swap3A_157], %broadcast_in_dim3A_154 {strides = array<i32>} : memref<80x16xf32, #tpu.memory_space<vmem>>, vector<16xf32>,
    %broadcast_in_dim3A_159 = arith.constant 0.000000e+00 : f32
    %broadcast_in_dim3A_160 = vector.broadcast %broadcast_in_dim3A_159 : f32 to vector<16xf32>
    %swap3A_161 = arith.constant 26 : i32
    %swap3A_162 = arith.index_cast %swap3A_161 : i32 to index
    %swap3A_163 = arith.constant 0 : index
    %swap3A_164 = tpu.vector_load %arg16[%swap3A_162, %swap3A_163] {strides = array<i32>} : memref<80x16xf32, #tpu.memory_space<vmem>>, vector<16xf32>,
    tpu.vector_store %arg16[%swap3A_162, %swap3A_163], %broadcast_in_dim3A_160 {strides = array<i32>} : memref<80x16xf32, #tpu.memory_space<vmem>>, vector<16xf32>,
    %broadcast_in_dim3A_165 = arith.constant 0.000000e+00 : f32
    %broadcast_in_dim3A_166 = vector.broadcast %broadcast_in_dim3A_165 : f32 to vector<16xf32>
    %swap3A_167 = arith.constant 27 : i32
    %swap3A_168 = arith.index_cast %swap3A_167 : i32 to index
    %swap3A_169 = arith.constant 0 : index
    %swap3A_170 = tpu.vector_load %arg16[%swap3A_168, %swap3A_169] {strides = array<i32>} : memref<80x16xf32, #tpu.memory_space<vmem>>, vector<16xf32>,
    tpu.vector_store %arg16[%swap3A_168, %swap3A_169], %broadcast_in_dim3A_166 {strides = array<i32>} : memref<80x16xf32, #tpu.memory_space<vmem>>, vector<16xf32>,
    %broadcast_in_dim3A_171 = arith.constant 0.000000e+00 : f32
    %broadcast_in_dim3A_172 = vector.broadcast %broadcast_in_dim3A_171 : f32 to vector<16xf32>
    %swap3A_173 = arith.constant 28 : i32
    %swap3A_174 = arith.index_cast %swap3A_173 : i32 to index
    %swap3A_175 = arith.constant 0 : index
    %swap3A_176 = tpu.vector_load %arg16[%swap3A_174, %swap3A_175] {strides = array<i32>} : memref<80x16xf32, #tpu.memory_space<vmem>>, vector<16xf32>,
    tpu.vector_store %arg16[%swap3A_174, %swap3A_175], %broadcast_in_dim3A_172 {strides = array<i32>} : memref<80x16xf32, #tpu.memory_space<vmem>>, vector<16xf32>,
    %broadcast_in_dim3A_177 = arith.constant 0.000000e+00 : f32
    %broadcast_in_dim3A_178 = vector.broadcast %broadcast_in_dim3A_177 : f32 to vector<16xf32>
    %swap3A_179 = arith.constant 29 : i32
    %swap3A_180 = arith.index_cast %swap3A_179 : i32 to index
    %swap3A_181 = arith.constant 0 : index
    %swap3A_182 = tpu.vector_load %arg16[%swap3A_180, %swap3A_181] {strides = array<i32>} : memref<80x16xf32, #tpu.memory_space<vmem>>, vector<16xf32>,
    tpu.vector_store %arg16[%swap3A_180, %swap3A_181], %broadcast_in_dim3A_178 {strides = array<i32>} : memref<80x16xf32, #tpu.memory_space<vmem>>, vector<16xf32>,
    %broadcast_in_dim3A_183 = arith.constant 0.000000e+00 : f32
    %broadcast_in_dim3A_184 = vector.broadcast %broadcast_in_dim3A_183 : f32 to vector<16xf32>
    %swap3A_185 = arith.constant 30 : i32
    %swap3A_186 = arith.index_cast %swap3A_185 : i32 to index
    %swap3A_187 = arith.constant 0 : index
    %swap3A_188 = tpu.vector_load %arg16[%swap3A_186, %swap3A_187] {strides = array<i32>} : memref<80x16xf32, #tpu.memory_space<vmem>>, vector<16xf32>,
    tpu.vector_store %arg16[%swap3A_186, %swap3A_187], %broadcast_in_dim3A_184 {strides = array<i32>} : memref<80x16xf32, #tpu.memory_space<vmem>>, vector<16xf32>,
    %broadcast_in_dim3A_189 = arith.constant 0.000000e+00 : f32
    %broadcast_in_dim3A_190 = vector.broadcast %broadcast_in_dim3A_189 : f32 to vector<16xf32>
    %swap3A_191 = arith.constant 31 : i32
    %swap3A_192 = arith.index_cast %swap3A_191 : i32 to index
    %swap3A_193 = arith.constant 0 : index
    %swap3A_194 = tpu.vector_load %arg16[%swap3A_192, %swap3A_193] {strides = array<i32>} : memref<80x16xf32, #tpu.memory_space<vmem>>, vector<16xf32>,
    tpu.vector_store %arg16[%swap3A_192, %swap3A_193], %broadcast_in_dim3A_190 {strides = array<i32>} : memref<80x16xf32, #tpu.memory_space<vmem>>, vector<16xf32>,
    %broadcast_in_dim3A_195 = arith.constant 0.000000e+00 : f32
    %broadcast_in_dim3A_196 = vector.broadcast %broadcast_in_dim3A_195 : f32 to vector<16xf32>
    %swap3A_197 = arith.constant 32 : i32
    %swap3A_198 = arith.index_cast %swap3A_197 : i32 to index
    %swap3A_199 = arith.constant 0 : index
    %swap3A_200 = tpu.vector_load %arg16[%swap3A_198, %swap3A_199] {strides = array<i32>} : memref<80x16xf32, #tpu.memory_space<vmem>>, vector<16xf32>,
    tpu.vector_store %arg16[%swap3A_198, %swap3A_199], %broadcast_in_dim3A_196 {strides = array<i32>} : memref<80x16xf32, #tpu.memory_space<vmem>>, vector<16xf32>,
    %broadcast_in_dim3A_201 = arith.constant 0.000000e+00 : f32
    %broadcast_in_dim3A_202 = vector.broadcast %broadcast_in_dim3A_201 : f32 to vector<16xf32>
    %swap3A_203 = arith.constant 33 : i32
    %swap3A_204 = arith.index_cast %swap3A_203 : i32 to index
    %swap3A_205 = arith.constant 0 : index
    %swap3A_206 = tpu.vector_load %arg16[%swap3A_204, %swap3A_205] {strides = array<i32>} : memref<80x16xf32, #tpu.memory_space<vmem>>, vector<16xf32>,
    tpu.vector_store %arg16[%swap3A_204, %swap3A_205], %broadcast_in_dim3A_202 {strides = array<i32>} : memref<80x16xf32, #tpu.memory_space<vmem>>, vector<16xf32>,
    %broadcast_in_dim3A_207 = arith.constant 0.000000e+00 : f32
    %broadcast_in_dim3A_208 = vector.broadcast %broadcast_in_dim3A_207 : f32 to vector<16xf32>
    %swap3A_209 = arith.constant 34 : i32
    %swap3A_210 = arith.index_cast %swap3A_209 : i32 to index
    %swap3A_211 = arith.constant 0 : index
    %swap3A_212 = tpu.vector_load %arg16[%swap3A_210, %swap3A_211] {strides = array<i32>} : memref<80x16xf32, #tpu.memory_space<vmem>>, vector<16xf32>,
    tpu.vector_store %arg16[%swap3A_210, %swap3A_211], %broadcast_in_dim3A_208 {strides = array<i32>} : memref<80x16xf32, #tpu.memory_space<vmem>>, vector<16xf32>,
    %broadcast_in_dim3A_213 = arith.constant 0.000000e+00 : f32
    %broadcast_in_dim3A_214 = vector.broadcast %broadcast_in_dim3A_213 : f32 to vector<16xf32>
    %swap3A_215 = arith.constant 35 : i32
    %swap3A_216 = arith.index_cast %swap3A_215 : i32 to index
    %swap3A_217 = arith.constant 0 : index
    %swap3A_218 = tpu.vector_load %arg16[%swap3A_216, %swap3A_217] {strides = array<i32>} : memref<80x16xf32, #tpu.memory_space<vmem>>, vector<16xf32>,
    tpu.vector_store %arg16[%swap3A_216, %swap3A_217], %broadcast_in_dim3A_214 {strides = array<i32>} : memref<80x16xf32, #tpu.memory_space<vmem>>, vector<16xf32>,
    %broadcast_in_dim3A_219 = arith.constant 0.000000e+00 : f32
    %broadcast_in_dim3A_220 = vector.broadcast %broadcast_in_dim3A_219 : f32 to vector<16xf32>
    %swap3A_221 = arith.constant 36 : i32
    %swap3A_222 = arith.index_cast %swap3A_221 : i32 to index
    %swap3A_223 = arith.constant 0 : index
    %swap3A_224 = tpu.vector_load %arg16[%swap3A_222, %swap3A_223] {strides = array<i32>} : memref<80x16xf32, #tpu.memory_space<vmem>>, vector<16xf32>,
    tpu.vector_store %arg16[%swap3A_222, %swap3A_223], %broadcast_in_dim3A_220 {strides = array<i32>} : memref<80x16xf32, #tpu.memory_space<vmem>>, vector<16xf32>,
    %broadcast_in_dim3A_225 = arith.constant 0.000000e+00 : f32
    %broadcast_in_dim3A_226 = vector.broadcast %broadcast_in_dim3A_225 : f32 to vector<16xf32>
    %swap3A_227 = arith.constant 37 : i32
    %swap3A_228 = arith.index_cast %swap3A_227 : i32 to index
    %swap3A_229 = arith.constant 0 : index
    %swap3A_230 = tpu.vector_load %arg16[%swap3A_228, %swap3A_229] {strides = array<i32>} : memref<80x16xf32, #tpu.memory_space<vmem>>, vector<16xf32>,
    tpu.vector_store %arg16[%swap3A_228, %swap3A_229], %broadcast_in_dim3A_226 {strides = array<i32>} : memref<80x16xf32, #tpu.memory_space<vmem>>, vector<16xf32>,
    %broadcast_in_dim3A_231 = arith.constant 0.000000e+00 : f32
    %broadcast_in_dim3A_232 = vector.broadcast %broadcast_in_dim3A_231 : f32 to vector<16xf32>
    %swap3A_233 = arith.constant 38 : i32
    %swap3A_234 = arith.index_cast %swap3A_233 : i32 to index
    %swap3A_235 = arith.constant 0 : index
    %swap3A_236 = tpu.vector_load %arg16[%swap3A_234, %swap3A_235] {strides = array<i32>} : memref<80x16xf32, #tpu.memory_space<vmem>>, vector<16xf32>,
    tpu.vector_store %arg16[%swap3A_234, %swap3A_235], %broadcast_in_dim3A_232 {strides = array<i32>} : memref<80x16xf32, #tpu.memory_space<vmem>>, vector<16xf32>,
    %broadcast_in_dim3A_237 = arith.constant 0.000000e+00 : f32
    %broadcast_in_dim3A_238 = vector.broadcast %broadcast_in_dim3A_237 : f32 to vector<16xf32>
    %swap3A_239 = arith.constant 39 : i32
    %swap3A_240 = arith.index_cast %swap3A_239 : i32 to index
    %swap3A_241 = arith.constant 0 : index
    %swap3A_242 = tpu.vector_load %arg16[%swap3A_240, %swap3A_241] {strides = array<i32>} : memref<80x16xf32, #tpu.memory_space<vmem>>, vector<16xf32>,
    tpu.vector_store %arg16[%swap3A_240, %swap3A_241], %broadcast_in_dim3A_238 {strides = array<i32>} : memref<80x16xf32, #tpu.memory_space<vmem>>, vector<16xf32>,
    %broadcast_in_dim3A_243 = arith.constant 0.000000e+00 : f32
    %broadcast_in_dim3A_244 = vector.broadcast %broadcast_in_dim3A_243 : f32 to vector<16xf32>
    %swap3A_245 = arith.constant 40 : i32
    %swap3A_246 = arith.index_cast %swap3A_245 : i32 to index
    %swap3A_247 = arith.constant 0 : index
    %swap3A_248 = tpu.vector_load %arg16[%swap3A_246, %swap3A_247] {strides = array<i32>} : memref<80x16xf32, #tpu.memory_space<vmem>>, vector<16xf32>,
    tpu.vector_store %arg16[%swap3A_246, %swap3A_247], %broadcast_in_dim3A_244 {strides = array<i32>} : memref<80x16xf32, #tpu.memory_space<vmem>>, vector<16xf32>,
    %broadcast_in_dim3A_249 = arith.constant 0.000000e+00 : f32
    %broadcast_in_dim3A_250 = vector.broadcast %broadcast_in_dim3A_249 : f32 to vector<16xf32>
    %swap3A_251 = arith.constant 41 : i32
    %swap3A_252 = arith.index_cast %swap3A_251 : i32 to index
    %swap3A_253 = arith.constant 0 : index
    %swap3A_254 = tpu.vector_load %arg16[%swap3A_252, %swap3A_253] {strides = array<i32>} : memref<80x16xf32, #tpu.memory_space<vmem>>, vector<16xf32>,
    tpu.vector_store %arg16[%swap3A_252, %swap3A_253], %broadcast_in_dim3A_250 {strides = array<i32>} : memref<80x16xf32, #tpu.memory_space<vmem>>, vector<16xf32>,
    %broadcast_in_dim3A_255 = arith.constant 0.000000e+00 : f32
    %broadcast_in_dim3A_256 = vector.broadcast %broadcast_in_dim3A_255 : f32 to vector<16xf32>
    %swap3A_257 = arith.constant 42 : i32
    %swap3A_258 = arith.index_cast %swap3A_257 : i32 to index
    %swap3A_259 = arith.constant 0 : index
    %swap3A_260 = tpu.vector_load %arg16[%swap3A_258, %swap3A_259] {strides = array<i32>} : memref<80x16xf32, #tpu.memory_space<vmem>>, vector<16xf32>,
    tpu.vector_store %arg16[%swap3A_258, %swap3A_259], %broadcast_in_dim3A_256 {strides = array<i32>} : memref<80x16xf32, #tpu.memory_space<vmem>>, vector<16xf32>,
    %broadcast_in_dim3A_261 = arith.constant 0.000000e+00 : f32
    %broadcast_in_dim3A_262 = vector.broadcast %broadcast_in_dim3A_261 : f32 to vector<16xf32>
    %swap3A_263 = arith.constant 43 : i32
    %swap3A_264 = arith.index_cast %swap3A_263 : i32 to index
    %swap3A_265 = arith.constant 0 : index
    %swap3A_266 = tpu.vector_load %arg16[%swap3A_264, %swap3A_265] {strides = array<i32>} : memref<80x16xf32, #tpu.memory_space<vmem>>, vector<16xf32>,
    tpu.vector_store %arg16[%swap3A_264, %swap3A_265], %broadcast_in_dim3A_262 {strides = array<i32>} : memref<80x16xf32, #tpu.memory_space<vmem>>, vector<16xf32>,
    %broadcast_in_dim3A_267 = arith.constant 0.000000e+00 : f32
    %broadcast_in_dim3A_268 = vector.broadcast %broadcast_in_dim3A_267 : f32 to vector<16xf32>
    %swap3A_269 = arith.constant 44 : i32
    %swap3A_270 = arith.index_cast %swap3A_269 : i32 to index
    %swap3A_271 = arith.constant 0 : index
    %swap3A_272 = tpu.vector_load %arg16[%swap3A_270, %swap3A_271] {strides = array<i32>} : memref<80x16xf32, #tpu.memory_space<vmem>>, vector<16xf32>,
    tpu.vector_store %arg16[%swap3A_270, %swap3A_271], %broadcast_in_dim3A_268 {strides = array<i32>} : memref<80x16xf32, #tpu.memory_space<vmem>>, vector<16xf32>,
    %broadcast_in_dim3A_273 = arith.constant 0.000000e+00 : f32
    %broadcast_in_dim3A_274 = vector.broadcast %broadcast_in_dim3A_273 : f32 to vector<16xf32>
    %swap3A_275 = arith.constant 45 : i32
    %swap3A_276 = arith.index_cast %swap3A_275 : i32 to index
    %swap3A_277 = arith.constant 0 : index
    %swap3A_278 = tpu.vector_load %arg16[%swap3A_276, %swap3A_277] {strides = array<i32>} : memref<80x16xf32, #tpu.memory_space<vmem>>, vector<16xf32>,
    tpu.vector_store %arg16[%swap3A_276, %swap3A_277], %broadcast_in_dim3A_274 {strides = array<i32>} : memref<80x16xf32, #tpu.memory_space<vmem>>, vector<16xf32>,
    %broadcast_in_dim3A_279 = arith.constant 0.000000e+00 : f32
    %broadcast_in_dim3A_280 = vector.broadcast %broadcast_in_dim3A_279 : f32 to vector<16xf32>
    %swap3A_281 = arith.constant 46 : i32
    %swap3A_282 = arith.index_cast %swap3A_281 : i32 to index
    %swap3A_283 = arith.constant 0 : index
    %swap3A_284 = tpu.vector_load %arg16[%swap3A_282, %swap3A_283] {strides = array<i32>} : memref<80x16xf32, #tpu.memory_space<vmem>>, vector<16xf32>,
    tpu.vector_store %arg16[%swap3A_282, %swap3A_283], %broadcast_in_dim3A_280 {strides = array<i32>} : memref<80x16xf32, #tpu.memory_space<vmem>>, vector<16xf32>,
    %broadcast_in_dim3A_285 = arith.constant 0.000000e+00 : f32
    %broadcast_in_dim3A_286 = vector.broadcast %broadcast_in_dim3A_285 : f32 to vector<16xf32>
    %swap3A_287 = arith.constant 47 : i32
    %swap3A_288 = arith.index_cast %swap3A_287 : i32 to index
    %swap3A_289 = arith.constant 0 : index
    %swap3A_290 = tpu.vector_load %arg16[%swap3A_288, %swap3A_289] {strides = array<i32>} : memref<80x16xf32, #tpu.memory_space<vmem>>, vector<16xf32>,
    tpu.vector_store %arg16[%swap3A_288, %swap3A_289], %broadcast_in_dim3A_286 {strides = array<i32>} : memref<80x16xf32, #tpu.memory_space<vmem>>, vector<16xf32>,
    %broadcast_in_dim3A_291 = arith.constant 0.000000e+00 : f32
    %broadcast_in_dim3A_292 = vector.broadcast %broadcast_in_dim3A_291 : f32 to vector<16xf32>
    %swap3A_293 = arith.constant 48 : i32
    %swap3A_294 = arith.index_cast %swap3A_293 : i32 to index
    %swap3A_295 = arith.constant 0 : index
    %swap3A_296 = tpu.vector_load %arg16[%swap3A_294, %swap3A_295] {strides = array<i32>} : memref<80x16xf32, #tpu.memory_space<vmem>>, vector<16xf32>,
    tpu.vector_store %arg16[%swap3A_294, %swap3A_295], %broadcast_in_dim3A_292 {strides = array<i32>} : memref<80x16xf32, #tpu.memory_space<vmem>>, vector<16xf32>,
    %broadcast_in_dim3A_297 = arith.constant 0.000000e+00 : f32
    %broadcast_in_dim3A_298 = vector.broadcast %broadcast_in_dim3A_297 : f32 to vector<16xf32>
    %swap3A_299 = arith.constant 49 : i32
    %swap3A_300 = arith.index_cast %swap3A_299 : i32 to index
    %swap3A_301 = arith.constant 0 : index
    %swap3A_302 = tpu.vector_load %arg16[%swap3A_300, %swap3A_301] {strides = array<i32>} : memref<80x16xf32, #tpu.memory_space<vmem>>, vector<16xf32>,
    tpu.vector_store %arg16[%swap3A_300, %swap3A_301], %broadcast_in_dim3A_298 {strides = array<i32>} : memref<80x16xf32, #tpu.memory_space<vmem>>, vector<16xf32>,
    %broadcast_in_dim3A_303 = arith.constant 0.000000e+00 : f32
    %broadcast_in_dim3A_304 = vector.broadcast %broadcast_in_dim3A_303 : f32 to vector<16xf32>
    %swap3A_305 = arith.constant 50 : i32
    %swap3A_306 = arith.index_cast %swap3A_305 : i32 to index
    %swap3A_307 = arith.constant 0 : index
    %swap3A_308 = tpu.vector_load %arg16[%swap3A_306, %swap3A_307] {strides = array<i32>} : memref<80x16xf32, #tpu.memory_space<vmem>>, vector<16xf32>,
    tpu.vector_store %arg16[%swap3A_306, %swap3A_307], %broadcast_in_dim3A_304 {strides = array<i32>} : memref<80x16xf32, #tpu.memory_space<vmem>>, vector<16xf32>,
    %broadcast_in_dim3A_309 = arith.constant 0.000000e+00 : f32
    %broadcast_in_dim3A_310 = vector.broadcast %broadcast_in_dim3A_309 : f32 to vector<16xf32>
    %swap3A_311 = arith.constant 51 : i32
    %swap3A_312 = arith.index_cast %swap3A_311 : i32 to index
    %swap3A_313 = arith.constant 0 : index
    %swap3A_314 = tpu.vector_load %arg16[%swap3A_312, %swap3A_313] {strides = array<i32>} : memref<80x16xf32, #tpu.memory_space<vmem>>, vector<16xf32>,
    tpu.vector_store %arg16[%swap3A_312, %swap3A_313], %broadcast_in_dim3A_310 {strides = array<i32>} : memref<80x16xf32, #tpu.memory_space<vmem>>, vector<16xf32>,
    %broadcast_in_dim3A_315 = arith.constant 0.000000e+00 : f32
    %broadcast_in_dim3A_316 = vector.broadcast %broadcast_in_dim3A_315 : f32 to vector<16xf32>
    %swap3A_317 = arith.constant 52 : i32
    %swap3A_318 = arith.index_cast %swap3A_317 : i32 to index
    %swap3A_319 = arith.constant 0 : index
    %swap3A_320 = tpu.vector_load %arg16[%swap3A_318, %swap3A_319] {strides = array<i32>} : memref<80x16xf32, #tpu.memory_space<vmem>>, vector<16xf32>,
    tpu.vector_store %arg16[%swap3A_318, %swap3A_319], %broadcast_in_dim3A_316 {strides = array<i32>} : memref<80x16xf32, #tpu.memory_space<vmem>>, vector<16xf32>,
    %broadcast_in_dim3A_321 = arith.constant 0.000000e+00 : f32
    %broadcast_in_dim3A_322 = vector.broadcast %broadcast_in_dim3A_321 : f32 to vector<16xf32>
    %swap3A_323 = arith.constant 53 : i32
    %swap3A_324 = arith.index_cast %swap3A_323 : i32 to index
    %swap3A_325 = arith.constant 0 : index
    %swap3A_326 = tpu.vector_load %arg16[%swap3A_324, %swap3A_325] {strides = array<i32>} : memref<80x16xf32, #tpu.memory_space<vmem>>, vector<16xf32>,
    tpu.vector_store %arg16[%swap3A_324, %swap3A_325], %broadcast_in_dim3A_322 {strides = array<i32>} : memref<80x16xf32, #tpu.memory_space<vmem>>, vector<16xf32>,
    %broadcast_in_dim3A_327 = arith.constant 0.000000e+00 : f32
    %broadcast_in_dim3A_328 = vector.broadcast %broadcast_in_dim3A_327 : f32 to vector<16xf32>
    %swap3A_329 = arith.constant 54 : i32
    %swap3A_330 = arith.index_cast %swap3A_329 : i32 to index
    %swap3A_331 = arith.constant 0 : index
    %swap3A_332 = tpu.vector_load %arg16[%swap3A_330, %swap3A_331] {strides = array<i32>} : memref<80x16xf32, #tpu.memory_space<vmem>>, vector<16xf32>,
    tpu.vector_store %arg16[%swap3A_330, %swap3A_331], %broadcast_in_dim3A_328 {strides = array<i32>} : memref<80x16xf32, #tpu.memory_space<vmem>>, vector<16xf32>,
    %broadcast_in_dim3A_333 = arith.constant 0.000000e+00 : f32
    %broadcast_in_dim3A_334 = vector.broadcast %broadcast_in_dim3A_333 : f32 to vector<16xf32>
    %swap3A_335 = arith.constant 55 : i32
    %swap3A_336 = arith.index_cast %swap3A_335 : i32 to index
    %swap3A_337 = arith.constant 0 : index
    %swap3A_338 = tpu.vector_load %arg16[%swap3A_336, %swap3A_337] {strides = array<i32>} : memref<80x16xf32, #tpu.memory_space<vmem>>, vector<16xf32>,
    tpu.vector_store %arg16[%swap3A_336, %swap3A_337], %broadcast_in_dim3A_334 {strides = array<i32>} : memref<80x16xf32, #tpu.memory_space<vmem>>, vector<16xf32>,
    %broadcast_in_dim3A_339 = arith.constant 0.000000e+00 : f32
    %broadcast_in_dim3A_340 = vector.broadcast %broadcast_in_dim3A_339 : f32 to vector<16xf32>
    %swap3A_341 = arith.constant 56 : i32
    %swap3A_342 = arith.index_cast %swap3A_341 : i32 to index
    %swap3A_343 = arith.constant 0 : index
    %swap3A_344 = tpu.vector_load %arg16[%swap3A_342, %swap3A_343] {strides = array<i32>} : memref<80x16xf32, #tpu.memory_space<vmem>>, vector<16xf32>,
    tpu.vector_store %arg16[%swap3A_342, %swap3A_343], %broadcast_in_dim3A_340 {strides = array<i32>} : memref<80x16xf32, #tpu.memory_space<vmem>>, vector<16xf32>,
    %broadcast_in_dim3A_345 = arith.constant 0.000000e+00 : f32
    %broadcast_in_dim3A_346 = vector.broadcast %broadcast_in_dim3A_345 : f32 to vector<16xf32>
    %swap3A_347 = arith.constant 57 : i32
    %swap3A_348 = arith.index_cast %swap3A_347 : i32 to index
    %swap3A_349 = arith.constant 0 : index
    %swap3A_350 = tpu.vector_load %arg16[%swap3A_348, %swap3A_349] {strides = array<i32>} : memref<80x16xf32, #tpu.memory_space<vmem>>, vector<16xf32>,
    tpu.vector_store %arg16[%swap3A_348, %swap3A_349], %broadcast_in_dim3A_346 {strides = array<i32>} : memref<80x16xf32, #tpu.memory_space<vmem>>, vector<16xf32>,
    %broadcast_in_dim3A_351 = arith.constant 0.000000e+00 : f32
    %broadcast_in_dim3A_352 = vector.broadcast %broadcast_in_dim3A_351 : f32 to vector<16xf32>
    %swap3A_353 = arith.constant 58 : i32
    %swap3A_354 = arith.index_cast %swap3A_353 : i32 to index
    %swap3A_355 = arith.constant 0 : index
    %swap3A_356 = tpu.vector_load %arg16[%swap3A_354, %swap3A_355] {strides = array<i32>} : memref<80x16xf32, #tpu.memory_space<vmem>>, vector<16xf32>,
    tpu.vector_store %arg16[%swap3A_354, %swap3A_355], %broadcast_in_dim3A_352 {strides = array<i32>} : memref<80x16xf32, #tpu.memory_space<vmem>>, vector<16xf32>,
    %broadcast_in_dim3A_357 = arith.constant 0.000000e+00 : f32
    %broadcast_in_dim3A_358 = vector.broadcast %broadcast_in_dim3A_357 : f32 to vector<16xf32>
    %swap3A_359 = arith.constant 59 : i32
    %swap3A_360 = arith.index_cast %swap3A_359 : i32 to index
    %swap3A_361 = arith.constant 0 : index
    %swap3A_362 = tpu.vector_load %arg16[%swap3A_360, %swap3A_361] {strides = array<i32>} : memref<80x16xf32, #tpu.memory_space<vmem>>, vector<16xf32>,
    tpu.vector_store %arg16[%swap3A_360, %swap3A_361], %broadcast_in_dim3A_358 {strides = array<i32>} : memref<80x16xf32, #tpu.memory_space<vmem>>, vector<16xf32>,
    %broadcast_in_dim3A_363 = arith.constant 0.000000e+00 : f32
    %broadcast_in_dim3A_364 = vector.broadcast %broadcast_in_dim3A_363 : f32 to vector<16xf32>
    %swap3A_365 = arith.constant 60 : i32
    %swap3A_366 = arith.index_cast %swap3A_365 : i32 to index
    %swap3A_367 = arith.constant 0 : index
    %swap3A_368 = tpu.vector_load %arg16[%swap3A_366, %swap3A_367] {strides = array<i32>} : memref<80x16xf32, #tpu.memory_space<vmem>>, vector<16xf32>,
    tpu.vector_store %arg16[%swap3A_366, %swap3A_367], %broadcast_in_dim3A_364 {strides = array<i32>} : memref<80x16xf32, #tpu.memory_space<vmem>>, vector<16xf32>,
    %broadcast_in_dim3A_369 = arith.constant 0.000000e+00 : f32
    %broadcast_in_dim3A_370 = vector.broadcast %broadcast_in_dim3A_369 : f32 to vector<16xf32>
    %swap3A_371 = arith.constant 61 : i32
    %swap3A_372 = arith.index_cast %swap3A_371 : i32 to index
    %swap3A_373 = arith.constant 0 : index
    %swap3A_374 = tpu.vector_load %arg16[%swap3A_372, %swap3A_373] {strides = array<i32>} : memref<80x16xf32, #tpu.memory_space<vmem>>, vector<16xf32>,
    tpu.vector_store %arg16[%swap3A_372, %swap3A_373], %broadcast_in_dim3A_370 {strides = array<i32>} : memref<80x16xf32, #tpu.memory_space<vmem>>, vector<16xf32>,
    %broadcast_in_dim3A_375 = arith.constant 0.000000e+00 : f32
    %broadcast_in_dim3A_376 = vector.broadcast %broadcast_in_dim3A_375 : f32 to vector<16xf32>
    %swap3A_377 = arith.constant 62 : i32
    %swap3A_378 = arith.index_cast %swap3A_377 : i32 to index
    %swap3A_379 = arith.constant 0 : index
    %swap3A_380 = tpu.vector_load %arg16[%swap3A_378, %swap3A_379] {strides = array<i32>} : memref<80x16xf32, #tpu.memory_space<vmem>>, vector<16xf32>,
    tpu.vector_store %arg16[%swap3A_378, %swap3A_379], %broadcast_in_dim3A_376 {strides = array<i32>} : memref<80x16xf32, #tpu.memory_space<vmem>>, vector<16xf32>,
    %broadcast_in_dim3A_381 = arith.constant 0.000000e+00 : f32
    %broadcast_in_dim3A_382 = vector.broadcast %broadcast_in_dim3A_381 : f32 to vector<16xf32>
    %swap3A_383 = arith.constant 63 : i32
    %swap3A_384 = arith.index_cast %swap3A_383 : i32 to index
    %swap3A_385 = arith.constant 0 : index
    %swap3A_386 = tpu.vector_load %arg16[%swap3A_384, %swap3A_385] {strides = array<i32>} : memref<80x16xf32, #tpu.memory_space<vmem>>, vector<16xf32>,
    tpu.vector_store %arg16[%swap3A_384, %swap3A_385], %broadcast_in_dim3A_382 {strides = array<i32>} : memref<80x16xf32, #tpu.memory_space<vmem>>, vector<16xf32>,
    %broadcast_in_dim3A_387 = arith.constant 0.000000e+00 : f32
    %broadcast_in_dim3A_388 = vector.broadcast %broadcast_in_dim3A_387 : f32 to vector<16xf32>
    %swap3A_389 = arith.constant 64 : i32
    %swap3A_390 = arith.index_cast %swap3A_389 : i32 to index
    %swap3A_391 = arith.constant 0 : index
    %swap3A_392 = tpu.vector_load %arg16[%swap3A_390, %swap3A_391] {strides = array<i32>} : memref<80x16xf32, #tpu.memory_space<vmem>>, vector<16xf32>,
    tpu.vector_store %arg16[%swap3A_390, %swap3A_391], %broadcast_in_dim3A_388 {strides = array<i32>} : memref<80x16xf32, #tpu.memory_space<vmem>>, vector<16xf32>,
    %broadcast_in_dim3A_393 = arith.constant 0.000000e+00 : f32
    %broadcast_in_dim3A_394 = vector.broadcast %broadcast_in_dim3A_393 : f32 to vector<16xf32>
    %swap3A_395 = arith.constant 65 : i32
    %swap3A_396 = arith.index_cast %swap3A_395 : i32 to index
    %swap3A_397 = arith.constant 0 : index
    %swap3A_398 = tpu.vector_load %arg16[%swap3A_396, %swap3A_397] {strides = array<i32>} : memref<80x16xf32, #tpu.memory_space<vmem>>, vector<16xf32>,
    tpu.vector_store %arg16[%swap3A_396, %swap3A_397], %broadcast_in_dim3A_394 {strides = array<i32>} : memref<80x16xf32, #tpu.memory_space<vmem>>, vector<16xf32>,
    %broadcast_in_dim3A_399 = arith.constant 0.000000e+00 : f32
    %broadcast_in_dim3A_400 = vector.broadcast %broadcast_in_dim3A_399 : f32 to vector<16xf32>
    %swap3A_401 = arith.constant 66 : i32
    %swap3A_402 = arith.index_cast %swap3A_401 : i32 to index
    %swap3A_403 = arith.constant 0 : index
    %swap3A_404 = tpu.vector_load %arg16[%swap3A_402, %swap3A_403] {strides = array<i32>} : memref<80x16xf32, #tpu.memory_space<vmem>>, vector<16xf32>,
    tpu.vector_store %arg16[%swap3A_402, %swap3A_403], %broadcast_in_dim3A_400 {strides = array<i32>} : memref<80x16xf32, #tpu.memory_space<vmem>>, vector<16xf32>,
    %broadcast_in_dim3A_405 = arith.constant 0.000000e+00 : f32
    %broadcast_in_dim3A_406 = vector.broadcast %broadcast_in_dim3A_405 : f32 to vector<16xf32>
    %swap3A_407 = arith.constant 67 : i32
    %swap3A_408 = arith.index_cast %swap3A_407 : i32 to index
    %swap3A_409 = arith.constant 0 : index
    %swap3A_410 = tpu.vector_load %arg16[%swap3A_408, %swap3A_409] {strides = array<i32>} : memref<80x16xf32, #tpu.memory_space<vmem>>, vector<16xf32>,
    tpu.vector_store %arg16[%swap3A_408, %swap3A_409], %broadcast_in_dim3A_406 {strides = array<i32>} : memref<80x16xf32, #tpu.memory_space<vmem>>, vector<16xf32>,
    %broadcast_in_dim3A_411 = arith.constant 0.000000e+00 : f32
    %broadcast_in_dim3A_412 = vector.broadcast %broadcast_in_dim3A_411 : f32 to vector<16xf32>
    %swap3A_413 = arith.constant 68 : i32
    %swap3A_414 = arith.index_cast %swap3A_413 : i32 to index
    %swap3A_415 = arith.constant 0 : index
    %swap3A_416 = tpu.vector_load %arg16[%swap3A_414, %swap3A_415] {strides = array<i32>} : memref<80x16xf32, #tpu.memory_space<vmem>>, vector<16xf32>,
    tpu.vector_store %arg16[%swap3A_414, %swap3A_415], %broadcast_in_dim3A_412 {strides = array<i32>} : memref<80x16xf32, #tpu.memory_space<vmem>>, vector<16xf32>,
    %broadcast_in_dim3A_417 = arith.constant 0.000000e+00 : f32
    %broadcast_in_dim3A_418 = vector.broadcast %broadcast_in_dim3A_417 : f32 to vector<16xf32>
    %swap3A_419 = arith.constant 69 : i32
    %swap3A_420 = arith.index_cast %swap3A_419 : i32 to index
    %swap3A_421 = arith.constant 0 : index
    %swap3A_422 = tpu.vector_load %arg16[%swap3A_420, %swap3A_421] {strides = array<i32>} : memref<80x16xf32, #tpu.memory_space<vmem>>, vector<16xf32>,
    tpu.vector_store %arg16[%swap3A_420, %swap3A_421], %broadcast_in_dim3A_418 {strides = array<i32>} : memref<80x16xf32, #tpu.memory_space<vmem>>, vector<16xf32>,
    %broadcast_in_dim3A_423 = arith.constant 0.000000e+00 : f32
    %broadcast_in_dim3A_424 = vector.broadcast %broadcast_in_dim3A_423 : f32 to vector<16xf32>
    %swap3A_425 = arith.constant 70 : i32
    %swap3A_426 = arith.index_cast %swap3A_425 : i32 to index
    %swap3A_427 = arith.constant 0 : index
    %swap3A_428 = tpu.vector_load %arg16[%swap3A_426, %swap3A_427] {strides = array<i32>} : memref<80x16xf32, #tpu.memory_space<vmem>>, vector<16xf32>,
    tpu.vector_store %arg16[%swap3A_426, %swap3A_427], %broadcast_in_dim3A_424 {strides = array<i32>} : memref<80x16xf32, #tpu.memory_space<vmem>>, vector<16xf32>,
    %broadcast_in_dim3A_429 = arith.constant 0.000000e+00 : f32
    %broadcast_in_dim3A_430 = vector.broadcast %broadcast_in_dim3A_429 : f32 to vector<16xf32>
    %swap3A_431 = arith.constant 71 : i32
    %swap3A_432 = arith.index_cast %swap3A_431 : i32 to index
    %swap3A_433 = arith.constant 0 : index
    %swap3A_434 = tpu.vector_load %arg16[%swap3A_432, %swap3A_433] {strides = array<i32>} : memref<80x16xf32, #tpu.memory_space<vmem>>, vector<16xf32>,
    tpu.vector_store %arg16[%swap3A_432, %swap3A_433], %broadcast_in_dim3A_430 {strides = array<i32>} : memref<80x16xf32, #tpu.memory_space<vmem>>, vector<16xf32>,
    %broadcast_in_dim3A_435 = arith.constant 0.000000e+00 : f32
    %broadcast_in_dim3A_436 = vector.broadcast %broadcast_in_dim3A_435 : f32 to vector<16xf32>
    %swap3A_437 = arith.constant 72 : i32
    %swap3A_438 = arith.index_cast %swap3A_437 : i32 to index
    %swap3A_439 = arith.constant 0 : index
    %swap3A_440 = tpu.vector_load %arg16[%swap3A_438, %swap3A_439] {strides = array<i32>} : memref<80x16xf32, #tpu.memory_space<vmem>>, vector<16xf32>,
    tpu.vector_store %arg16[%swap3A_438, %swap3A_439], %broadcast_in_dim3A_436 {strides = array<i32>} : memref<80x16xf32, #tpu.memory_space<vmem>>, vector<16xf32>,
    %broadcast_in_dim3A_441 = arith.constant 0.000000e+00 : f32
    %broadcast_in_dim3A_442 = vector.broadcast %broadcast_in_dim3A_441 : f32 to vector<16xf32>
    %swap3A_443 = arith.constant 73 : i32
    %swap3A_444 = arith.index_cast %swap3A_443 : i32 to index
    %swap3A_445 = arith.constant 0 : index
    %swap3A_446 = tpu.vector_load %arg16[%swap3A_444, %swap3A_445] {strides = array<i32>} : memref<80x16xf32, #tpu.memory_space<vmem>>, vector<16xf32>,
    tpu.vector_store %arg16[%swap3A_444, %swap3A_445], %broadcast_in_dim3A_442 {strides = array<i32>} : memref<80x16xf32, #tpu.memory_space<vmem>>, vector<16xf32>,
    %broadcast_in_dim3A_447 = arith.constant 0.000000e+00 : f32
    %broadcast_in_dim3A_448 = vector.broadcast %broadcast_in_dim3A_447 : f32 to vector<16xf32>
    %swap3A_449 = arith.constant 74 : i32
    %swap3A_450 = arith.index_cast %swap3A_449 : i32 to index
    %swap3A_451 = arith.constant 0 : index
    %swap3A_452 = tpu.vector_load %arg16[%swap3A_450, %swap3A_451] {strides = array<i32>} : memref<80x16xf32, #tpu.memory_space<vmem>>, vector<16xf32>,
    tpu.vector_store %arg16[%swap3A_450, %swap3A_451], %broadcast_in_dim3A_448 {strides = array<i32>} : memref<80x16xf32, #tpu.memory_space<vmem>>, vector<16xf32>,
    %broadcast_in_dim3A_453 = arith.constant 0.000000e+00 : f32
    %broadcast_in_dim3A_454 = vector.broadcast %broadcast_in_dim3A_453 : f32 to vector<16xf32>
    %swap3A_455 = arith.constant 75 : i32
    %swap3A_456 = arith.index_cast %swap3A_455 : i32 to index
    %swap3A_457 = arith.constant 0 : index
    %swap3A_458 = tpu.vector_load %arg16[%swap3A_456, %swap3A_457] {strides = array<i32>} : memref<80x16xf32, #tpu.memory_space<vmem>>, vector<16xf32>,
    tpu.vector_store %arg16[%swap3A_456, %swap3A_457], %broadcast_in_dim3A_454 {strides = array<i32>} : memref<80x16xf32, #tpu.memory_space<vmem>>, vector<16xf32>,
    %broadcast_in_dim3A_459 = arith.constant 0.000000e+00 : f32
    %broadcast_in_dim3A_460 = vector.broadcast %broadcast_in_dim3A_459 : f32 to vector<16xf32>
    %swap3A_461 = arith.constant 76 : i32
    %swap3A_462 = arith.index_cast %swap3A_461 : i32 to index
    %swap3A_463 = arith.constant 0 : index
    %swap3A_464 = tpu.vector_load %arg16[%swap3A_462, %swap3A_463] {strides = array<i32>} : memref<80x16xf32, #tpu.memory_space<vmem>>, vector<16xf32>,
    tpu.vector_store %arg16[%swap3A_462, %swap3A_463], %broadcast_in_dim3A_460 {strides = array<i32>} : memref<80x16xf32, #tpu.memory_space<vmem>>, vector<16xf32>,
    %broadcast_in_dim3A_465 = arith.constant 0.000000e+00 : f32
    %broadcast_in_dim3A_466 = vector.broadcast %broadcast_in_dim3A_465 : f32 to vector<16xf32>
    %swap3A_467 = arith.constant 77 : i32
    %swap3A_468 = arith.index_cast %swap3A_467 : i32 to index
    %swap3A_469 = arith.constant 0 : index
    %swap3A_470 = tpu.vector_load %arg16[%swap3A_468, %swap3A_469] {strides = array<i32>} : memref<80x16xf32, #tpu.memory_space<vmem>>, vector<16xf32>,
    tpu.vector_store %arg16[%swap3A_468, %swap3A_469], %broadcast_in_dim3A_466 {strides = array<i32>} : memref<80x16xf32, #tpu.memory_space<vmem>>, vector<16xf32>,
    %broadcast_in_dim3A_471 = arith.constant 0.000000e+00 : f32
    %broadcast_in_dim3A_472 = vector.broadcast %broadcast_in_dim3A_471 : f32 to vector<16xf32>
    %swap3A_473 = arith.constant 78 : i32
    %swap3A_474 = arith.index_cast %swap3A_473 : i32 to index
    %swap3A_475 = arith.constant 0 : index
    %swap3A_476 = tpu.vector_load %arg16[%swap3A_474, %swap3A_475] {strides = array<i32>} : memref<80x16xf32, #tpu.memory_space<vmem>>, vector<16xf32>,
    tpu.vector_store %arg16[%swap3A_474, %swap3A_475], %broadcast_in_dim3A_472 {strides = array<i32>} : memref<80x16xf32, #tpu.memory_space<vmem>>, vector<16xf32>,
    %broadcast_in_dim3A_477 = arith.constant 0.000000e+00 : f32
    %broadcast_in_dim3A_478 = vector.broadcast %broadcast_in_dim3A_477 : f32 to vector<16xf32>
    %swap3A_479 = arith.constant 79 : i32
    %swap3A_480 = arith.index_cast %swap3A_479 : i32 to index
    %swap3A_481 = arith.constant 0 : index
    %swap3A_482 = tpu.vector_load %arg16[%swap3A_480, %swap3A_481] {strides = array<i32>} : memref<80x16xf32, #tpu.memory_space<vmem>>, vector<16xf32>,
    tpu.vector_store %arg16[%swap3A_480, %swap3A_481], %broadcast_in_dim3A_478 {strides = array<i32>} : memref<80x16xf32, #tpu.memory_space<vmem>>, vector<16xf32>,
    %barrier3A = arith.constant 0 : index
    tpu.barrier barrier_id(%barrier3A)
    %iota3A = tpu.iota {dimensions = array<i32: 0>} : vector<16xi32>
    %broadcast_in_dim3A_483 = arith.constant 0 : i32
    %broadcast_in_dim3A_484 = vector.broadcast %broadcast_in_dim3A_483 : i32 to vector<16xi32>
    %mul3A_485 = arith.constant 10000 : i32
    %mul3A_486 = arith.muli %add3A, %mul3A_485 : i32
    %scan3A = arith.constant 0 : i32
    %scan3A_487 = arith.constant 0 : i32
    %scan3A_488 = arith.constant 125 : i32
    %scan3A_489 = arith.addi %scan3A_487, %scan3A_488 : i32
    %scan3A_490 = arith.constant 1 : i32
    scf.for %scan3A_502 = %scan3A_487 to %scan3A_489 step %scan3A_490  : i32 {
      %mul3A_503 = arith.constant 80 : i32
      %mul3A_504 = arith.muli %scan3A_502, %mul3A_503 : i32
      %add3A_505 = arith.addi %mul3A_486, %mul3A_504 : i32
      "tpu.region"() ({
        %run_scoped3A = tpu.sem_alloc : memref<!tpu.dma_semaphore, #tpu.memory_space<semaphore_mem>>
        %dma_start3A_592 = tpu.memref_slice %arg2[%add3A_505] : memref<320000xi32, #tpu.memory_space<hbm>> -> memref<80xi32, #tpu.memory_space<hbm>>
        %dma_start3A_593 = tpu.memref_slice %arg2[%add3A_505] : memref<320000xi32, #tpu.memory_space<hbm>> -> memref<80xi32, #tpu.memory_space<hbm>>
        tpu.enqueue_dma source(%dma_start3A_593 : memref<80xi32, #tpu.memory_space<hbm>>) target(%arg13 : memref<80xi32, #tpu.memory_space<vmem>>) target_semaphore(%run_scoped3A : memref<!tpu.dma_semaphore, #tpu.memory_space<semaphore_mem>>)
        %dma_wait3A_594 = tpu.memref_slice %arg2[%add3A_505] : memref<320000xi32, #tpu.memory_space<hbm>> -> memref<80xi32, #tpu.memory_space<hbm>>
        %dma_wait3A_595 = tpu.memref_slice %arg2[%add3A_505] : memref<320000xi32, #tpu.memory_space<hbm>> -> memref<80xi32, #tpu.memory_space<hbm>>
        tpu.wait_dma2 semaphore(%run_scoped3A : memref<!tpu.dma_semaphore, #tpu.memory_space<semaphore_mem>>) src(%dma_wait3A_595 : memref<80xi32, #tpu.memory_space<hbm>>) dst(%arg13 : memref<80xi32, #tpu.memory_space<vmem>>)
        tpu.yield
      }) : () -> ()
      "tpu.region"() ({
        %run_scoped3A = tpu.sem_alloc : memref<!tpu.dma_semaphore, #tpu.memory_space<semaphore_mem>>
        %dma_start3A_592 = tpu.memref_slice %arg3[%add3A_505] : memref<320000xi32, #tpu.memory_space<hbm>> -> memref<80xi32, #tpu.memory_space<hbm>>
        %dma_start3A_593 = tpu.memref_slice %arg3[%add3A_505] : memref<320000xi32, #tpu.memory_space<hbm>> -> memref<80xi32, #tpu.memory_space<hbm>>
        tpu.enqueue_dma source(%dma_start3A_593 : memref<80xi32, #tpu.memory_space<hbm>>) target(%arg14 : memref<80xi32, #tpu.memory_space<vmem>>) target_semaphore(%run_scoped3A : memref<!tpu.dma_semaphore, #tpu.memory_space<semaphore_mem>>)
        %dma_wait3A_594 = tpu.memref_slice %arg3[%add3A_505] : memref<320000xi32, #tpu.memory_space<hbm>> -> memref<80xi32, #tpu.memory_space<hbm>>
        %dma_wait3A_595 = tpu.memref_slice %arg3[%add3A_505] : memref<320000xi32, #tpu.memory_space<hbm>> -> memref<80xi32, #tpu.memory_space<hbm>>
        tpu.wait_dma2 semaphore(%run_scoped3A : memref<!tpu.dma_semaphore, #tpu.memory_space<semaphore_mem>>) src(%dma_wait3A_595 : memref<80xi32, #tpu.memory_space<hbm>>) dst(%arg14 : memref<80xi32, #tpu.memory_space<vmem>>)
        tpu.yield
      }) : () -> ()
      %dma_start3A = arith.constant 0 : i32
      %dma_start3A_506 = arith.constant 0 : i32
      %dma_start3A_507 = tpu.memref_slice %arg4[%dma_start3A, %dma_start3A_506] : memref<10000x128xf32, #tpu.memory_space<hbm>> -> memref<10000x128xf32, #tpu.memory_space<hbm>>
      tpu.enqueue_indirect_dma source(%dma_start3A_507 : memref<10000x128xf32, #tpu.memory_space<hbm>>) target(%arg15 : memref<80x128xf32, #tpu.memory_space<vmem>>) offsets(%arg13 : memref<80xi32, #tpu.memory_space<vmem>>) semaphore(%arg22 : memref<!tpu.dma_semaphore, #tpu.memory_space<semaphore_mem>>)
      %get3A = arith.constant 0 : index
      %get3A_508 = tpu.vector_load %arg13[%get3A] {strides = array<i32>} : memref<80xi32, #tpu.memory_space<vmem>>, vector<16xi32>,
      %get3A_509 = arith.constant 0 : index
      %get3A_510 = tpu.vector_load %arg14[%get3A_509] {strides = array<i32>} : memref<80xi32, #tpu.memory_space<vmem>>, vector<16xi32>,
      %gather3A = tpu.vector_load_idx %arg18[%get3A_510] : memref<10000xf32, #tpu.memory_space<vmem>>[vector<16xi32>], vector<16xf32>,
      %gather3A_511 = tpu.vector_load_idx %arg19[%get3A_508] : memref<10000xf32, #tpu.memory_space<vmem>>[vector<16xi32>], vector<16xf32>,
      %add3A_512 = arith.addf %gather3A, %gather3A_511 : vector<16xf32>
      %max3A = arith.constant 0.000000e+00 : f32
      %max3A_513 = vector.broadcast %max3A : f32 to vector<16xf32>
      %max3A_514 = arith.maximumf %add3A_512, %max3A_513 : vector<16xf32>
      %exp3A = math.exp %max3A_514 : vector<16xf32>
      %swap3A_515 = arith.constant 0 : index
      %swap3A_516 = tpu.vector_load %arg17[%swap3A_515] {strides = array<i32>} : memref<80xf32, #tpu.memory_space<vmem>>, vector<16xf32>,
      tpu.vector_store %arg17[%swap3A_515], %exp3A {strides = array<i32>} : memref<80xf32, #tpu.memory_space<vmem>>, vector<16xf32>,
      %add3A_517 = arith.constant 0 : i32
      %add3A_518 = vector.broadcast %add3A_517 : i32 to vector<16xi32>
      %add3A_519 = arith.addi %iota3A, %add3A_518 : vector<16xi32>
      tpu.vector_store_idx %arg16[%add3A_519, %broadcast_in_dim3A_484], %exp3A : memref<80x16xf32, #tpu.memory_space<vmem>>[vector<16xi32>, vector<16xi32>], vector<16xf32>,
      %get3A_520 = arith.constant 16 : index
      %get3A_521 = tpu.vector_load %arg13[%get3A_520] {strides = array<i32>} : memref<80xi32, #tpu.memory_space<vmem>>, vector<16xi32>,
      %get3A_522 = arith.constant 16 : index
      %get3A_523 = tpu.vector_load %arg14[%get3A_522] {strides = array<i32>} : memref<80xi32, #tpu.memory_space<vmem>>, vector<16xi32>,
      %gather3A_524 = tpu.vector_load_idx %arg18[%get3A_523] : memref<10000xf32, #tpu.memory_space<vmem>>[vector<16xi32>], vector<16xf32>,
      %gather3A_525 = tpu.vector_load_idx %arg19[%get3A_521] : memref<10000xf32, #tpu.memory_space<vmem>>[vector<16xi32>], vector<16xf32>,
      %add3A_526 = arith.addf %gather3A_524, %gather3A_525 : vector<16xf32>
      %max3A_527 = arith.constant 0.000000e+00 : f32
      %max3A_528 = vector.broadcast %max3A_527 : f32 to vector<16xf32>
      %max3A_529 = arith.maximumf %add3A_526, %max3A_528 : vector<16xf32>
      %exp3A_530 = math.exp %max3A_529 : vector<16xf32>
      %swap3A_531 = arith.constant 16 : index
      %swap3A_532 = tpu.vector_load %arg17[%swap3A_531] {strides = array<i32>} : memref<80xf32, #tpu.memory_space<vmem>>, vector<16xf32>,
      tpu.vector_store %arg17[%swap3A_531], %exp3A_530 {strides = array<i32>} : memref<80xf32, #tpu.memory_space<vmem>>, vector<16xf32>,
      %add3A_533 = arith.constant 16 : i32
      %add3A_534 = vector.broadcast %add3A_533 : i32 to vector<16xi32>
      %add3A_535 = arith.addi %iota3A, %add3A_534 : vector<16xi32>
      tpu.vector_store_idx %arg16[%add3A_535, %broadcast_in_dim3A_484], %exp3A_530 : memref<80x16xf32, #tpu.memory_space<vmem>>[vector<16xi32>, vector<16xi32>], vector<16xf32>,
      %get3A_536 = arith.constant 32 : index
      %get3A_537 = tpu.vector_load %arg13[%get3A_536] {strides = array<i32>} : memref<80xi32, #tpu.memory_space<vmem>>, vector<16xi32>,
      %get3A_538 = arith.constant 32 : index
      %get3A_539 = tpu.vector_load %arg14[%get3A_538] {strides = array<i32>} : memref<80xi32, #tpu.memory_space<vmem>>, vector<16xi32>,
      %gather3A_540 = tpu.vector_load_idx %arg18[%get3A_539] : memref<10000xf32, #tpu.memory_space<vmem>>[vector<16xi32>], vector<16xf32>,
      %gather3A_541 = tpu.vector_load_idx %arg19[%get3A_537] : memref<10000xf32, #tpu.memory_space<vmem>>[vector<16xi32>], vector<16xf32>,
      %add3A_542 = arith.addf %gather3A_540, %gather3A_541 : vector<16xf32>
      %max3A_543 = arith.constant 0.000000e+00 : f32
      %max3A_544 = vector.broadcast %max3A_543 : f32 to vector<16xf32>
      %max3A_545 = arith.maximumf %add3A_542, %max3A_544 : vector<16xf32>
      %exp3A_546 = math.exp %max3A_545 : vector<16xf32>
      %swap3A_547 = arith.constant 32 : index
      %swap3A_548 = tpu.vector_load %arg17[%swap3A_547] {strides = array<i32>} : memref<80xf32, #tpu.memory_space<vmem>>, vector<16xf32>,
      tpu.vector_store %arg17[%swap3A_547], %exp3A_546 {strides = array<i32>} : memref<80xf32, #tpu.memory_space<vmem>>, vector<16xf32>,
      %add3A_549 = arith.constant 32 : i32
      %add3A_550 = vector.broadcast %add3A_549 : i32 to vector<16xi32>
      %add3A_551 = arith.addi %iota3A, %add3A_550 : vector<16xi32>
      tpu.vector_store_idx %arg16[%add3A_551, %broadcast_in_dim3A_484], %exp3A_546 : memref<80x16xf32, #tpu.memory_space<vmem>>[vector<16xi32>, vector<16xi32>], vector<16xf32>,
      %get3A_552 = arith.constant 48 : index
      %get3A_553 = tpu.vector_load %arg13[%get3A_552] {strides = array<i32>} : memref<80xi32, #tpu.memory_space<vmem>>, vector<16xi32>,
      %get3A_554 = arith.constant 48 : index
      %get3A_555 = tpu.vector_load %arg14[%get3A_554] {strides = array<i32>} : memref<80xi32, #tpu.memory_space<vmem>>, vector<16xi32>,
      %gather3A_556 = tpu.vector_load_idx %arg18[%get3A_555] : memref<10000xf32, #tpu.memory_space<vmem>>[vector<16xi32>], vector<16xf32>,
      %gather3A_557 = tpu.vector_load_idx %arg19[%get3A_553] : memref<10000xf32, #tpu.memory_space<vmem>>[vector<16xi32>], vector<16xf32>,
      %add3A_558 = arith.addf %gather3A_556, %gather3A_557 : vector<16xf32>
      %max3A_559 = arith.constant 0.000000e+00 : f32
      %max3A_560 = vector.broadcast %max3A_559 : f32 to vector<16xf32>
      %max3A_561 = arith.maximumf %add3A_558, %max3A_560 : vector<16xf32>
      %exp3A_562 = math.exp %max3A_561 : vector<16xf32>
      %swap3A_563 = arith.constant 48 : index
      %swap3A_564 = tpu.vector_load %arg17[%swap3A_563] {strides = array<i32>} : memref<80xf32, #tpu.memory_space<vmem>>, vector<16xf32>,
      tpu.vector_store %arg17[%swap3A_563], %exp3A_562 {strides = array<i32>} : memref<80xf32, #tpu.memory_space<vmem>>, vector<16xf32>,
      %add3A_565 = arith.constant 48 : i32
      %add3A_566 = vector.broadcast %add3A_565 : i32 to vector<16xi32>
      %add3A_567 = arith.addi %iota3A, %add3A_566 : vector<16xi32>
      tpu.vector_store_idx %arg16[%add3A_567, %broadcast_in_dim3A_484], %exp3A_562 : memref<80x16xf32, #tpu.memory_space<vmem>>[vector<16xi32>, vector<16xi32>], vector<16xf32>,
      %get3A_568 = arith.constant 64 : index
      %get3A_569 = tpu.vector_load %arg13[%get3A_568] {strides = array<i32>} : memref<80xi32, #tpu.memory_space<vmem>>, vector<16xi32>,
      %get3A_570 = arith.constant 64 : index
      %get3A_571 = tpu.vector_load %arg14[%get3A_570] {strides = array<i32>} : memref<80xi32, #tpu.memory_space<vmem>>, vector<16xi32>,
      %gather3A_572 = tpu.vector_load_idx %arg18[%get3A_571] : memref<10000xf32, #tpu.memory_space<vmem>>[vector<16xi32>], vector<16xf32>,
      %gather3A_573 = tpu.vector_load_idx %arg19[%get3A_569] : memref<10000xf32, #tpu.memory_space<vmem>>[vector<16xi32>], vector<16xf32>,
      %add3A_574 = arith.addf %gather3A_572, %gather3A_573 : vector<16xf32>
      %max3A_575 = arith.constant 0.000000e+00 : f32
      %max3A_576 = vector.broadcast %max3A_575 : f32 to vector<16xf32>
      %max3A_577 = arith.maximumf %add3A_574, %max3A_576 : vector<16xf32>
      %exp3A_578 = math.exp %max3A_577 : vector<16xf32>
      %swap3A_579 = arith.constant 64 : index
      %swap3A_580 = tpu.vector_load %arg17[%swap3A_579] {strides = array<i32>} : memref<80xf32, #tpu.memory_space<vmem>>, vector<16xf32>,
      tpu.vector_store %arg17[%swap3A_579], %exp3A_578 {strides = array<i32>} : memref<80xf32, #tpu.memory_space<vmem>>, vector<16xf32>,
      %add3A_581 = arith.constant 64 : i32
      %add3A_582 = vector.broadcast %add3A_581 : i32 to vector<16xi32>
      %add3A_583 = arith.addi %iota3A, %add3A_582 : vector<16xi32>
      tpu.vector_store_idx %arg16[%add3A_583, %broadcast_in_dim3A_484], %exp3A_578 : memref<80x16xf32, #tpu.memory_space<vmem>>[vector<16xi32>, vector<16xi32>], vector<16xf32>,
      %dma_wait3A = arith.constant 0 : i32
      %dma_wait3A_584 = arith.constant 0 : i32
      %dma_wait3A_585 = tpu.memref_slice %arg4[%dma_wait3A, %dma_wait3A_584] : memref<10000x128xf32, #tpu.memory_space<hbm>> -> memref<10000x128xf32, #tpu.memory_space<hbm>>
      tpu.wait_indirect_dma semaphore(%arg22 : memref<!tpu.dma_semaphore, #tpu.memory_space<semaphore_mem>>) src(%dma_wait3A_585 : memref<10000x128xf32, #tpu.memory_space<hbm>>) dst(%arg15 : memref<80x128xf32, #tpu.memory_space<vmem>>)
      %scan3A_586 = arith.constant 0 : i32
      %scan3A_587 = arith.constant 0 : i32
      %scan3A_588 = arith.constant 80 : i32
      %scan3A_589 = arith.addi %scan3A_587, %scan3A_588 : i32
      %scan3A_590 = arith.constant 4 : i32
      scf.for %scan3A_592 = %scan3A_587 to %scan3A_589 step %scan3A_590  : i32 {
        %broadcast_in_dim3A_593 = arith.constant 0 : i32
        %broadcast_in_dim3A_594 = vector.broadcast %broadcast_in_dim3A_593 : i32 to vector<16xi32>
        %add3A_595 = vector.broadcast %scan3A_592 : i32 to vector<16xi32>
        %add3A_596 = arith.addi %broadcast_in_dim3A_594, %add3A_595 : vector<16xi32>
        %gather3A_597 = tpu.vector_load_idx %arg17[%add3A_596] : memref<80xf32, #tpu.memory_space<vmem>>[vector<16xi32>], vector<16xf32>,
        %get3A_598 = arith.index_cast %scan3A_592 : i32 to index
        %get3A_599 = arith.constant 0 : index
        %get3A_600 = tpu.vector_load %arg15[%get3A_598, %get3A_599] {strides = array<i32>} : memref<80x128xf32, #tpu.memory_space<vmem>>, vector<16xf32>,
        %mul3A_601 = arith.mulf %get3A_600, %gather3A_597 : vector<16xf32>
        %swap3A_602 = arith.index_cast %scan3A_592 : i32 to index
        %swap3A_603 = arith.constant 0 : index
        %swap3A_604 = tpu.vector_load %arg15[%swap3A_602, %swap3A_603] {strides = array<i32>} : memref<80x128xf32, #tpu.memory_space<vmem>>, vector<16xf32>,
        tpu.vector_store %arg15[%swap3A_602, %swap3A_603], %mul3A_601 {strides = array<i32>} : memref<80x128xf32, #tpu.memory_space<vmem>>, vector<16xf32>,
        %get3A_605 = arith.index_cast %scan3A_592 : i32 to index
        %get3A_606 = arith.constant 16 : index
        %get3A_607 = tpu.vector_load %arg15[%get3A_605, %get3A_606] {strides = array<i32>} : memref<80x128xf32, #tpu.memory_space<vmem>>, vector<16xf32>,
        %mul3A_608 = arith.mulf %get3A_607, %gather3A_597 : vector<16xf32>
        %swap3A_609 = arith.index_cast %scan3A_592 : i32 to index
        %swap3A_610 = arith.constant 16 : index
        %swap3A_611 = tpu.vector_load %arg15[%swap3A_609, %swap3A_610] {strides = array<i32>} : memref<80x128xf32, #tpu.memory_space<vmem>>, vector<16xf32>,
        tpu.vector_store %arg15[%swap3A_609, %swap3A_610], %mul3A_608 {strides = array<i32>} : memref<80x128xf32, #tpu.memory_space<vmem>>, vector<16xf32>,
        %get3A_612 = arith.index_cast %scan3A_592 : i32 to index
        %get3A_613 = arith.constant 32 : index
        %get3A_614 = tpu.vector_load %arg15[%get3A_612, %get3A_613] {strides = array<i32>} : memref<80x128xf32, #tpu.memory_space<vmem>>, vector<16xf32>,
        %mul3A_615 = arith.mulf %get3A_614, %gather3A_597 : vector<16xf32>
        %swap3A_616 = arith.index_cast %scan3A_592 : i32 to index
        %swap3A_617 = arith.constant 32 : index
        %swap3A_618 = tpu.vector_load %arg15[%swap3A_616, %swap3A_617] {strides = array<i32>} : memref<80x128xf32, #tpu.memory_space<vmem>>, vector<16xf32>,
        tpu.vector_store %arg15[%swap3A_616, %swap3A_617], %mul3A_615 {strides = array<i32>} : memref<80x128xf32, #tpu.memory_space<vmem>>, vector<16xf32>,
        %get3A_619 = arith.index_cast %scan3A_592 : i32 to index
        %get3A_620 = arith.constant 48 : index
        %get3A_621 = tpu.vector_load %arg15[%get3A_619, %get3A_620] {strides = array<i32>} : memref<80x128xf32, #tpu.memory_space<vmem>>, vector<16xf32>,
        %mul3A_622 = arith.mulf %get3A_621, %gather3A_597 : vector<16xf32>
        %swap3A_623 = arith.index_cast %scan3A_592 : i32 to index
        %swap3A_624 = arith.constant 48 : index
        %swap3A_625 = tpu.vector_load %arg15[%swap3A_623, %swap3A_624] {strides = array<i32>} : memref<80x128xf32, #tpu.memory_space<vmem>>, vector<16xf32>,
        tpu.vector_store %arg15[%swap3A_623, %swap3A_624], %mul3A_622 {strides = array<i32>} : memref<80x128xf32, #tpu.memory_space<vmem>>, vector<16xf32>,
        %get3A_626 = arith.index_cast %scan3A_592 : i32 to index
        %get3A_627 = arith.constant 64 : index
        %get3A_628 = tpu.vector_load %arg15[%get3A_626, %get3A_627] {strides = array<i32>} : memref<80x128xf32, #tpu.memory_space<vmem>>, vector<16xf32>,
        %mul3A_629 = arith.mulf %get3A_628, %gather3A_597 : vector<16xf32>
        %swap3A_630 = arith.index_cast %scan3A_592 : i32 to index
        %swap3A_631 = arith.constant 64 : index
        %swap3A_632 = tpu.vector_load %arg15[%swap3A_630, %swap3A_631] {strides = array<i32>} : memref<80x128xf32, #tpu.memory_space<vmem>>, vector<16xf32>,
        tpu.vector_store %arg15[%swap3A_630, %swap3A_631], %mul3A_629 {strides = array<i32>} : memref<80x128xf32, #tpu.memory_space<vmem>>, vector<16xf32>,
        %get3A_633 = arith.index_cast %scan3A_592 : i32 to index
        %get3A_634 = arith.constant 80 : index
        %get3A_635 = tpu.vector_load %arg15[%get3A_633, %get3A_634] {strides = array<i32>} : memref<80x128xf32, #tpu.memory_space<vmem>>, vector<16xf32>,
        %mul3A_636 = arith.mulf %get3A_635, %gather3A_597 : vector<16xf32>
        %swap3A_637 = arith.index_cast %scan3A_592 : i32 to index
        %swap3A_638 = arith.constant 80 : index
        %swap3A_639 = tpu.vector_load %arg15[%swap3A_637, %swap3A_638] {strides = array<i32>} : memref<80x128xf32, #tpu.memory_space<vmem>>, vector<16xf32>,
        tpu.vector_store %arg15[%swap3A_637, %swap3A_638], %mul3A_636 {strides = array<i32>} : memref<80x128xf32, #tpu.memory_space<vmem>>, vector<16xf32>,
        %get3A_640 = arith.index_cast %scan3A_592 : i32 to index
        %get3A_641 = arith.constant 96 : index
        %get3A_642 = tpu.vector_load %arg15[%get3A_640, %get3A_641] {strides = array<i32>} : memref<80x128xf32, #tpu.memory_space<vmem>>, vector<16xf32>,
        %mul3A_643 = arith.mulf %get3A_642, %gather3A_597 : vector<16xf32>
        %swap3A_644 = arith.index_cast %scan3A_592 : i32 to index
        %swap3A_645 = arith.constant 96 : index
        %swap3A_646 = tpu.vector_load %arg15[%swap3A_644, %swap3A_645] {strides = array<i32>} : memref<80x128xf32, #tpu.memory_space<vmem>>, vector<16xf32>,
        tpu.vector_store %arg15[%swap3A_644, %swap3A_645], %mul3A_643 {strides = array<i32>} : memref<80x128xf32, #tpu.memory_space<vmem>>, vector<16xf32>,
        %get3A_647 = arith.index_cast %scan3A_592 : i32 to index
        %get3A_648 = arith.constant 112 : index
        %get3A_649 = tpu.vector_load %arg15[%get3A_647, %get3A_648] {strides = array<i32>} : memref<80x128xf32, #tpu.memory_space<vmem>>, vector<16xf32>,
        %mul3A_650 = arith.mulf %get3A_649, %gather3A_597 : vector<16xf32>
        %swap3A_651 = arith.index_cast %scan3A_592 : i32 to index
        %swap3A_652 = arith.constant 112 : index
        %swap3A_653 = tpu.vector_load %arg15[%swap3A_651, %swap3A_652] {strides = array<i32>} : memref<80x128xf32, #tpu.memory_space<vmem>>, vector<16xf32>,
        tpu.vector_store %arg15[%swap3A_651, %swap3A_652], %mul3A_650 {strides = array<i32>} : memref<80x128xf32, #tpu.memory_space<vmem>>, vector<16xf32>,
        %scan3A_654 = arith.constant 1 : i32
        %scan3A_655 = arith.addi %scan3A_592, %scan3A_654 : i32
        %broadcast_in_dim3A_656 = arith.constant 0 : i32
        %broadcast_in_dim3A_657 = vector.broadcast %broadcast_in_dim3A_656 : i32 to vector<16xi32>
        %add3A_658 = vector.broadcast %scan3A_655 : i32 to vector<16xi32>
        %add3A_659 = arith.addi %broadcast_in_dim3A_657, %add3A_658 : vector<16xi32>
        %gather3A_660 = tpu.vector_load_idx %arg17[%add3A_659] : memref<80xf32, #tpu.memory_space<vmem>>[vector<16xi32>], vector<16xf32>,
        %get3A_661 = arith.index_cast %scan3A_655 : i32 to index
        %get3A_662 = arith.constant 0 : index
        %get3A_663 = tpu.vector_load %arg15[%get3A_661, %get3A_662] {strides = array<i32>} : memref<80x128xf32, #tpu.memory_space<vmem>>, vector<16xf32>,
        %mul3A_664 = arith.mulf %get3A_663, %gather3A_660 : vector<16xf32>
        %swap3A_665 = arith.index_cast %scan3A_655 : i32 to index
        %swap3A_666 = arith.constant 0 : index
        %swap3A_667 = tpu.vector_load %arg15[%swap3A_665, %swap3A_666] {strides = array<i32>} : memref<80x128xf32, #tpu.memory_space<vmem>>, vector<16xf32>,
        tpu.vector_store %arg15[%swap3A_665, %swap3A_666], %mul3A_664 {strides = array<i32>} : memref<80x128xf32, #tpu.memory_space<vmem>>, vector<16xf32>,
        %get3A_668 = arith.index_cast %scan3A_655 : i32 to index
        %get3A_669 = arith.constant 16 : index
        %get3A_670 = tpu.vector_load %arg15[%get3A_668, %get3A_669] {strides = array<i32>} : memref<80x128xf32, #tpu.memory_space<vmem>>, vector<16xf32>,
        %mul3A_671 = arith.mulf %get3A_670, %gather3A_660 : vector<16xf32>
        %swap3A_672 = arith.index_cast %scan3A_655 : i32 to index
        %swap3A_673 = arith.constant 16 : index
        %swap3A_674 = tpu.vector_load %arg15[%swap3A_672, %swap3A_673] {strides = array<i32>} : memref<80x128xf32, #tpu.memory_space<vmem>>, vector<16xf32>,
        tpu.vector_store %arg15[%swap3A_672, %swap3A_673], %mul3A_671 {strides = array<i32>} : memref<80x128xf32, #tpu.memory_space<vmem>>, vector<16xf32>,
        %get3A_675 = arith.index_cast %scan3A_655 : i32 to index
        %get3A_676 = arith.constant 32 : index
        %get3A_677 = tpu.vector_load %arg15[%get3A_675, %get3A_676] {strides = array<i32>} : memref<80x128xf32, #tpu.memory_space<vmem>>, vector<16xf32>,
        %mul3A_678 = arith.mulf %get3A_677, %gather3A_660 : vector<16xf32>
        %swap3A_679 = arith.index_cast %scan3A_655 : i32 to index
        %swap3A_680 = arith.constant 32 : index
        %swap3A_681 = tpu.vector_load %arg15[%swap3A_679, %swap3A_680] {strides = array<i32>} : memref<80x128xf32, #tpu.memory_space<vmem>>, vector<16xf32>,
        tpu.vector_store %arg15[%swap3A_679, %swap3A_680], %mul3A_678 {strides = array<i32>} : memref<80x128xf32, #tpu.memory_space<vmem>>, vector<16xf32>,
        %get3A_682 = arith.index_cast %scan3A_655 : i32 to index
        %get3A_683 = arith.constant 48 : index
        %get3A_684 = tpu.vector_load %arg15[%get3A_682, %get3A_683] {strides = array<i32>} : memref<80x128xf32, #tpu.memory_space<vmem>>, vector<16xf32>,
        %mul3A_685 = arith.mulf %get3A_684, %gather3A_660 : vector<16xf32>
        %swap3A_686 = arith.index_cast %scan3A_655 : i32 to index
        %swap3A_687 = arith.constant 48 : index
        %swap3A_688 = tpu.vector_load %arg15[%swap3A_686, %swap3A_687] {strides = array<i32>} : memref<80x128xf32, #tpu.memory_space<vmem>>, vector<16xf32>,
        tpu.vector_store %arg15[%swap3A_686, %swap3A_687], %mul3A_685 {strides = array<i32>} : memref<80x128xf32, #tpu.memory_space<vmem>>, vector<16xf32>,
        %get3A_689 = arith.index_cast %scan3A_655 : i32 to index
        %get3A_690 = arith.constant 64 : index
        %get3A_691 = tpu.vector_load %arg15[%get3A_689, %get3A_690] {strides = array<i32>} : memref<80x128xf32, #tpu.memory_space<vmem>>, vector<16xf32>,
        %mul3A_692 = arith.mulf %get3A_691, %gather3A_660 : vector<16xf32>
        %swap3A_693 = arith.index_cast %scan3A_655 : i32 to index
        %swap3A_694 = arith.constant 64 : index
        %swap3A_695 = tpu.vector_load %arg15[%swap3A_693, %swap3A_694] {strides = array<i32>} : memref<80x128xf32, #tpu.memory_space<vmem>>, vector<16xf32>,
        tpu.vector_store %arg15[%swap3A_693, %swap3A_694], %mul3A_692 {strides = array<i32>} : memref<80x128xf32, #tpu.memory_space<vmem>>, vector<16xf32>,
        %get3A_696 = arith.index_cast %scan3A_655 : i32 to index
        %get3A_697 = arith.constant 80 : index
        %get3A_698 = tpu.vector_load %arg15[%get3A_696, %get3A_697] {strides = array<i32>} : memref<80x128xf32, #tpu.memory_space<vmem>>, vector<16xf32>,
        %mul3A_699 = arith.mulf %get3A_698, %gather3A_660 : vector<16xf32>
        %swap3A_700 = arith.index_cast %scan3A_655 : i32 to index
        %swap3A_701 = arith.constant 80 : index
        %swap3A_702 = tpu.vector_load %arg15[%swap3A_700, %swap3A_701] {strides = array<i32>} : memref<80x128xf32, #tpu.memory_space<vmem>>, vector<16xf32>,
        tpu.vector_store %arg15[%swap3A_700, %swap3A_701], %mul3A_699 {strides = array<i32>} : memref<80x128xf32, #tpu.memory_space<vmem>>, vector<16xf32>,
        %get3A_703 = arith.index_cast %scan3A_655 : i32 to index
        %get3A_704 = arith.constant 96 : index
        %get3A_705 = tpu.vector_load %arg15[%get3A_703, %get3A_704] {strides = array<i32>} : memref<80x128xf32, #tpu.memory_space<vmem>>, vector<16xf32>,
        %mul3A_706 = arith.mulf %get3A_705, %gather3A_660 : vector<16xf32>
        %swap3A_707 = arith.index_cast %scan3A_655 : i32 to index
        %swap3A_708 = arith.constant 96 : index
        %swap3A_709 = tpu.vector_load %arg15[%swap3A_707, %swap3A_708] {strides = array<i32>} : memref<80x128xf32, #tpu.memory_space<vmem>>, vector<16xf32>,
        tpu.vector_store %arg15[%swap3A_707, %swap3A_708], %mul3A_706 {strides = array<i32>} : memref<80x128xf32, #tpu.memory_space<vmem>>, vector<16xf32>,
        %get3A_710 = arith.index_cast %scan3A_655 : i32 to index
        %get3A_711 = arith.constant 112 : index
        %get3A_712 = tpu.vector_load %arg15[%get3A_710, %get3A_711] {strides = array<i32>} : memref<80x128xf32, #tpu.memory_space<vmem>>, vector<16xf32>,
        %mul3A_713 = arith.mulf %get3A_712, %gather3A_660 : vector<16xf32>
        %swap3A_714 = arith.index_cast %scan3A_655 : i32 to index
        %swap3A_715 = arith.constant 112 : index
        %swap3A_716 = tpu.vector_load %arg15[%swap3A_714, %swap3A_715] {strides = array<i32>} : memref<80x128xf32, #tpu.memory_space<vmem>>, vector<16xf32>,
        tpu.vector_store %arg15[%swap3A_714, %swap3A_715], %mul3A_713 {strides = array<i32>} : memref<80x128xf32, #tpu.memory_space<vmem>>, vector<16xf32>,
        %scan3A_717 = arith.constant 2 : i32
        %scan3A_718 = arith.addi %scan3A_592, %scan3A_717 : i32
        %broadcast_in_dim3A_719 = arith.constant 0 : i32
        %broadcast_in_dim3A_720 = vector.broadcast %broadcast_in_dim3A_719 : i32 to vector<16xi32>
        %add3A_721 = vector.broadcast %scan3A_718 : i32 to vector<16xi32>
        %add3A_722 = arith.addi %broadcast_in_dim3A_720, %add3A_721 : vector<16xi32>
        %gather3A_723 = tpu.vector_load_idx %arg17[%add3A_722] : memref<80xf32, #tpu.memory_space<vmem>>[vector<16xi32>], vector<16xf32>,
        %get3A_724 = arith.index_cast %scan3A_718 : i32 to index
        %get3A_725 = arith.constant 0 : index
        %get3A_726 = tpu.vector_load %arg15[%get3A_724, %get3A_725] {strides = array<i32>} : memref<80x128xf32, #tpu.memory_space<vmem>>, vector<16xf32>,
        %mul3A_727 = arith.mulf %get3A_726, %gather3A_723 : vector<16xf32>
        %swap3A_728 = arith.index_cast %scan3A_718 : i32 to index
        %swap3A_729 = arith.constant 0 : index
        %swap3A_730 = tpu.vector_load %arg15[%swap3A_728, %swap3A_729] {strides = array<i32>} : memref<80x128xf32, #tpu.memory_space<vmem>>, vector<16xf32>,
        tpu.vector_store %arg15[%swap3A_728, %swap3A_729], %mul3A_727 {strides = array<i32>} : memref<80x128xf32, #tpu.memory_space<vmem>>, vector<16xf32>,
        %get3A_731 = arith.index_cast %scan3A_718 : i32 to index
        %get3A_732 = arith.constant 16 : index
        %get3A_733 = tpu.vector_load %arg15[%get3A_731, %get3A_732] {strides = array<i32>} : memref<80x128xf32, #tpu.memory_space<vmem>>, vector<16xf32>,
        %mul3A_734 = arith.mulf %get3A_733, %gather3A_723 : vector<16xf32>
        %swap3A_735 = arith.index_cast %scan3A_718 : i32 to index
        %swap3A_736 = arith.constant 16 : index
        %swap3A_737 = tpu.vector_load %arg15[%swap3A_735, %swap3A_736] {strides = array<i32>} : memref<80x128xf32, #tpu.memory_space<vmem>>, vector<16xf32>,
        tpu.vector_store %arg15[%swap3A_735, %swap3A_736], %mul3A_734 {strides = array<i32>} : memref<80x128xf32, #tpu.memory_space<vmem>>, vector<16xf32>,
        %get3A_738 = arith.index_cast %scan3A_718 : i32 to index
        %get3A_739 = arith.constant 32 : index
        %get3A_740 = tpu.vector_load %arg15[%get3A_738, %get3A_739] {strides = array<i32>} : memref<80x128xf32, #tpu.memory_space<vmem>>, vector<16xf32>,
        %mul3A_741 = arith.mulf %get3A_740, %gather3A_723 : vector<16xf32>
        %swap3A_742 = arith.index_cast %scan3A_718 : i32 to index
        %swap3A_743 = arith.constant 32 : index
        %swap3A_744 = tpu.vector_load %arg15[%swap3A_742, %swap3A_743] {strides = array<i32>} : memref<80x128xf32, #tpu.memory_space<vmem>>, vector<16xf32>,
        tpu.vector_store %arg15[%swap3A_742, %swap3A_743], %mul3A_741 {strides = array<i32>} : memref<80x128xf32, #tpu.memory_space<vmem>>, vector<16xf32>,
        %get3A_745 = arith.index_cast %scan3A_718 : i32 to index
        %get3A_746 = arith.constant 48 : index
        %get3A_747 = tpu.vector_load %arg15[%get3A_745, %get3A_746] {strides = array<i32>} : memref<80x128xf32, #tpu.memory_space<vmem>>, vector<16xf32>,
        %mul3A_748 = arith.mulf %get3A_747, %gather3A_723 : vector<16xf32>
        %swap3A_749 = arith.index_cast %scan3A_718 : i32 to index
        %swap3A_750 = arith.constant 48 : index
        %swap3A_751 = tpu.vector_load %arg15[%swap3A_749, %swap3A_750] {strides = array<i32>} : memref<80x128xf32, #tpu.memory_space<vmem>>, vector<16xf32>,
        tpu.vector_store %arg15[%swap3A_749, %swap3A_750], %mul3A_748 {strides = array<i32>} : memref<80x128xf32, #tpu.memory_space<vmem>>, vector<16xf32>,
        %get3A_752 = arith.index_cast %scan3A_718 : i32 to index
        %get3A_753 = arith.constant 64 : index
        %get3A_754 = tpu.vector_load %arg15[%get3A_752, %get3A_753] {strides = array<i32>} : memref<80x128xf32, #tpu.memory_space<vmem>>, vector<16xf32>,
        %mul3A_755 = arith.mulf %get3A_754, %gather3A_723 : vector<16xf32>
        %swap3A_756 = arith.index_cast %scan3A_718 : i32 to index
        %swap3A_757 = arith.constant 64 : index
        %swap3A_758 = tpu.vector_load %arg15[%swap3A_756, %swap3A_757] {strides = array<i32>} : memref<80x128xf32, #tpu.memory_space<vmem>>, vector<16xf32>,
        tpu.vector_store %arg15[%swap3A_756, %swap3A_757], %mul3A_755 {strides = array<i32>} : memref<80x128xf32, #tpu.memory_space<vmem>>, vector<16xf32>,
        %get3A_759 = arith.index_cast %scan3A_718 : i32 to index
        %get3A_760 = arith.constant 80 : index
        %get3A_761 = tpu.vector_load %arg15[%get3A_759, %get3A_760] {strides = array<i32>} : memref<80x128xf32, #tpu.memory_space<vmem>>, vector<16xf32>,
        %mul3A_762 = arith.mulf %get3A_761, %gather3A_723 : vector<16xf32>
        %swap3A_763 = arith.index_cast %scan3A_718 : i32 to index
        %swap3A_764 = arith.constant 80 : index
        %swap3A_765 = tpu.vector_load %arg15[%swap3A_763, %swap3A_764] {strides = array<i32>} : memref<80x128xf32, #tpu.memory_space<vmem>>, vector<16xf32>,
        tpu.vector_store %arg15[%swap3A_763, %swap3A_764], %mul3A_762 {strides = array<i32>} : memref<80x128xf32, #tpu.memory_space<vmem>>, vector<16xf32>,
        %get3A_766 = arith.index_cast %scan3A_718 : i32 to index
        %get3A_767 = arith.constant 96 : index
        %get3A_768 = tpu.vector_load %arg15[%get3A_766, %get3A_767] {strides = array<i32>} : memref<80x128xf32, #tpu.memory_space<vmem>>, vector<16xf32>,
        %mul3A_769 = arith.mulf %get3A_768, %gather3A_723 : vector<16xf32>
        %swap3A_770 = arith.index_cast %scan3A_718 : i32 to index
        %swap3A_771 = arith.constant 96 : index
        %swap3A_772 = tpu.vector_load %arg15[%swap3A_770, %swap3A_771] {strides = array<i32>} : memref<80x128xf32, #tpu.memory_space<vmem>>, vector<16xf32>,
        tpu.vector_store %arg15[%swap3A_770, %swap3A_771], %mul3A_769 {strides = array<i32>} : memref<80x128xf32, #tpu.memory_space<vmem>>, vector<16xf32>,
        %get3A_773 = arith.index_cast %scan3A_718 : i32 to index
        %get3A_774 = arith.constant 112 : index
        %get3A_775 = tpu.vector_load %arg15[%get3A_773, %get3A_774] {strides = array<i32>} : memref<80x128xf32, #tpu.memory_space<vmem>>, vector<16xf32>,
        %mul3A_776 = arith.mulf %get3A_775, %gather3A_723 : vector<16xf32>
        %swap3A_777 = arith.index_cast %scan3A_718 : i32 to index
        %swap3A_778 = arith.constant 112 : index
        %swap3A_779 = tpu.vector_load %arg15[%swap3A_777, %swap3A_778] {strides = array<i32>} : memref<80x128xf32, #tpu.memory_space<vmem>>, vector<16xf32>,
        tpu.vector_store %arg15[%swap3A_777, %swap3A_778], %mul3A_776 {strides = array<i32>} : memref<80x128xf32, #tpu.memory_space<vmem>>, vector<16xf32>,
        %scan3A_780 = arith.constant 3 : i32
        %scan3A_781 = arith.addi %scan3A_592, %scan3A_780 : i32
        %broadcast_in_dim3A_782 = arith.constant 0 : i32
        %broadcast_in_dim3A_783 = vector.broadcast %broadcast_in_dim3A_782 : i32 to vector<16xi32>
        %add3A_784 = vector.broadcast %scan3A_781 : i32 to vector<16xi32>
        %add3A_785 = arith.addi %broadcast_in_dim3A_783, %add3A_784 : vector<16xi32>
        %gather3A_786 = tpu.vector_load_idx %arg17[%add3A_785] : memref<80xf32, #tpu.memory_space<vmem>>[vector<16xi32>], vector<16xf32>,
        %get3A_787 = arith.index_cast %scan3A_781 : i32 to index
        %get3A_788 = arith.constant 0 : index
        %get3A_789 = tpu.vector_load %arg15[%get3A_787, %get3A_788] {strides = array<i32>} : memref<80x128xf32, #tpu.memory_space<vmem>>, vector<16xf32>,
        %mul3A_790 = arith.mulf %get3A_789, %gather3A_786 : vector<16xf32>
        %swap3A_791 = arith.index_cast %scan3A_781 : i32 to index
        %swap3A_792 = arith.constant 0 : index
        %swap3A_793 = tpu.vector_load %arg15[%swap3A_791, %swap3A_792] {strides = array<i32>} : memref<80x128xf32, #tpu.memory_space<vmem>>, vector<16xf32>,
        tpu.vector_store %arg15[%swap3A_791, %swap3A_792], %mul3A_790 {strides = array<i32>} : memref<80x128xf32, #tpu.memory_space<vmem>>, vector<16xf32>,
        %get3A_794 = arith.index_cast %scan3A_781 : i32 to index
        %get3A_795 = arith.constant 16 : index
        %get3A_796 = tpu.vector_load %arg15[%get3A_794, %get3A_795] {strides = array<i32>} : memref<80x128xf32, #tpu.memory_space<vmem>>, vector<16xf32>,
        %mul3A_797 = arith.mulf %get3A_796, %gather3A_786 : vector<16xf32>
        %swap3A_798 = arith.index_cast %scan3A_781 : i32 to index
        %swap3A_799 = arith.constant 16 : index
        %swap3A_800 = tpu.vector_load %arg15[%swap3A_798, %swap3A_799] {strides = array<i32>} : memref<80x128xf32, #tpu.memory_space<vmem>>, vector<16xf32>,
        tpu.vector_store %arg15[%swap3A_798, %swap3A_799], %mul3A_797 {strides = array<i32>} : memref<80x128xf32, #tpu.memory_space<vmem>>, vector<16xf32>,
        %get3A_801 = arith.index_cast %scan3A_781 : i32 to index
        %get3A_802 = arith.constant 32 : index
        %get3A_803 = tpu.vector_load %arg15[%get3A_801, %get3A_802] {strides = array<i32>} : memref<80x128xf32, #tpu.memory_space<vmem>>, vector<16xf32>,
        %mul3A_804 = arith.mulf %get3A_803, %gather3A_786 : vector<16xf32>
        %swap3A_805 = arith.index_cast %scan3A_781 : i32 to index
        %swap3A_806 = arith.constant 32 : index
        %swap3A_807 = tpu.vector_load %arg15[%swap3A_805, %swap3A_806] {strides = array<i32>} : memref<80x128xf32, #tpu.memory_space<vmem>>, vector<16xf32>,
        tpu.vector_store %arg15[%swap3A_805, %swap3A_806], %mul3A_804 {strides = array<i32>} : memref<80x128xf32, #tpu.memory_space<vmem>>, vector<16xf32>,
        %get3A_808 = arith.index_cast %scan3A_781 : i32 to index
        %get3A_809 = arith.constant 48 : index
        %get3A_810 = tpu.vector_load %arg15[%get3A_808, %get3A_809] {strides = array<i32>} : memref<80x128xf32, #tpu.memory_space<vmem>>, vector<16xf32>,
        %mul3A_811 = arith.mulf %get3A_810, %gather3A_786 : vector<16xf32>
        %swap3A_812 = arith.index_cast %scan3A_781 : i32 to index
        %swap3A_813 = arith.constant 48 : index
        %swap3A_814 = tpu.vector_load %arg15[%swap3A_812, %swap3A_813] {strides = array<i32>} : memref<80x128xf32, #tpu.memory_space<vmem>>, vector<16xf32>,
        tpu.vector_store %arg15[%swap3A_812, %swap3A_813], %mul3A_811 {strides = array<i32>} : memref<80x128xf32, #tpu.memory_space<vmem>>, vector<16xf32>,
        %get3A_815 = arith.index_cast %scan3A_781 : i32 to index
        %get3A_816 = arith.constant 64 : index
        %get3A_817 = tpu.vector_load %arg15[%get3A_815, %get3A_816] {strides = array<i32>} : memref<80x128xf32, #tpu.memory_space<vmem>>, vector<16xf32>,
        %mul3A_818 = arith.mulf %get3A_817, %gather3A_786 : vector<16xf32>
        %swap3A_819 = arith.index_cast %scan3A_781 : i32 to index
        %swap3A_820 = arith.constant 64 : index
        %swap3A_821 = tpu.vector_load %arg15[%swap3A_819, %swap3A_820] {strides = array<i32>} : memref<80x128xf32, #tpu.memory_space<vmem>>, vector<16xf32>,
        tpu.vector_store %arg15[%swap3A_819, %swap3A_820], %mul3A_818 {strides = array<i32>} : memref<80x128xf32, #tpu.memory_space<vmem>>, vector<16xf32>,
        %get3A_822 = arith.index_cast %scan3A_781 : i32 to index
        %get3A_823 = arith.constant 80 : index
        %get3A_824 = tpu.vector_load %arg15[%get3A_822, %get3A_823] {strides = array<i32>} : memref<80x128xf32, #tpu.memory_space<vmem>>, vector<16xf32>,
        %mul3A_825 = arith.mulf %get3A_824, %gather3A_786 : vector<16xf32>
        %swap3A_826 = arith.index_cast %scan3A_781 : i32 to index
        %swap3A_827 = arith.constant 80 : index
        %swap3A_828 = tpu.vector_load %arg15[%swap3A_826, %swap3A_827] {strides = array<i32>} : memref<80x128xf32, #tpu.memory_space<vmem>>, vector<16xf32>,
        tpu.vector_store %arg15[%swap3A_826, %swap3A_827], %mul3A_825 {strides = array<i32>} : memref<80x128xf32, #tpu.memory_space<vmem>>, vector<16xf32>,
        %get3A_829 = arith.index_cast %scan3A_781 : i32 to index
        %get3A_830 = arith.constant 96 : index
        %get3A_831 = tpu.vector_load %arg15[%get3A_829, %get3A_830] {strides = array<i32>} : memref<80x128xf32, #tpu.memory_space<vmem>>, vector<16xf32>,
        %mul3A_832 = arith.mulf %get3A_831, %gather3A_786 : vector<16xf32>
        %swap3A_833 = arith.index_cast %scan3A_781 : i32 to index
        %swap3A_834 = arith.constant 96 : index
        %swap3A_835 = tpu.vector_load %arg15[%swap3A_833, %swap3A_834] {strides = array<i32>} : memref<80x128xf32, #tpu.memory_space<vmem>>, vector<16xf32>,
        tpu.vector_store %arg15[%swap3A_833, %swap3A_834], %mul3A_832 {strides = array<i32>} : memref<80x128xf32, #tpu.memory_space<vmem>>, vector<16xf32>,
        %get3A_836 = arith.index_cast %scan3A_781 : i32 to index
        %get3A_837 = arith.constant 112 : index
        %get3A_838 = tpu.vector_load %arg15[%get3A_836, %get3A_837] {strides = array<i32>} : memref<80x128xf32, #tpu.memory_space<vmem>>, vector<16xf32>,
        %mul3A_839 = arith.mulf %get3A_838, %gather3A_786 : vector<16xf32>
        %swap3A_840 = arith.index_cast %scan3A_781 : i32 to index
        %swap3A_841 = arith.constant 112 : index
        %swap3A_842 = tpu.vector_load %arg15[%swap3A_840, %swap3A_841] {strides = array<i32>} : memref<80x128xf32, #tpu.memory_space<vmem>>, vector<16xf32>,
        tpu.vector_store %arg15[%swap3A_840, %swap3A_841], %mul3A_839 {strides = array<i32>} : memref<80x128xf32, #tpu.memory_space<vmem>>, vector<16xf32>,
      }
      %scan3A_591 = arith.constant 80 : i32
      "tpu.region"() ({
        %run_scoped3A = tpu.sem_alloc : memref<!tpu.dma_semaphore, #tpu.memory_space<semaphore_mem>>
        %dma_start3A_592 = arith.constant 0 : i32
        %dma_start3A_593 = arith.constant 0 : i32
        %dma_start3A_594 = tpu.memref_slice %arg21[%dma_start3A_592, %dma_start3A_593] : memref<10112x16xf32, #tpu.memory_space<vmem_shared>> -> memref<10112x16xf32, #tpu.memory_space<vmem_shared>>
        tpu.enqueue_indirect_dma source(%arg16 : memref<80x16xf32, #tpu.memory_space<vmem>>) target(%dma_start3A_594 : memref<10112x16xf32, #tpu.memory_space<vmem_shared>>) offsets(%arg14 : memref<80xi32, #tpu.memory_space<vmem>>) semaphore(%run_scoped3A : memref<!tpu.dma_semaphore, #tpu.memory_space<semaphore_mem>>) {add = true}
        %dma_wait3A_595 = arith.constant 0 : i32
        %dma_wait3A_596 = arith.constant 0 : i32
        %dma_wait3A_597 = tpu.memref_slice %arg21[%dma_wait3A_595, %dma_wait3A_596] : memref<10112x16xf32, #tpu.memory_space<vmem_shared>> -> memref<10112x16xf32, #tpu.memory_space<vmem_shared>>
        tpu.wait_indirect_dma semaphore(%run_scoped3A : memref<!tpu.dma_semaphore, #tpu.memory_space<semaphore_mem>>) src(%arg16 : memref<80x16xf32, #tpu.memory_space<vmem>>) dst(%dma_wait3A_597 : memref<10112x16xf32, #tpu.memory_space<vmem_shared>>)
        tpu.yield
      }) : () -> ()
      "tpu.region"() ({
        %run_scoped3A = tpu.sem_alloc : memref<!tpu.dma_semaphore, #tpu.memory_space<semaphore_mem>>
        %dma_start3A_592 = arith.constant 0 : i32
        %dma_start3A_593 = arith.constant 0 : i32
        %dma_start3A_594 = tpu.memref_slice %arg20[%dma_start3A_592, %dma_start3A_593] : memref<10112x128xf32, #tpu.memory_space<vmem_shared>> -> memref<10112x128xf32, #tpu.memory_space<vmem_shared>>
        tpu.enqueue_indirect_dma source(%arg15 : memref<80x128xf32, #tpu.memory_space<vmem>>) target(%dma_start3A_594 : memref<10112x128xf32, #tpu.memory_space<vmem_shared>>) offsets(%arg14 : memref<80xi32, #tpu.memory_space<vmem>>) semaphore(%run_scoped3A : memref<!tpu.dma_semaphore, #tpu.memory_space<semaphore_mem>>) {add = true}
        %dma_wait3A_595 = arith.constant 0 : i32
        %dma_wait3A_596 = arith.constant 0 : i32
        %dma_wait3A_597 = tpu.memref_slice %arg20[%dma_wait3A_595, %dma_wait3A_596] : memref<10112x128xf32, #tpu.memory_space<vmem_shared>> -> memref<10112x128xf32, #tpu.memory_space<vmem_shared>>
        tpu.wait_indirect_dma semaphore(%run_scoped3A : memref<!tpu.dma_semaphore, #tpu.memory_space<semaphore_mem>>) src(%arg15 : memref<80x128xf32, #tpu.memory_space<vmem>>) dst(%dma_wait3A_597 : memref<10112x128xf32, #tpu.memory_space<vmem_shared>>)
        tpu.yield
      }) : () -> ()
    }
    %scan3A_491 = arith.constant 125 : i32
    %barrier3A_492 = arith.constant 0 : index
    tpu.barrier barrier_id(%barrier3A_492)
    %mul3A_493 = arith.constant 632 : i32
    %mul3A_494 = arith.muli %arg1, %mul3A_493 : i32
    %eq3A = arith.constant 0 : i32
    %eq3A_495 = arith.cmpi eq, %arg0, %eq3A : i32
    %convert_element_type3A = arith.extui %eq3A_495 : i1 to i32
    %cond3A = arith.constant 0 : i32
    %cond3A_496 = arith.cmpi ne, %convert_element_type3A, %cond3A : i32
    scf.if %cond3A_496 {
      "tpu.region"() ({
        %run_scoped3A = tpu.sem_alloc : memref<!tpu.dma_semaphore, #tpu.memory_space<semaphore_mem>>
        %dma_start3A = arith.constant 0 : i32
        %dma_start3A_502 = tpu.memref_slice %arg9[%mul3A_494, %dma_start3A] : memref<10112x128xf32, #tpu.memory_space<hbm>> -> memref<632x128xf32, #tpu.memory_space<hbm>>
        %dma_start3A_503 = arith.constant 0 : i32
        %dma_start3A_504 = tpu.memref_slice %arg20[%mul3A_494, %dma_start3A_503] : memref<10112x128xf32, #tpu.memory_space<vmem_shared>> -> memref<632x128xf32, #tpu.memory_space<vmem_shared>>
        tpu.enqueue_dma source(%dma_start3A_504 : memref<632x128xf32, #tpu.memory_space<vmem_shared>>) target(%dma_start3A_502 : memref<632x128xf32, #tpu.memory_space<hbm>>) target_semaphore(%run_scoped3A : memref<!tpu.dma_semaphore, #tpu.memory_space<semaphore_mem>>)
        %dma_wait3A = arith.constant 0 : i32
        %dma_wait3A_505 = tpu.memref_slice %arg9[%mul3A_494, %dma_wait3A] : memref<10112x128xf32, #tpu.memory_space<hbm>> -> memref<632x128xf32, #tpu.memory_space<hbm>>
        %dma_wait3A_506 = arith.constant 0 : i32
        %dma_wait3A_507 = tpu.memref_slice %arg20[%mul3A_494, %dma_wait3A_506] : memref<10112x128xf32, #tpu.memory_space<vmem_shared>> -> memref<632x128xf32, #tpu.memory_space<vmem_shared>>
        tpu.wait_dma2 semaphore(%run_scoped3A : memref<!tpu.dma_semaphore, #tpu.memory_space<semaphore_mem>>) src(%dma_wait3A_507 : memref<632x128xf32, #tpu.memory_space<vmem_shared>>) dst(%dma_wait3A_505 : memref<632x128xf32, #tpu.memory_space<hbm>>)
        tpu.yield
      }) : () -> ()
      "tpu.region"() ({
        %run_scoped3A = tpu.sem_alloc : memref<!tpu.dma_semaphore, #tpu.memory_space<semaphore_mem>>
        %dma_start3A = arith.constant 0 : i32
        %dma_start3A_502 = tpu.memref_slice %arg11[%mul3A_494, %dma_start3A] : memref<10112x16xf32, #tpu.memory_space<hbm>> -> memref<632x16xf32, #tpu.memory_space<hbm>>
        %dma_start3A_503 = arith.constant 0 : i32
        %dma_start3A_504 = tpu.memref_slice %arg21[%mul3A_494, %dma_start3A_503] : memref<10112x16xf32, #tpu.memory_space<vmem_shared>> -> memref<632x16xf32, #tpu.memory_space<vmem_shared>>
        tpu.enqueue_dma source(%dma_start3A_504 : memref<632x16xf32, #tpu.memory_space<vmem_shared>>) target(%dma_start3A_502 : memref<632x16xf32, #tpu.memory_space<hbm>>) target_semaphore(%run_scoped3A : memref<!tpu.dma_semaphore, #tpu.memory_space<semaphore_mem>>)
        %dma_wait3A = arith.constant 0 : i32
        %dma_wait3A_505 = tpu.memref_slice %arg11[%mul3A_494, %dma_wait3A] : memref<10112x16xf32, #tpu.memory_space<hbm>> -> memref<632x16xf32, #tpu.memory_space<hbm>>
        %dma_wait3A_506 = arith.constant 0 : i32
        %dma_wait3A_507 = tpu.memref_slice %arg21[%mul3A_494, %dma_wait3A_506] : memref<10112x16xf32, #tpu.memory_space<vmem_shared>> -> memref<632x16xf32, #tpu.memory_space<vmem_shared>>
        tpu.wait_dma2 semaphore(%run_scoped3A : memref<!tpu.dma_semaphore, #tpu.memory_space<semaphore_mem>>) src(%dma_wait3A_507 : memref<632x16xf32, #tpu.memory_space<vmem_shared>>) dst(%dma_wait3A_505 : memref<632x16xf32, #tpu.memory_space<hbm>>)
        tpu.yield
      }) : () -> ()
    } else {
    }
    %eq3A_497 = arith.constant 1 : i32
    %eq3A_498 = arith.cmpi eq, %arg0, %eq3A_497 : i32
    %convert_element_type3A_499 = arith.extui %eq3A_498 : i1 to i32
    %cond3A_500 = arith.constant 0 : i32
    %cond3A_501 = arith.cmpi ne, %convert_element_type3A_499, %cond3A_500 : i32
    scf.if %cond3A_501 {
      "tpu.region"() ({
        %run_scoped3A = tpu.sem_alloc : memref<!tpu.dma_semaphore, #tpu.memory_space<semaphore_mem>>
        %dma_start3A = arith.constant 0 : i32
        %dma_start3A_502 = tpu.memref_slice %arg10[%mul3A_494, %dma_start3A] : memref<10112x128xf32, #tpu.memory_space<hbm>> -> memref<632x128xf32, #tpu.memory_space<hbm>>
        %dma_start3A_503 = arith.constant 0 : i32
        %dma_start3A_504 = tpu.memref_slice %arg20[%mul3A_494, %dma_start3A_503] : memref<10112x128xf32, #tpu.memory_space<vmem_shared>> -> memref<632x128xf32, #tpu.memory_space<vmem_shared>>
        tpu.enqueue_dma source(%dma_start3A_504 : memref<632x128xf32, #tpu.memory_space<vmem_shared>>) target(%dma_start3A_502 : memref<632x128xf32, #tpu.memory_space<hbm>>) target_semaphore(%run_scoped3A : memref<!tpu.dma_semaphore, #tpu.memory_space<semaphore_mem>>)
        %dma_wait3A = arith.constant 0 : i32
        %dma_wait3A_505 = tpu.memref_slice %arg10[%mul3A_494, %dma_wait3A] : memref<10112x128xf32, #tpu.memory_space<hbm>> -> memref<632x128xf32, #tpu.memory_space<hbm>>
        %dma_wait3A_506 = arith.constant 0 : i32
        %dma_wait3A_507 = tpu.memref_slice %arg20[%mul3A_494, %dma_wait3A_506] : memref<10112x128xf32, #tpu.memory_space<vmem_shared>> -> memref<632x128xf32, #tpu.memory_space<vmem_shared>>
        tpu.wait_dma2 semaphore(%run_scoped3A : memref<!tpu.dma_semaphore, #tpu.memory_space<semaphore_mem>>) src(%dma_wait3A_507 : memref<632x128xf32, #tpu.memory_space<vmem_shared>>) dst(%dma_wait3A_505 : memref<632x128xf32, #tpu.memory_space<hbm>>)
        tpu.yield
      }) : () -> ()
      "tpu.region"() ({
        %run_scoped3A = tpu.sem_alloc : memref<!tpu.dma_semaphore, #tpu.memory_space<semaphore_mem>>
        %dma_start3A = arith.constant 0 : i32
        %dma_start3A_502 = tpu.memref_slice %arg12[%mul3A_494, %dma_start3A] : memref<10112x16xf32, #tpu.memory_space<hbm>> -> memref<632x16xf32, #tpu.memory_space<hbm>>
        %dma_start3A_503 = arith.constant 0 : i32
        %dma_start3A_504 = tpu.memref_slice %arg21[%mul3A_494, %dma_start3A_503] : memref<10112x16xf32, #tpu.memory_space<vmem_shared>> -> memref<632x16xf32, #tpu.memory_space<vmem_shared>>
        tpu.enqueue_dma source(%dma_start3A_504 : memref<632x16xf32, #tpu.memory_space<vmem_shared>>) target(%dma_start3A_502 : memref<632x16xf32, #tpu.memory_space<hbm>>) target_semaphore(%run_scoped3A : memref<!tpu.dma_semaphore, #tpu.memory_space<semaphore_mem>>)
        %dma_wait3A = arith.constant 0 : i32
        %dma_wait3A_505 = tpu.memref_slice %arg12[%mul3A_494, %dma_wait3A] : memref<10112x16xf32, #tpu.memory_space<hbm>> -> memref<632x16xf32, #tpu.memory_space<hbm>>
        %dma_wait3A_506 = arith.constant 0 : i32
        %dma_wait3A_507 = tpu.memref_slice %arg21[%mul3A_494, %dma_wait3A_506] : memref<10112x16xf32, #tpu.memory_space<vmem_shared>> -> memref<632x16xf32, #tpu.memory_space<vmem_shared>>
        tpu.wait_dma2 semaphore(%run_scoped3A : memref<!tpu.dma_semaphore, #tpu.memory_space<semaphore_mem>>) src(%dma_wait3A_507 : memref<632x16xf32, #tpu.memory_space<vmem_shared>>) dst(%dma_wait3A_505 : memref<632x16xf32, #tpu.memory_space<hbm>>)
        tpu.yield
      }) : () -> ()
    } else {
    }
    return
  }
}

#map = affine_map<(d0, d1) -> (0)>
#map1 = affine_map<(d0, d1) -> (0, 0)>
module attributes {stable_mosaic.version = 14 : i64} {
  func.func @_gather_pass_body(%arg0: i32, %arg1: i32, %arg2: memref<320000xi32, #tpu.memory_space<hbm>>, %arg3: memref<320000xi32, #tpu.memory_space<hbm>>, %arg4: memref<10000x32xf32, #tpu.memory_space<hbm>>, %arg5: memref<320000x32xf32, #tpu.memory_space<hbm>>, %arg6: memref<320000x32xf32, #tpu.memory_space<hbm>>, %arg7: memref<80xi32, #tpu.memory_space<vmem>>, %arg8: memref<80xi32, #tpu.memory_space<vmem>>, %arg9: memref<80xi32, #tpu.memory_space<vmem>>, %arg10: memref<80xi32, #tpu.memory_space<vmem>>, %arg11: memref<80x32xf32, #tpu.memory_space<vmem>>, %arg12: memref<80x32xf32, #tpu.memory_space<vmem>>, %arg13: memref<80x32xf32, #tpu.memory_space<vmem>>, %arg14: memref<80x32xf32, #tpu.memory_space<vmem>>, %arg15: memref<!tpu.dma_semaphore, #tpu.memory_space<semaphore_mem>>, %arg16: memref<!tpu.dma_semaphore, #tpu.memory_space<semaphore_mem>>) attributes {dimension_semantics = [#tpu.dimension_semantics<core_parallel>, #tpu.dimension_semantics<subcore_parallel>], iteration_bounds = array<i64: 2, 16>, scalar_prefetch = 0 : i64, scratch_operands = 10 : i64, tpu.core_type = #tpu.core_type<sc_vector_subcore>, window_params = [{transform_indices = #map}, {transform_indices = #map}, {transform_indices = #map1}, {transform_indices = #map1}, {transform_indices = #map1}]} {
    %mul3A = arith.constant 2 : i32
    %mul3A_0 = arith.muli %arg1, %mul3A : i32
    %add3A = arith.addi %mul3A_0, %arg0 : i32
    %mul3A_1 = arith.constant 10000 : i32
    %mul3A_2 = arith.muli %add3A, %mul3A_1 : i32
    %add3A_3 = arith.constant 0 : i32
    %add3A_4 = arith.addi %mul3A_2, %add3A_3 : i32
    "tpu.region"() ({
      %run_scoped3A = tpu.sem_alloc : memref<!tpu.dma_semaphore, #tpu.memory_space<semaphore_mem>>
      %dma_start3A_32 = tpu.memref_slice %arg2[%add3A_4] : memref<320000xi32, #tpu.memory_space<hbm>> -> memref<80xi32, #tpu.memory_space<hbm>>
      %dma_start3A_33 = tpu.memref_slice %arg2[%add3A_4] : memref<320000xi32, #tpu.memory_space<hbm>> -> memref<80xi32, #tpu.memory_space<hbm>>
      tpu.enqueue_dma source(%dma_start3A_33 : memref<80xi32, #tpu.memory_space<hbm>>) target(%arg7 : memref<80xi32, #tpu.memory_space<vmem>>) target_semaphore(%run_scoped3A : memref<!tpu.dma_semaphore, #tpu.memory_space<semaphore_mem>>)
      %dma_wait3A_34 = tpu.memref_slice %arg2[%add3A_4] : memref<320000xi32, #tpu.memory_space<hbm>> -> memref<80xi32, #tpu.memory_space<hbm>>
      %dma_wait3A_35 = tpu.memref_slice %arg2[%add3A_4] : memref<320000xi32, #tpu.memory_space<hbm>> -> memref<80xi32, #tpu.memory_space<hbm>>
      tpu.wait_dma2 semaphore(%run_scoped3A : memref<!tpu.dma_semaphore, #tpu.memory_space<semaphore_mem>>) src(%dma_wait3A_35 : memref<80xi32, #tpu.memory_space<hbm>>) dst(%arg7 : memref<80xi32, #tpu.memory_space<vmem>>)
      tpu.yield
    }) : () -> ()
    "tpu.region"() ({
      %run_scoped3A = tpu.sem_alloc : memref<!tpu.dma_semaphore, #tpu.memory_space<semaphore_mem>>
      %dma_start3A_32 = tpu.memref_slice %arg3[%add3A_4] : memref<320000xi32, #tpu.memory_space<hbm>> -> memref<80xi32, #tpu.memory_space<hbm>>
      %dma_start3A_33 = tpu.memref_slice %arg3[%add3A_4] : memref<320000xi32, #tpu.memory_space<hbm>> -> memref<80xi32, #tpu.memory_space<hbm>>
      tpu.enqueue_dma source(%dma_start3A_33 : memref<80xi32, #tpu.memory_space<hbm>>) target(%arg9 : memref<80xi32, #tpu.memory_space<vmem>>) target_semaphore(%run_scoped3A : memref<!tpu.dma_semaphore, #tpu.memory_space<semaphore_mem>>)
      %dma_wait3A_34 = tpu.memref_slice %arg3[%add3A_4] : memref<320000xi32, #tpu.memory_space<hbm>> -> memref<80xi32, #tpu.memory_space<hbm>>
      %dma_wait3A_35 = tpu.memref_slice %arg3[%add3A_4] : memref<320000xi32, #tpu.memory_space<hbm>> -> memref<80xi32, #tpu.memory_space<hbm>>
      tpu.wait_dma2 semaphore(%run_scoped3A : memref<!tpu.dma_semaphore, #tpu.memory_space<semaphore_mem>>) src(%dma_wait3A_35 : memref<80xi32, #tpu.memory_space<hbm>>) dst(%arg9 : memref<80xi32, #tpu.memory_space<vmem>>)
      tpu.yield
    }) : () -> ()
    %dma_start3A = arith.constant 0 : i32
    %dma_start3A_5 = arith.constant 0 : i32
    %dma_start3A_6 = tpu.memref_slice %arg4[%dma_start3A, %dma_start3A_5] : memref<10000x32xf32, #tpu.memory_space<hbm>> -> memref<10000x32xf32, #tpu.memory_space<hbm>>
    tpu.enqueue_indirect_dma source(%dma_start3A_6 : memref<10000x32xf32, #tpu.memory_space<hbm>>) target(%arg11 : memref<80x32xf32, #tpu.memory_space<vmem>>) offsets(%arg7 : memref<80xi32, #tpu.memory_space<vmem>>) semaphore(%arg15 : memref<!tpu.dma_semaphore, #tpu.memory_space<semaphore_mem>>)
    %dma_start3A_7 = arith.constant 0 : i32
    %dma_start3A_8 = arith.constant 0 : i32
    %dma_start3A_9 = tpu.memref_slice %arg4[%dma_start3A_7, %dma_start3A_8] : memref<10000x32xf32, #tpu.memory_space<hbm>> -> memref<10000x32xf32, #tpu.memory_space<hbm>>
    tpu.enqueue_indirect_dma source(%dma_start3A_9 : memref<10000x32xf32, #tpu.memory_space<hbm>>) target(%arg13 : memref<80x32xf32, #tpu.memory_space<vmem>>) offsets(%arg9 : memref<80xi32, #tpu.memory_space<vmem>>) semaphore(%arg15 : memref<!tpu.dma_semaphore, #tpu.memory_space<semaphore_mem>>)
    %add3A_10 = arith.constant 80 : i32
    %add3A_11 = arith.addi %mul3A_2, %add3A_10 : i32
    "tpu.region"() ({
      %run_scoped3A = tpu.sem_alloc : memref<!tpu.dma_semaphore, #tpu.memory_space<semaphore_mem>>
      %dma_start3A_32 = tpu.memref_slice %arg2[%add3A_11] : memref<320000xi32, #tpu.memory_space<hbm>> -> memref<80xi32, #tpu.memory_space<hbm>>
      %dma_start3A_33 = tpu.memref_slice %arg2[%add3A_11] : memref<320000xi32, #tpu.memory_space<hbm>> -> memref<80xi32, #tpu.memory_space<hbm>>
      tpu.enqueue_dma source(%dma_start3A_33 : memref<80xi32, #tpu.memory_space<hbm>>) target(%arg8 : memref<80xi32, #tpu.memory_space<vmem>>) target_semaphore(%run_scoped3A : memref<!tpu.dma_semaphore, #tpu.memory_space<semaphore_mem>>)
      %dma_wait3A_34 = tpu.memref_slice %arg2[%add3A_11] : memref<320000xi32, #tpu.memory_space<hbm>> -> memref<80xi32, #tpu.memory_space<hbm>>
      %dma_wait3A_35 = tpu.memref_slice %arg2[%add3A_11] : memref<320000xi32, #tpu.memory_space<hbm>> -> memref<80xi32, #tpu.memory_space<hbm>>
      tpu.wait_dma2 semaphore(%run_scoped3A : memref<!tpu.dma_semaphore, #tpu.memory_space<semaphore_mem>>) src(%dma_wait3A_35 : memref<80xi32, #tpu.memory_space<hbm>>) dst(%arg8 : memref<80xi32, #tpu.memory_space<vmem>>)
      tpu.yield
    }) : () -> ()
    "tpu.region"() ({
      %run_scoped3A = tpu.sem_alloc : memref<!tpu.dma_semaphore, #tpu.memory_space<semaphore_mem>>
      %dma_start3A_32 = tpu.memref_slice %arg3[%add3A_11] : memref<320000xi32, #tpu.memory_space<hbm>> -> memref<80xi32, #tpu.memory_space<hbm>>
      %dma_start3A_33 = tpu.memref_slice %arg3[%add3A_11] : memref<320000xi32, #tpu.memory_space<hbm>> -> memref<80xi32, #tpu.memory_space<hbm>>
      tpu.enqueue_dma source(%dma_start3A_33 : memref<80xi32, #tpu.memory_space<hbm>>) target(%arg10 : memref<80xi32, #tpu.memory_space<vmem>>) target_semaphore(%run_scoped3A : memref<!tpu.dma_semaphore, #tpu.memory_space<semaphore_mem>>)
      %dma_wait3A_34 = tpu.memref_slice %arg3[%add3A_11] : memref<320000xi32, #tpu.memory_space<hbm>> -> memref<80xi32, #tpu.memory_space<hbm>>
      %dma_wait3A_35 = tpu.memref_slice %arg3[%add3A_11] : memref<320000xi32, #tpu.memory_space<hbm>> -> memref<80xi32, #tpu.memory_space<hbm>>
      tpu.wait_dma2 semaphore(%run_scoped3A : memref<!tpu.dma_semaphore, #tpu.memory_space<semaphore_mem>>) src(%dma_wait3A_35 : memref<80xi32, #tpu.memory_space<hbm>>) dst(%arg10 : memref<80xi32, #tpu.memory_space<vmem>>)
      tpu.yield
    }) : () -> ()
    %dma_start3A_12 = arith.constant 0 : i32
    %dma_start3A_13 = arith.constant 0 : i32
    %dma_start3A_14 = tpu.memref_slice %arg4[%dma_start3A_12, %dma_start3A_13] : memref<10000x32xf32, #tpu.memory_space<hbm>> -> memref<10000x32xf32, #tpu.memory_space<hbm>>
    tpu.enqueue_indirect_dma source(%dma_start3A_14 : memref<10000x32xf32, #tpu.memory_space<hbm>>) target(%arg12 : memref<80x32xf32, #tpu.memory_space<vmem>>) offsets(%arg8 : memref<80xi32, #tpu.memory_space<vmem>>) semaphore(%arg16 : memref<!tpu.dma_semaphore, #tpu.memory_space<semaphore_mem>>)
    %dma_start3A_15 = arith.constant 0 : i32
    %dma_start3A_16 = arith.constant 0 : i32
    %dma_start3A_17 = tpu.memref_slice %arg4[%dma_start3A_15, %dma_start3A_16] : memref<10000x32xf32, #tpu.memory_space<hbm>> -> memref<10000x32xf32, #tpu.memory_space<hbm>>
    tpu.enqueue_indirect_dma source(%dma_start3A_17 : memref<10000x32xf32, #tpu.memory_space<hbm>>) target(%arg14 : memref<80x32xf32, #tpu.memory_space<vmem>>) offsets(%arg10 : memref<80xi32, #tpu.memory_space<vmem>>) semaphore(%arg16 : memref<!tpu.dma_semaphore, #tpu.memory_space<semaphore_mem>>)
    %scan3A = arith.constant 0 : i32
    %scan3A_18 = arith.constant 0 : i32
    %scan3A_19 = arith.constant 62 : i32
    %scan3A_20 = arith.addi %scan3A_18, %scan3A_19 : i32
    %scan3A_21 = arith.constant 1 : i32
    scf.for %scan3A_32 = %scan3A_18 to %scan3A_20 step %scan3A_21  : i32 {
      %mul3A_33 = arith.constant 2 : i32
      %mul3A_34 = arith.muli %mul3A_33, %scan3A_32 : i32
      %mul3A_35 = arith.constant 80 : i32
      %mul3A_36 = arith.muli %mul3A_34, %mul3A_35 : i32
      %add3A_37 = arith.addi %mul3A_2, %mul3A_36 : i32
      %dma_wait3A_38 = arith.constant 0 : i32
      %dma_wait3A_39 = tpu.memref_slice %arg4[%mul3A_2, %dma_wait3A_38] : memref<10000x32xf32, #tpu.memory_space<hbm>> -> memref<80x32xf32, #tpu.memory_space<hbm>>
      %dma_wait3A_40 = arith.constant 0 : i32
      %dma_wait3A_41 = tpu.memref_slice %arg4[%mul3A_2, %dma_wait3A_40] : memref<10000x32xf32, #tpu.memory_space<hbm>> -> memref<80x32xf32, #tpu.memory_space<hbm>>
      tpu.wait_dma2 semaphore(%arg15 : memref<!tpu.dma_semaphore, #tpu.memory_space<semaphore_mem>>) src(%dma_wait3A_41 : memref<80x32xf32, #tpu.memory_space<hbm>>) dst(%arg11 : memref<80x32xf32, #tpu.memory_space<vmem>>)
      %dma_wait3A_42 = arith.constant 0 : i32
      %dma_wait3A_43 = tpu.memref_slice %arg4[%mul3A_2, %dma_wait3A_42] : memref<10000x32xf32, #tpu.memory_space<hbm>> -> memref<80x32xf32, #tpu.memory_space<hbm>>
      %dma_wait3A_44 = arith.constant 0 : i32
      %dma_wait3A_45 = tpu.memref_slice %arg4[%mul3A_2, %dma_wait3A_44] : memref<10000x32xf32, #tpu.memory_space<hbm>> -> memref<80x32xf32, #tpu.memory_space<hbm>>
      tpu.wait_dma2 semaphore(%arg15 : memref<!tpu.dma_semaphore, #tpu.memory_space<semaphore_mem>>) src(%dma_wait3A_45 : memref<80x32xf32, #tpu.memory_space<hbm>>) dst(%arg13 : memref<80x32xf32, #tpu.memory_space<vmem>>)
      "tpu.region"() ({
        %run_scoped3A = tpu.sem_alloc : memref<!tpu.dma_semaphore, #tpu.memory_space<semaphore_mem>>
        %dma_start3A_72 = arith.constant 0 : i32
        %dma_start3A_73 = tpu.memref_slice %arg5[%add3A_37, %dma_start3A_72] : memref<320000x32xf32, #tpu.memory_space<hbm>> -> memref<80x32xf32, #tpu.memory_space<hbm>>
        %dma_start3A_74 = arith.constant 0 : i32
        %dma_start3A_75 = tpu.memref_slice %arg5[%add3A_37, %dma_start3A_74] : memref<320000x32xf32, #tpu.memory_space<hbm>> -> memref<80x32xf32, #tpu.memory_space<hbm>>
        tpu.enqueue_dma source(%arg11 : memref<80x32xf32, #tpu.memory_space<vmem>>) target(%dma_start3A_75 : memref<80x32xf32, #tpu.memory_space<hbm>>) target_semaphore(%run_scoped3A : memref<!tpu.dma_semaphore, #tpu.memory_space<semaphore_mem>>)
        %dma_wait3A_76 = arith.constant 0 : i32
        %dma_wait3A_77 = tpu.memref_slice %arg5[%add3A_37, %dma_wait3A_76] : memref<320000x32xf32, #tpu.memory_space<hbm>> -> memref<80x32xf32, #tpu.memory_space<hbm>>
        %dma_wait3A_78 = arith.constant 0 : i32
        %dma_wait3A_79 = tpu.memref_slice %arg5[%add3A_37, %dma_wait3A_78] : memref<320000x32xf32, #tpu.memory_space<hbm>> -> memref<80x32xf32, #tpu.memory_space<hbm>>
        tpu.wait_dma2 semaphore(%run_scoped3A : memref<!tpu.dma_semaphore, #tpu.memory_space<semaphore_mem>>) src(%arg11 : memref<80x32xf32, #tpu.memory_space<vmem>>) dst(%dma_wait3A_79 : memref<80x32xf32, #tpu.memory_space<hbm>>)
        tpu.yield
      }) : () -> ()
      "tpu.region"() ({
        %run_scoped3A = tpu.sem_alloc : memref<!tpu.dma_semaphore, #tpu.memory_space<semaphore_mem>>
        %dma_start3A_72 = arith.constant 0 : i32
        %dma_start3A_73 = tpu.memref_slice %arg6[%add3A_37, %dma_start3A_72] : memref<320000x32xf32, #tpu.memory_space<hbm>> -> memref<80x32xf32, #tpu.memory_space<hbm>>
        %dma_start3A_74 = arith.constant 0 : i32
        %dma_start3A_75 = tpu.memref_slice %arg6[%add3A_37, %dma_start3A_74] : memref<320000x32xf32, #tpu.memory_space<hbm>> -> memref<80x32xf32, #tpu.memory_space<hbm>>
        tpu.enqueue_dma source(%arg13 : memref<80x32xf32, #tpu.memory_space<vmem>>) target(%dma_start3A_75 : memref<80x32xf32, #tpu.memory_space<hbm>>) target_semaphore(%run_scoped3A : memref<!tpu.dma_semaphore, #tpu.memory_space<semaphore_mem>>)
        %dma_wait3A_76 = arith.constant 0 : i32
        %dma_wait3A_77 = tpu.memref_slice %arg6[%add3A_37, %dma_wait3A_76] : memref<320000x32xf32, #tpu.memory_space<hbm>> -> memref<80x32xf32, #tpu.memory_space<hbm>>
        %dma_wait3A_78 = arith.constant 0 : i32
        %dma_wait3A_79 = tpu.memref_slice %arg6[%add3A_37, %dma_wait3A_78] : memref<320000x32xf32, #tpu.memory_space<hbm>> -> memref<80x32xf32, #tpu.memory_space<hbm>>
        tpu.wait_dma2 semaphore(%run_scoped3A : memref<!tpu.dma_semaphore, #tpu.memory_space<semaphore_mem>>) src(%arg13 : memref<80x32xf32, #tpu.memory_space<vmem>>) dst(%dma_wait3A_79 : memref<80x32xf32, #tpu.memory_space<hbm>>)
        tpu.yield
      }) : () -> ()
      %add3A_46 = arith.constant 2 : i32
      %add3A_47 = arith.addi %mul3A_34, %add3A_46 : i32
      %lt3A = arith.constant 125 : i32
      %lt3A_48 = arith.cmpi slt, %add3A_47, %lt3A : i32
      %convert_element_type3A = arith.extui %lt3A_48 : i1 to i32
      %cond3A = arith.constant 0 : i32
      %cond3A_49 = arith.cmpi ne, %convert_element_type3A, %cond3A : i32
      scf.if %cond3A_49 {
        %add3A_72 = arith.constant 2 : i32
        %add3A_73 = arith.addi %mul3A_34, %add3A_72 : i32
        %mul3A_74 = arith.constant 80 : i32
        %mul3A_75 = arith.muli %add3A_73, %mul3A_74 : i32
        %add3A_76 = arith.addi %mul3A_2, %mul3A_75 : i32
        "tpu.region"() ({
          %run_scoped3A = tpu.sem_alloc : memref<!tpu.dma_semaphore, #tpu.memory_space<semaphore_mem>>
          %dma_start3A_83 = tpu.memref_slice %arg2[%add3A_76] : memref<320000xi32, #tpu.memory_space<hbm>> -> memref<80xi32, #tpu.memory_space<hbm>>
          %dma_start3A_84 = tpu.memref_slice %arg2[%add3A_76] : memref<320000xi32, #tpu.memory_space<hbm>> -> memref<80xi32, #tpu.memory_space<hbm>>
          tpu.enqueue_dma source(%dma_start3A_84 : memref<80xi32, #tpu.memory_space<hbm>>) target(%arg7 : memref<80xi32, #tpu.memory_space<vmem>>) target_semaphore(%run_scoped3A : memref<!tpu.dma_semaphore, #tpu.memory_space<semaphore_mem>>)
          %dma_wait3A_85 = tpu.memref_slice %arg2[%add3A_76] : memref<320000xi32, #tpu.memory_space<hbm>> -> memref<80xi32, #tpu.memory_space<hbm>>
          %dma_wait3A_86 = tpu.memref_slice %arg2[%add3A_76] : memref<320000xi32, #tpu.memory_space<hbm>> -> memref<80xi32, #tpu.memory_space<hbm>>
          tpu.wait_dma2 semaphore(%run_scoped3A : memref<!tpu.dma_semaphore, #tpu.memory_space<semaphore_mem>>) src(%dma_wait3A_86 : memref<80xi32, #tpu.memory_space<hbm>>) dst(%arg7 : memref<80xi32, #tpu.memory_space<vmem>>)
          tpu.yield
        }) : () -> ()
        "tpu.region"() ({
          %run_scoped3A = tpu.sem_alloc : memref<!tpu.dma_semaphore, #tpu.memory_space<semaphore_mem>>
          %dma_start3A_83 = tpu.memref_slice %arg3[%add3A_76] : memref<320000xi32, #tpu.memory_space<hbm>> -> memref<80xi32, #tpu.memory_space<hbm>>
          %dma_start3A_84 = tpu.memref_slice %arg3[%add3A_76] : memref<320000xi32, #tpu.memory_space<hbm>> -> memref<80xi32, #tpu.memory_space<hbm>>
          tpu.enqueue_dma source(%dma_start3A_84 : memref<80xi32, #tpu.memory_space<hbm>>) target(%arg9 : memref<80xi32, #tpu.memory_space<vmem>>) target_semaphore(%run_scoped3A : memref<!tpu.dma_semaphore, #tpu.memory_space<semaphore_mem>>)
          %dma_wait3A_85 = tpu.memref_slice %arg3[%add3A_76] : memref<320000xi32, #tpu.memory_space<hbm>> -> memref<80xi32, #tpu.memory_space<hbm>>
          %dma_wait3A_86 = tpu.memref_slice %arg3[%add3A_76] : memref<320000xi32, #tpu.memory_space<hbm>> -> memref<80xi32, #tpu.memory_space<hbm>>
          tpu.wait_dma2 semaphore(%run_scoped3A : memref<!tpu.dma_semaphore, #tpu.memory_space<semaphore_mem>>) src(%dma_wait3A_86 : memref<80xi32, #tpu.memory_space<hbm>>) dst(%arg9 : memref<80xi32, #tpu.memory_space<vmem>>)
          tpu.yield
        }) : () -> ()
        %dma_start3A_77 = arith.constant 0 : i32
        %dma_start3A_78 = arith.constant 0 : i32
        %dma_start3A_79 = tpu.memref_slice %arg4[%dma_start3A_77, %dma_start3A_78] : memref<10000x32xf32, #tpu.memory_space<hbm>> -> memref<10000x32xf32, #tpu.memory_space<hbm>>
        tpu.enqueue_indirect_dma source(%dma_start3A_79 : memref<10000x32xf32, #tpu.memory_space<hbm>>) target(%arg11 : memref<80x32xf32, #tpu.memory_space<vmem>>) offsets(%arg7 : memref<80xi32, #tpu.memory_space<vmem>>) semaphore(%arg15 : memref<!tpu.dma_semaphore, #tpu.memory_space<semaphore_mem>>)
        %dma_start3A_80 = arith.constant 0 : i32
        %dma_start3A_81 = arith.constant 0 : i32
        %dma_start3A_82 = tpu.memref_slice %arg4[%dma_start3A_80, %dma_start3A_81] : memref<10000x32xf32, #tpu.memory_space<hbm>> -> memref<10000x32xf32, #tpu.memory_space<hbm>>
        tpu.enqueue_indirect_dma source(%dma_start3A_82 : memref<10000x32xf32, #tpu.memory_space<hbm>>) target(%arg13 : memref<80x32xf32, #tpu.memory_space<vmem>>) offsets(%arg9 : memref<80xi32, #tpu.memory_space<vmem>>) semaphore(%arg15 : memref<!tpu.dma_semaphore, #tpu.memory_space<semaphore_mem>>)
      } else {
      }
      %mul3A_50 = arith.constant 2 : i32
      %mul3A_51 = arith.muli %mul3A_50, %scan3A_32 : i32
      %add3A_52 = arith.constant 1 : i32
      %add3A_53 = arith.addi %mul3A_51, %add3A_52 : i32
      %mul3A_54 = arith.constant 80 : i32
      %mul3A_55 = arith.muli %add3A_53, %mul3A_54 : i32
      %add3A_56 = arith.addi %mul3A_2, %mul3A_55 : i32
      %dma_wait3A_57 = arith.constant 0 : i32
      %dma_wait3A_58 = tpu.memref_slice %arg4[%mul3A_2, %dma_wait3A_57] : memref<10000x32xf32, #tpu.memory_space<hbm>> -> memref<80x32xf32, #tpu.memory_space<hbm>>
      %dma_wait3A_59 = arith.constant 0 : i32
      %dma_wait3A_60 = tpu.memref_slice %arg4[%mul3A_2, %dma_wait3A_59] : memref<10000x32xf32, #tpu.memory_space<hbm>> -> memref<80x32xf32, #tpu.memory_space<hbm>>
      tpu.wait_dma2 semaphore(%arg16 : memref<!tpu.dma_semaphore, #tpu.memory_space<semaphore_mem>>) src(%dma_wait3A_60 : memref<80x32xf32, #tpu.memory_space<hbm>>) dst(%arg12 : memref<80x32xf32, #tpu.memory_space<vmem>>)
      %dma_wait3A_61 = arith.constant 0 : i32
      %dma_wait3A_62 = tpu.memref_slice %arg4[%mul3A_2, %dma_wait3A_61] : memref<10000x32xf32, #tpu.memory_space<hbm>> -> memref<80x32xf32, #tpu.memory_space<hbm>>
      %dma_wait3A_63 = arith.constant 0 : i32
      %dma_wait3A_64 = tpu.memref_slice %arg4[%mul3A_2, %dma_wait3A_63] : memref<10000x32xf32, #tpu.memory_space<hbm>> -> memref<80x32xf32, #tpu.memory_space<hbm>>
      tpu.wait_dma2 semaphore(%arg16 : memref<!tpu.dma_semaphore, #tpu.memory_space<semaphore_mem>>) src(%dma_wait3A_64 : memref<80x32xf32, #tpu.memory_space<hbm>>) dst(%arg14 : memref<80x32xf32, #tpu.memory_space<vmem>>)
      "tpu.region"() ({
        %run_scoped3A = tpu.sem_alloc : memref<!tpu.dma_semaphore, #tpu.memory_space<semaphore_mem>>
        %dma_start3A_72 = arith.constant 0 : i32
        %dma_start3A_73 = tpu.memref_slice %arg5[%add3A_56, %dma_start3A_72] : memref<320000x32xf32, #tpu.memory_space<hbm>> -> memref<80x32xf32, #tpu.memory_space<hbm>>
        %dma_start3A_74 = arith.constant 0 : i32
        %dma_start3A_75 = tpu.memref_slice %arg5[%add3A_56, %dma_start3A_74] : memref<320000x32xf32, #tpu.memory_space<hbm>> -> memref<80x32xf32, #tpu.memory_space<hbm>>
        tpu.enqueue_dma source(%arg12 : memref<80x32xf32, #tpu.memory_space<vmem>>) target(%dma_start3A_75 : memref<80x32xf32, #tpu.memory_space<hbm>>) target_semaphore(%run_scoped3A : memref<!tpu.dma_semaphore, #tpu.memory_space<semaphore_mem>>)
        %dma_wait3A_76 = arith.constant 0 : i32
        %dma_wait3A_77 = tpu.memref_slice %arg5[%add3A_56, %dma_wait3A_76] : memref<320000x32xf32, #tpu.memory_space<hbm>> -> memref<80x32xf32, #tpu.memory_space<hbm>>
        %dma_wait3A_78 = arith.constant 0 : i32
        %dma_wait3A_79 = tpu.memref_slice %arg5[%add3A_56, %dma_wait3A_78] : memref<320000x32xf32, #tpu.memory_space<hbm>> -> memref<80x32xf32, #tpu.memory_space<hbm>>
        tpu.wait_dma2 semaphore(%run_scoped3A : memref<!tpu.dma_semaphore, #tpu.memory_space<semaphore_mem>>) src(%arg12 : memref<80x32xf32, #tpu.memory_space<vmem>>) dst(%dma_wait3A_79 : memref<80x32xf32, #tpu.memory_space<hbm>>)
        tpu.yield
      }) : () -> ()
      "tpu.region"() ({
        %run_scoped3A = tpu.sem_alloc : memref<!tpu.dma_semaphore, #tpu.memory_space<semaphore_mem>>
        %dma_start3A_72 = arith.constant 0 : i32
        %dma_start3A_73 = tpu.memref_slice %arg6[%add3A_56, %dma_start3A_72] : memref<320000x32xf32, #tpu.memory_space<hbm>> -> memref<80x32xf32, #tpu.memory_space<hbm>>
        %dma_start3A_74 = arith.constant 0 : i32
        %dma_start3A_75 = tpu.memref_slice %arg6[%add3A_56, %dma_start3A_74] : memref<320000x32xf32, #tpu.memory_space<hbm>> -> memref<80x32xf32, #tpu.memory_space<hbm>>
        tpu.enqueue_dma source(%arg14 : memref<80x32xf32, #tpu.memory_space<vmem>>) target(%dma_start3A_75 : memref<80x32xf32, #tpu.memory_space<hbm>>) target_semaphore(%run_scoped3A : memref<!tpu.dma_semaphore, #tpu.memory_space<semaphore_mem>>)
        %dma_wait3A_76 = arith.constant 0 : i32
        %dma_wait3A_77 = tpu.memref_slice %arg6[%add3A_56, %dma_wait3A_76] : memref<320000x32xf32, #tpu.memory_space<hbm>> -> memref<80x32xf32, #tpu.memory_space<hbm>>
        %dma_wait3A_78 = arith.constant 0 : i32
        %dma_wait3A_79 = tpu.memref_slice %arg6[%add3A_56, %dma_wait3A_78] : memref<320000x32xf32, #tpu.memory_space<hbm>> -> memref<80x32xf32, #tpu.memory_space<hbm>>
        tpu.wait_dma2 semaphore(%run_scoped3A : memref<!tpu.dma_semaphore, #tpu.memory_space<semaphore_mem>>) src(%arg14 : memref<80x32xf32, #tpu.memory_space<vmem>>) dst(%dma_wait3A_79 : memref<80x32xf32, #tpu.memory_space<hbm>>)
        tpu.yield
      }) : () -> ()
      %add3A_65 = arith.constant 2 : i32
      %add3A_66 = arith.addi %add3A_53, %add3A_65 : i32
      %lt3A_67 = arith.constant 125 : i32
      %lt3A_68 = arith.cmpi slt, %add3A_66, %lt3A_67 : i32
      %convert_element_type3A_69 = arith.extui %lt3A_68 : i1 to i32
      %cond3A_70 = arith.constant 0 : i32
      %cond3A_71 = arith.cmpi ne, %convert_element_type3A_69, %cond3A_70 : i32
      scf.if %cond3A_71 {
        %add3A_72 = arith.constant 2 : i32
        %add3A_73 = arith.addi %add3A_53, %add3A_72 : i32
        %mul3A_74 = arith.constant 80 : i32
        %mul3A_75 = arith.muli %add3A_73, %mul3A_74 : i32
        %add3A_76 = arith.addi %mul3A_2, %mul3A_75 : i32
        "tpu.region"() ({
          %run_scoped3A = tpu.sem_alloc : memref<!tpu.dma_semaphore, #tpu.memory_space<semaphore_mem>>
          %dma_start3A_83 = tpu.memref_slice %arg2[%add3A_76] : memref<320000xi32, #tpu.memory_space<hbm>> -> memref<80xi32, #tpu.memory_space<hbm>>
          %dma_start3A_84 = tpu.memref_slice %arg2[%add3A_76] : memref<320000xi32, #tpu.memory_space<hbm>> -> memref<80xi32, #tpu.memory_space<hbm>>
          tpu.enqueue_dma source(%dma_start3A_84 : memref<80xi32, #tpu.memory_space<hbm>>) target(%arg8 : memref<80xi32, #tpu.memory_space<vmem>>) target_semaphore(%run_scoped3A : memref<!tpu.dma_semaphore, #tpu.memory_space<semaphore_mem>>)
          %dma_wait3A_85 = tpu.memref_slice %arg2[%add3A_76] : memref<320000xi32, #tpu.memory_space<hbm>> -> memref<80xi32, #tpu.memory_space<hbm>>
          %dma_wait3A_86 = tpu.memref_slice %arg2[%add3A_76] : memref<320000xi32, #tpu.memory_space<hbm>> -> memref<80xi32, #tpu.memory_space<hbm>>
          tpu.wait_dma2 semaphore(%run_scoped3A : memref<!tpu.dma_semaphore, #tpu.memory_space<semaphore_mem>>) src(%dma_wait3A_86 : memref<80xi32, #tpu.memory_space<hbm>>) dst(%arg8 : memref<80xi32, #tpu.memory_space<vmem>>)
          tpu.yield
        }) : () -> ()
        "tpu.region"() ({
          %run_scoped3A = tpu.sem_alloc : memref<!tpu.dma_semaphore, #tpu.memory_space<semaphore_mem>>
          %dma_start3A_83 = tpu.memref_slice %arg3[%add3A_76] : memref<320000xi32, #tpu.memory_space<hbm>> -> memref<80xi32, #tpu.memory_space<hbm>>
          %dma_start3A_84 = tpu.memref_slice %arg3[%add3A_76] : memref<320000xi32, #tpu.memory_space<hbm>> -> memref<80xi32, #tpu.memory_space<hbm>>
          tpu.enqueue_dma source(%dma_start3A_84 : memref<80xi32, #tpu.memory_space<hbm>>) target(%arg10 : memref<80xi32, #tpu.memory_space<vmem>>) target_semaphore(%run_scoped3A : memref<!tpu.dma_semaphore, #tpu.memory_space<semaphore_mem>>)
          %dma_wait3A_85 = tpu.memref_slice %arg3[%add3A_76] : memref<320000xi32, #tpu.memory_space<hbm>> -> memref<80xi32, #tpu.memory_space<hbm>>
          %dma_wait3A_86 = tpu.memref_slice %arg3[%add3A_76] : memref<320000xi32, #tpu.memory_space<hbm>> -> memref<80xi32, #tpu.memory_space<hbm>>
          tpu.wait_dma2 semaphore(%run_scoped3A : memref<!tpu.dma_semaphore, #tpu.memory_space<semaphore_mem>>) src(%dma_wait3A_86 : memref<80xi32, #tpu.memory_space<hbm>>) dst(%arg10 : memref<80xi32, #tpu.memory_space<vmem>>)
          tpu.yield
        }) : () -> ()
        %dma_start3A_77 = arith.constant 0 : i32
        %dma_start3A_78 = arith.constant 0 : i32
        %dma_start3A_79 = tpu.memref_slice %arg4[%dma_start3A_77, %dma_start3A_78] : memref<10000x32xf32, #tpu.memory_space<hbm>> -> memref<10000x32xf32, #tpu.memory_space<hbm>>
        tpu.enqueue_indirect_dma source(%dma_start3A_79 : memref<10000x32xf32, #tpu.memory_space<hbm>>) target(%arg12 : memref<80x32xf32, #tpu.memory_space<vmem>>) offsets(%arg8 : memref<80xi32, #tpu.memory_space<vmem>>) semaphore(%arg16 : memref<!tpu.dma_semaphore, #tpu.memory_space<semaphore_mem>>)
        %dma_start3A_80 = arith.constant 0 : i32
        %dma_start3A_81 = arith.constant 0 : i32
        %dma_start3A_82 = tpu.memref_slice %arg4[%dma_start3A_80, %dma_start3A_81] : memref<10000x32xf32, #tpu.memory_space<hbm>> -> memref<10000x32xf32, #tpu.memory_space<hbm>>
        tpu.enqueue_indirect_dma source(%dma_start3A_82 : memref<10000x32xf32, #tpu.memory_space<hbm>>) target(%arg14 : memref<80x32xf32, #tpu.memory_space<vmem>>) offsets(%arg10 : memref<80xi32, #tpu.memory_space<vmem>>) semaphore(%arg16 : memref<!tpu.dma_semaphore, #tpu.memory_space<semaphore_mem>>)
      } else {
      }
    }
    %scan3A_22 = arith.constant 62 : i32
    %add3A_23 = arith.constant 9920 : i32
    %add3A_24 = arith.addi %mul3A_2, %add3A_23 : i32
    %dma_wait3A = arith.constant 0 : i32
    %dma_wait3A_25 = tpu.memref_slice %arg4[%mul3A_2, %dma_wait3A] : memref<10000x32xf32, #tpu.memory_space<hbm>> -> memref<80x32xf32, #tpu.memory_space<hbm>>
    %dma_wait3A_26 = arith.constant 0 : i32
    %dma_wait3A_27 = tpu.memref_slice %arg4[%mul3A_2, %dma_wait3A_26] : memref<10000x32xf32, #tpu.memory_space<hbm>> -> memref<80x32xf32, #tpu.memory_space<hbm>>
    tpu.wait_dma2 semaphore(%arg15 : memref<!tpu.dma_semaphore, #tpu.memory_space<semaphore_mem>>) src(%dma_wait3A_27 : memref<80x32xf32, #tpu.memory_space<hbm>>) dst(%arg11 : memref<80x32xf32, #tpu.memory_space<vmem>>)
    %dma_wait3A_28 = arith.constant 0 : i32
    %dma_wait3A_29 = tpu.memref_slice %arg4[%mul3A_2, %dma_wait3A_28] : memref<10000x32xf32, #tpu.memory_space<hbm>> -> memref<80x32xf32, #tpu.memory_space<hbm>>
    %dma_wait3A_30 = arith.constant 0 : i32
    %dma_wait3A_31 = tpu.memref_slice %arg4[%mul3A_2, %dma_wait3A_30] : memref<10000x32xf32, #tpu.memory_space<hbm>> -> memref<80x32xf32, #tpu.memory_space<hbm>>
    tpu.wait_dma2 semaphore(%arg15 : memref<!tpu.dma_semaphore, #tpu.memory_space<semaphore_mem>>) src(%dma_wait3A_31 : memref<80x32xf32, #tpu.memory_space<hbm>>) dst(%arg13 : memref<80x32xf32, #tpu.memory_space<vmem>>)
    "tpu.region"() ({
      %run_scoped3A = tpu.sem_alloc : memref<!tpu.dma_semaphore, #tpu.memory_space<semaphore_mem>>
      %dma_start3A_32 = arith.constant 0 : i32
      %dma_start3A_33 = tpu.memref_slice %arg5[%add3A_24, %dma_start3A_32] : memref<320000x32xf32, #tpu.memory_space<hbm>> -> memref<80x32xf32, #tpu.memory_space<hbm>>
      %dma_start3A_34 = arith.constant 0 : i32
      %dma_start3A_35 = tpu.memref_slice %arg5[%add3A_24, %dma_start3A_34] : memref<320000x32xf32, #tpu.memory_space<hbm>> -> memref<80x32xf32, #tpu.memory_space<hbm>>
      tpu.enqueue_dma source(%arg11 : memref<80x32xf32, #tpu.memory_space<vmem>>) target(%dma_start3A_35 : memref<80x32xf32, #tpu.memory_space<hbm>>) target_semaphore(%run_scoped3A : memref<!tpu.dma_semaphore, #tpu.memory_space<semaphore_mem>>)
      %dma_wait3A_36 = arith.constant 0 : i32
      %dma_wait3A_37 = tpu.memref_slice %arg5[%add3A_24, %dma_wait3A_36] : memref<320000x32xf32, #tpu.memory_space<hbm>> -> memref<80x32xf32, #tpu.memory_space<hbm>>
      %dma_wait3A_38 = arith.constant 0 : i32
      %dma_wait3A_39 = tpu.memref_slice %arg5[%add3A_24, %dma_wait3A_38] : memref<320000x32xf32, #tpu.memory_space<hbm>> -> memref<80x32xf32, #tpu.memory_space<hbm>>
      tpu.wait_dma2 semaphore(%run_scoped3A : memref<!tpu.dma_semaphore, #tpu.memory_space<semaphore_mem>>) src(%arg11 : memref<80x32xf32, #tpu.memory_space<vmem>>) dst(%dma_wait3A_39 : memref<80x32xf32, #tpu.memory_space<hbm>>)
      tpu.yield
    }) : () -> ()
    "tpu.region"() ({
      %run_scoped3A = tpu.sem_alloc : memref<!tpu.dma_semaphore, #tpu.memory_space<semaphore_mem>>
      %dma_start3A_32 = arith.constant 0 : i32
      %dma_start3A_33 = tpu.memref_slice %arg6[%add3A_24, %dma_start3A_32] : memref<320000x32xf32, #tpu.memory_space<hbm>> -> memref<80x32xf32, #tpu.memory_space<hbm>>
      %dma_start3A_34 = arith.constant 0 : i32
      %dma_start3A_35 = tpu.memref_slice %arg6[%add3A_24, %dma_start3A_34] : memref<320000x32xf32, #tpu.memory_space<hbm>> -> memref<80x32xf32, #tpu.memory_space<hbm>>
      tpu.enqueue_dma source(%arg13 : memref<80x32xf32, #tpu.memory_space<vmem>>) target(%dma_start3A_35 : memref<80x32xf32, #tpu.memory_space<hbm>>) target_semaphore(%run_scoped3A : memref<!tpu.dma_semaphore, #tpu.memory_space<semaphore_mem>>)
      %dma_wait3A_36 = arith.constant 0 : i32
      %dma_wait3A_37 = tpu.memref_slice %arg6[%add3A_24, %dma_wait3A_36] : memref<320000x32xf32, #tpu.memory_space<hbm>> -> memref<80x32xf32, #tpu.memory_space<hbm>>
      %dma_wait3A_38 = arith.constant 0 : i32
      %dma_wait3A_39 = tpu.memref_slice %arg6[%add3A_24, %dma_wait3A_38] : memref<320000x32xf32, #tpu.memory_space<hbm>> -> memref<80x32xf32, #tpu.memory_space<hbm>>
      tpu.wait_dma2 semaphore(%run_scoped3A : memref<!tpu.dma_semaphore, #tpu.memory_space<semaphore_mem>>) src(%arg13 : memref<80x32xf32, #tpu.memory_space<vmem>>) dst(%dma_wait3A_39 : memref<80x32xf32, #tpu.memory_space<hbm>>)
      tpu.yield
    }) : () -> ()
    return
  }
}

#map = affine_map<(d0, d1) -> (0, 0)>
#map1 = affine_map<(d0, d1) -> (0)>
module attributes {stable_mosaic.version = 14 : i64} {
  func.func @_kron_scatter_body(%arg0: i32, %arg1: i32, %arg2: memref<320000x128xf32, #tpu.memory_space<hbm>>, %arg3: memref<320000xi32, #tpu.memory_space<hbm>>, %arg4: memref<632x128xf32, #tpu.memory_space<hbm>>, %arg5: memref<10112x128xf32, #tpu.memory_space<hbm>>, %arg6: memref<10112x128xf32, #tpu.memory_space<hbm>>, %arg7: memref<80xi32, #tpu.memory_space<vmem>>, %arg8: memref<80xi32, #tpu.memory_space<vmem>>, %arg9: memref<80x128xf32, #tpu.memory_space<vmem>>, %arg10: memref<80x128xf32, #tpu.memory_space<vmem>>, %arg11: memref<10112x128xf32, #tpu.memory_space<vmem_shared>>, %arg12: memref<!tpu.dma_semaphore, #tpu.memory_space<semaphore_mem>>, %arg13: memref<!tpu.dma_semaphore, #tpu.memory_space<semaphore_mem>>) attributes {dimension_semantics = [#tpu.dimension_semantics<core_parallel>, #tpu.dimension_semantics<subcore_parallel>], iteration_bounds = array<i64: 2, 16>, scalar_prefetch = 0 : i64, scratch_operands = 7 : i64, tpu.core_type = #tpu.core_type<sc_vector_subcore>, window_params = [{transform_indices = #map}, {transform_indices = #map1}, {transform_indices = #map}, {transform_indices = #map}, {transform_indices = #map}]} {
    %mul3A = arith.constant 2 : i32
    %mul3A_0 = arith.muli %arg1, %mul3A : i32
    %add3A = arith.addi %mul3A_0, %arg0 : i32
    %mul3A_1 = arith.constant 632 : i32
    %mul3A_2 = arith.muli %arg1, %mul3A_1 : i32
    "tpu.region"() ({
      %run_scoped3A = tpu.sem_alloc : memref<!tpu.dma_semaphore, #tpu.memory_space<semaphore_mem>>
      %dma_start3A_34 = arith.constant 0 : i32
      %dma_start3A_35 = tpu.memref_slice %arg11[%mul3A_2, %dma_start3A_34] : memref<10112x128xf32, #tpu.memory_space<vmem_shared>> -> memref<632x128xf32, #tpu.memory_space<vmem_shared>>
      tpu.enqueue_dma source(%arg4 : memref<632x128xf32, #tpu.memory_space<hbm>>) target(%dma_start3A_35 : memref<632x128xf32, #tpu.memory_space<vmem_shared>>) target_semaphore(%run_scoped3A : memref<!tpu.dma_semaphore, #tpu.memory_space<semaphore_mem>>)
      %dma_wait3A_36 = arith.constant 0 : i32
      %dma_wait3A_37 = tpu.memref_slice %arg11[%mul3A_2, %dma_wait3A_36] : memref<10112x128xf32, #tpu.memory_space<vmem_shared>> -> memref<632x128xf32, #tpu.memory_space<vmem_shared>>
      tpu.wait_dma2 semaphore(%run_scoped3A : memref<!tpu.dma_semaphore, #tpu.memory_space<semaphore_mem>>) src(%arg4 : memref<632x128xf32, #tpu.memory_space<hbm>>) dst(%dma_wait3A_37 : memref<632x128xf32, #tpu.memory_space<vmem_shared>>)
      tpu.yield
    }) : () -> ()
    %barrier3A = arith.constant 0 : index
    tpu.barrier barrier_id(%barrier3A)
    %mul3A_3 = arith.constant 10000 : i32
    %mul3A_4 = arith.muli %add3A, %mul3A_3 : i32
    "tpu.region"() ({
      %run_scoped3A = tpu.sem_alloc : memref<!tpu.dma_semaphore, #tpu.memory_space<semaphore_mem>>
      %dma_start3A_34 = tpu.memref_slice %arg3[%mul3A_4] : memref<320000xi32, #tpu.memory_space<hbm>> -> memref<80xi32, #tpu.memory_space<hbm>>
      %dma_start3A_35 = tpu.memref_slice %arg3[%mul3A_4] : memref<320000xi32, #tpu.memory_space<hbm>> -> memref<80xi32, #tpu.memory_space<hbm>>
      tpu.enqueue_dma source(%dma_start3A_35 : memref<80xi32, #tpu.memory_space<hbm>>) target(%arg7 : memref<80xi32, #tpu.memory_space<vmem>>) target_semaphore(%run_scoped3A : memref<!tpu.dma_semaphore, #tpu.memory_space<semaphore_mem>>)
      %dma_wait3A_36 = tpu.memref_slice %arg3[%mul3A_4] : memref<320000xi32, #tpu.memory_space<hbm>> -> memref<80xi32, #tpu.memory_space<hbm>>
      %dma_wait3A_37 = tpu.memref_slice %arg3[%mul3A_4] : memref<320000xi32, #tpu.memory_space<hbm>> -> memref<80xi32, #tpu.memory_space<hbm>>
      tpu.wait_dma2 semaphore(%run_scoped3A : memref<!tpu.dma_semaphore, #tpu.memory_space<semaphore_mem>>) src(%dma_wait3A_37 : memref<80xi32, #tpu.memory_space<hbm>>) dst(%arg7 : memref<80xi32, #tpu.memory_space<vmem>>)
      tpu.yield
    }) : () -> ()
    %dma_start3A = arith.constant 0 : i32
    %dma_start3A_5 = tpu.memref_slice %arg2[%mul3A_4, %dma_start3A] : memref<320000x128xf32, #tpu.memory_space<hbm>> -> memref<80x128xf32, #tpu.memory_space<hbm>>
    %dma_start3A_6 = arith.constant 0 : i32
    %dma_start3A_7 = tpu.memref_slice %arg2[%mul3A_4, %dma_start3A_6] : memref<320000x128xf32, #tpu.memory_space<hbm>> -> memref<80x128xf32, #tpu.memory_space<hbm>>
    tpu.enqueue_dma source(%dma_start3A_7 : memref<80x128xf32, #tpu.memory_space<hbm>>) target(%arg9 : memref<80x128xf32, #tpu.memory_space<vmem>>) target_semaphore(%arg12 : memref<!tpu.dma_semaphore, #tpu.memory_space<semaphore_mem>>)
    %add3A_8 = arith.constant 80 : i32
    %add3A_9 = arith.addi %mul3A_4, %add3A_8 : i32
    "tpu.region"() ({
      %run_scoped3A = tpu.sem_alloc : memref<!tpu.dma_semaphore, #tpu.memory_space<semaphore_mem>>
      %dma_start3A_34 = tpu.memref_slice %arg3[%add3A_9] : memref<320000xi32, #tpu.memory_space<hbm>> -> memref<80xi32, #tpu.memory_space<hbm>>
      %dma_start3A_35 = tpu.memref_slice %arg3[%add3A_9] : memref<320000xi32, #tpu.memory_space<hbm>> -> memref<80xi32, #tpu.memory_space<hbm>>
      tpu.enqueue_dma source(%dma_start3A_35 : memref<80xi32, #tpu.memory_space<hbm>>) target(%arg8 : memref<80xi32, #tpu.memory_space<vmem>>) target_semaphore(%run_scoped3A : memref<!tpu.dma_semaphore, #tpu.memory_space<semaphore_mem>>)
      %dma_wait3A_36 = tpu.memref_slice %arg3[%add3A_9] : memref<320000xi32, #tpu.memory_space<hbm>> -> memref<80xi32, #tpu.memory_space<hbm>>
      %dma_wait3A_37 = tpu.memref_slice %arg3[%add3A_9] : memref<320000xi32, #tpu.memory_space<hbm>> -> memref<80xi32, #tpu.memory_space<hbm>>
      tpu.wait_dma2 semaphore(%run_scoped3A : memref<!tpu.dma_semaphore, #tpu.memory_space<semaphore_mem>>) src(%dma_wait3A_37 : memref<80xi32, #tpu.memory_space<hbm>>) dst(%arg8 : memref<80xi32, #tpu.memory_space<vmem>>)
      tpu.yield
    }) : () -> ()
    %add3A_10 = arith.constant 80 : i32
    %add3A_11 = arith.addi %mul3A_4, %add3A_10 : i32
    %dma_start3A_12 = arith.constant 0 : i32
    %dma_start3A_13 = tpu.memref_slice %arg2[%add3A_11, %dma_start3A_12] : memref<320000x128xf32, #tpu.memory_space<hbm>> -> memref<80x128xf32, #tpu.memory_space<hbm>>
    %dma_start3A_14 = arith.constant 0 : i32
    %dma_start3A_15 = tpu.memref_slice %arg2[%add3A_11, %dma_start3A_14] : memref<320000x128xf32, #tpu.memory_space<hbm>> -> memref<80x128xf32, #tpu.memory_space<hbm>>
    tpu.enqueue_dma source(%dma_start3A_15 : memref<80x128xf32, #tpu.memory_space<hbm>>) target(%arg10 : memref<80x128xf32, #tpu.memory_space<vmem>>) target_semaphore(%arg13 : memref<!tpu.dma_semaphore, #tpu.memory_space<semaphore_mem>>)
    %scan3A = arith.constant 0 : i32
    %scan3A_16 = arith.constant 0 : i32
    %scan3A_17 = arith.constant 62 : i32
    %scan3A_18 = arith.addi %scan3A_16, %scan3A_17 : i32
    %scan3A_19 = arith.constant 1 : i32
    scf.for %scan3A_34 = %scan3A_16 to %scan3A_18 step %scan3A_19  : i32 {
      %mul3A_35 = arith.constant 2 : i32
      %mul3A_36 = arith.muli %mul3A_35, %scan3A_34 : i32
      %dma_wait3A_37 = arith.constant 0 : i32
      %dma_wait3A_38 = tpu.memref_slice %arg2[%mul3A_4, %dma_wait3A_37] : memref<320000x128xf32, #tpu.memory_space<hbm>> -> memref<80x128xf32, #tpu.memory_space<hbm>>
      %dma_wait3A_39 = arith.constant 0 : i32
      %dma_wait3A_40 = tpu.memref_slice %arg2[%mul3A_4, %dma_wait3A_39] : memref<320000x128xf32, #tpu.memory_space<hbm>> -> memref<80x128xf32, #tpu.memory_space<hbm>>
      tpu.wait_dma2 semaphore(%arg12 : memref<!tpu.dma_semaphore, #tpu.memory_space<semaphore_mem>>) src(%dma_wait3A_40 : memref<80x128xf32, #tpu.memory_space<hbm>>) dst(%arg9 : memref<80x128xf32, #tpu.memory_space<vmem>>)
      "tpu.region"() ({
        %run_scoped3A = tpu.sem_alloc : memref<!tpu.dma_semaphore, #tpu.memory_space<semaphore_mem>>
        %dma_start3A_62 = arith.constant 0 : i32
        %dma_start3A_63 = arith.constant 0 : i32
        %dma_start3A_64 = tpu.memref_slice %arg11[%dma_start3A_62, %dma_start3A_63] : memref<10112x128xf32, #tpu.memory_space<vmem_shared>> -> memref<10112x128xf32, #tpu.memory_space<vmem_shared>>
        tpu.enqueue_indirect_dma source(%arg9 : memref<80x128xf32, #tpu.memory_space<vmem>>) target(%dma_start3A_64 : memref<10112x128xf32, #tpu.memory_space<vmem_shared>>) offsets(%arg7 : memref<80xi32, #tpu.memory_space<vmem>>) semaphore(%run_scoped3A : memref<!tpu.dma_semaphore, #tpu.memory_space<semaphore_mem>>) {add = true}
        %dma_wait3A_65 = arith.constant 0 : i32
        %dma_wait3A_66 = arith.constant 0 : i32
        %dma_wait3A_67 = tpu.memref_slice %arg11[%dma_wait3A_65, %dma_wait3A_66] : memref<10112x128xf32, #tpu.memory_space<vmem_shared>> -> memref<10112x128xf32, #tpu.memory_space<vmem_shared>>
        tpu.wait_indirect_dma semaphore(%run_scoped3A : memref<!tpu.dma_semaphore, #tpu.memory_space<semaphore_mem>>) src(%arg9 : memref<80x128xf32, #tpu.memory_space<vmem>>) dst(%dma_wait3A_67 : memref<10112x128xf32, #tpu.memory_space<vmem_shared>>)
        tpu.yield
      }) : () -> ()
      %add3A_41 = arith.constant 2 : i32
      %add3A_42 = arith.addi %mul3A_36, %add3A_41 : i32
      %lt3A = arith.constant 125 : i32
      %lt3A_43 = arith.cmpi slt, %add3A_42, %lt3A : i32
      %convert_element_type3A_44 = arith.extui %lt3A_43 : i1 to i32
      %cond3A_45 = arith.constant 0 : i32
      %cond3A_46 = arith.cmpi ne, %convert_element_type3A_44, %cond3A_45 : i32
      scf.if %cond3A_46 {
        %add3A_62 = arith.constant 2 : i32
        %add3A_63 = arith.addi %mul3A_36, %add3A_62 : i32
        %mul3A_64 = arith.constant 80 : i32
        %mul3A_65 = arith.muli %add3A_63, %mul3A_64 : i32
        %add3A_66 = arith.addi %mul3A_4, %mul3A_65 : i32
        "tpu.region"() ({
          %run_scoped3A = tpu.sem_alloc : memref<!tpu.dma_semaphore, #tpu.memory_space<semaphore_mem>>
          %dma_start3A_71 = tpu.memref_slice %arg3[%add3A_66] : memref<320000xi32, #tpu.memory_space<hbm>> -> memref<80xi32, #tpu.memory_space<hbm>>
          %dma_start3A_72 = tpu.memref_slice %arg3[%add3A_66] : memref<320000xi32, #tpu.memory_space<hbm>> -> memref<80xi32, #tpu.memory_space<hbm>>
          tpu.enqueue_dma source(%dma_start3A_72 : memref<80xi32, #tpu.memory_space<hbm>>) target(%arg7 : memref<80xi32, #tpu.memory_space<vmem>>) target_semaphore(%run_scoped3A : memref<!tpu.dma_semaphore, #tpu.memory_space<semaphore_mem>>)
          %dma_wait3A_73 = tpu.memref_slice %arg3[%add3A_66] : memref<320000xi32, #tpu.memory_space<hbm>> -> memref<80xi32, #tpu.memory_space<hbm>>
          %dma_wait3A_74 = tpu.memref_slice %arg3[%add3A_66] : memref<320000xi32, #tpu.memory_space<hbm>> -> memref<80xi32, #tpu.memory_space<hbm>>
          tpu.wait_dma2 semaphore(%run_scoped3A : memref<!tpu.dma_semaphore, #tpu.memory_space<semaphore_mem>>) src(%dma_wait3A_74 : memref<80xi32, #tpu.memory_space<hbm>>) dst(%arg7 : memref<80xi32, #tpu.memory_space<vmem>>)
          tpu.yield
        }) : () -> ()
        %dma_start3A_67 = arith.constant 0 : i32
        %dma_start3A_68 = tpu.memref_slice %arg2[%add3A_66, %dma_start3A_67] : memref<320000x128xf32, #tpu.memory_space<hbm>> -> memref<80x128xf32, #tpu.memory_space<hbm>>
        %dma_start3A_69 = arith.constant 0 : i32
        %dma_start3A_70 = tpu.memref_slice %arg2[%add3A_66, %dma_start3A_69] : memref<320000x128xf32, #tpu.memory_space<hbm>> -> memref<80x128xf32, #tpu.memory_space<hbm>>
        tpu.enqueue_dma source(%dma_start3A_70 : memref<80x128xf32, #tpu.memory_space<hbm>>) target(%arg9 : memref<80x128xf32, #tpu.memory_space<vmem>>) target_semaphore(%arg12 : memref<!tpu.dma_semaphore, #tpu.memory_space<semaphore_mem>>)
      } else {
      }
      %mul3A_47 = arith.constant 2 : i32
      %mul3A_48 = arith.muli %mul3A_47, %scan3A_34 : i32
      %add3A_49 = arith.constant 1 : i32
      %add3A_50 = arith.addi %mul3A_48, %add3A_49 : i32
      %dma_wait3A_51 = arith.constant 0 : i32
      %dma_wait3A_52 = tpu.memref_slice %arg2[%mul3A_4, %dma_wait3A_51] : memref<320000x128xf32, #tpu.memory_space<hbm>> -> memref<80x128xf32, #tpu.memory_space<hbm>>
      %dma_wait3A_53 = arith.constant 0 : i32
      %dma_wait3A_54 = tpu.memref_slice %arg2[%mul3A_4, %dma_wait3A_53] : memref<320000x128xf32, #tpu.memory_space<hbm>> -> memref<80x128xf32, #tpu.memory_space<hbm>>
      tpu.wait_dma2 semaphore(%arg13 : memref<!tpu.dma_semaphore, #tpu.memory_space<semaphore_mem>>) src(%dma_wait3A_54 : memref<80x128xf32, #tpu.memory_space<hbm>>) dst(%arg10 : memref<80x128xf32, #tpu.memory_space<vmem>>)
      "tpu.region"() ({
        %run_scoped3A = tpu.sem_alloc : memref<!tpu.dma_semaphore, #tpu.memory_space<semaphore_mem>>
        %dma_start3A_62 = arith.constant 0 : i32
        %dma_start3A_63 = arith.constant 0 : i32
        %dma_start3A_64 = tpu.memref_slice %arg11[%dma_start3A_62, %dma_start3A_63] : memref<10112x128xf32, #tpu.memory_space<vmem_shared>> -> memref<10112x128xf32, #tpu.memory_space<vmem_shared>>
        tpu.enqueue_indirect_dma source(%arg10 : memref<80x128xf32, #tpu.memory_space<vmem>>) target(%dma_start3A_64 : memref<10112x128xf32, #tpu.memory_space<vmem_shared>>) offsets(%arg8 : memref<80xi32, #tpu.memory_space<vmem>>) semaphore(%run_scoped3A : memref<!tpu.dma_semaphore, #tpu.memory_space<semaphore_mem>>) {add = true}
        %dma_wait3A_65 = arith.constant 0 : i32
        %dma_wait3A_66 = arith.constant 0 : i32
        %dma_wait3A_67 = tpu.memref_slice %arg11[%dma_wait3A_65, %dma_wait3A_66] : memref<10112x128xf32, #tpu.memory_space<vmem_shared>> -> memref<10112x128xf32, #tpu.memory_space<vmem_shared>>
        tpu.wait_indirect_dma semaphore(%run_scoped3A : memref<!tpu.dma_semaphore, #tpu.memory_space<semaphore_mem>>) src(%arg10 : memref<80x128xf32, #tpu.memory_space<vmem>>) dst(%dma_wait3A_67 : memref<10112x128xf32, #tpu.memory_space<vmem_shared>>)
        tpu.yield
      }) : () -> ()
      %add3A_55 = arith.constant 2 : i32
      %add3A_56 = arith.addi %add3A_50, %add3A_55 : i32
      %lt3A_57 = arith.constant 125 : i32
      %lt3A_58 = arith.cmpi slt, %add3A_56, %lt3A_57 : i32
      %convert_element_type3A_59 = arith.extui %lt3A_58 : i1 to i32
      %cond3A_60 = arith.constant 0 : i32
      %cond3A_61 = arith.cmpi ne, %convert_element_type3A_59, %cond3A_60 : i32
      scf.if %cond3A_61 {
        %add3A_62 = arith.constant 2 : i32
        %add3A_63 = arith.addi %add3A_50, %add3A_62 : i32
        %mul3A_64 = arith.constant 80 : i32
        %mul3A_65 = arith.muli %add3A_63, %mul3A_64 : i32
        %add3A_66 = arith.addi %mul3A_4, %mul3A_65 : i32
        "tpu.region"() ({
          %run_scoped3A = tpu.sem_alloc : memref<!tpu.dma_semaphore, #tpu.memory_space<semaphore_mem>>
          %dma_start3A_71 = tpu.memref_slice %arg3[%add3A_66] : memref<320000xi32, #tpu.memory_space<hbm>> -> memref<80xi32, #tpu.memory_space<hbm>>
          %dma_start3A_72 = tpu.memref_slice %arg3[%add3A_66] : memref<320000xi32, #tpu.memory_space<hbm>> -> memref<80xi32, #tpu.memory_space<hbm>>
          tpu.enqueue_dma source(%dma_start3A_72 : memref<80xi32, #tpu.memory_space<hbm>>) target(%arg8 : memref<80xi32, #tpu.memory_space<vmem>>) target_semaphore(%run_scoped3A : memref<!tpu.dma_semaphore, #tpu.memory_space<semaphore_mem>>)
          %dma_wait3A_73 = tpu.memref_slice %arg3[%add3A_66] : memref<320000xi32, #tpu.memory_space<hbm>> -> memref<80xi32, #tpu.memory_space<hbm>>
          %dma_wait3A_74 = tpu.memref_slice %arg3[%add3A_66] : memref<320000xi32, #tpu.memory_space<hbm>> -> memref<80xi32, #tpu.memory_space<hbm>>
          tpu.wait_dma2 semaphore(%run_scoped3A : memref<!tpu.dma_semaphore, #tpu.memory_space<semaphore_mem>>) src(%dma_wait3A_74 : memref<80xi32, #tpu.memory_space<hbm>>) dst(%arg8 : memref<80xi32, #tpu.memory_space<vmem>>)
          tpu.yield
        }) : () -> ()
        %dma_start3A_67 = arith.constant 0 : i32
        %dma_start3A_68 = tpu.memref_slice %arg2[%add3A_66, %dma_start3A_67] : memref<320000x128xf32, #tpu.memory_space<hbm>> -> memref<80x128xf32, #tpu.memory_space<hbm>>
        %dma_start3A_69 = arith.constant 0 : i32
        %dma_start3A_70 = tpu.memref_slice %arg2[%add3A_66, %dma_start3A_69] : memref<320000x128xf32, #tpu.memory_space<hbm>> -> memref<80x128xf32, #tpu.memory_space<hbm>>
        tpu.enqueue_dma source(%dma_start3A_70 : memref<80x128xf32, #tpu.memory_space<hbm>>) target(%arg10 : memref<80x128xf32, #tpu.memory_space<vmem>>) target_semaphore(%arg13 : memref<!tpu.dma_semaphore, #tpu.memory_space<semaphore_mem>>)
      } else {
      }
    }
    %scan3A_20 = arith.constant 62 : i32
    %dma_wait3A = arith.constant 0 : i32
    %dma_wait3A_21 = tpu.memref_slice %arg2[%mul3A_4, %dma_wait3A] : memref<320000x128xf32, #tpu.memory_space<hbm>> -> memref<80x128xf32, #tpu.memory_space<hbm>>
    %dma_wait3A_22 = arith.constant 0 : i32
    %dma_wait3A_23 = tpu.memref_slice %arg2[%mul3A_4, %dma_wait3A_22] : memref<320000x128xf32, #tpu.memory_space<hbm>> -> memref<80x128xf32, #tpu.memory_space<hbm>>
    tpu.wait_dma2 semaphore(%arg12 : memref<!tpu.dma_semaphore, #tpu.memory_space<semaphore_mem>>) src(%dma_wait3A_23 : memref<80x128xf32, #tpu.memory_space<hbm>>) dst(%arg9 : memref<80x128xf32, #tpu.memory_space<vmem>>)
    "tpu.region"() ({
      %run_scoped3A = tpu.sem_alloc : memref<!tpu.dma_semaphore, #tpu.memory_space<semaphore_mem>>
      %dma_start3A_34 = arith.constant 0 : i32
      %dma_start3A_35 = arith.constant 0 : i32
      %dma_start3A_36 = tpu.memref_slice %arg11[%dma_start3A_34, %dma_start3A_35] : memref<10112x128xf32, #tpu.memory_space<vmem_shared>> -> memref<10112x128xf32, #tpu.memory_space<vmem_shared>>
      tpu.enqueue_indirect_dma source(%arg9 : memref<80x128xf32, #tpu.memory_space<vmem>>) target(%dma_start3A_36 : memref<10112x128xf32, #tpu.memory_space<vmem_shared>>) offsets(%arg7 : memref<80xi32, #tpu.memory_space<vmem>>) semaphore(%run_scoped3A : memref<!tpu.dma_semaphore, #tpu.memory_space<semaphore_mem>>) {add = true}
      %dma_wait3A_37 = arith.constant 0 : i32
      %dma_wait3A_38 = arith.constant 0 : i32
      %dma_wait3A_39 = tpu.memref_slice %arg11[%dma_wait3A_37, %dma_wait3A_38] : memref<10112x128xf32, #tpu.memory_space<vmem_shared>> -> memref<10112x128xf32, #tpu.memory_space<vmem_shared>>
      tpu.wait_indirect_dma semaphore(%run_scoped3A : memref<!tpu.dma_semaphore, #tpu.memory_space<semaphore_mem>>) src(%arg9 : memref<80x128xf32, #tpu.memory_space<vmem>>) dst(%dma_wait3A_39 : memref<10112x128xf32, #tpu.memory_space<vmem_shared>>)
      tpu.yield
    }) : () -> ()
    %barrier3A_24 = arith.constant 0 : index
    tpu.barrier barrier_id(%barrier3A_24)
    %mul3A_25 = arith.constant 632 : i32
    %mul3A_26 = arith.muli %arg1, %mul3A_25 : i32
    %eq3A = arith.constant 0 : i32
    %eq3A_27 = arith.cmpi eq, %arg0, %eq3A : i32
    %convert_element_type3A = arith.extui %eq3A_27 : i1 to i32
    %cond3A = arith.constant 0 : i32
    %cond3A_28 = arith.cmpi ne, %convert_element_type3A, %cond3A : i32
    scf.if %cond3A_28 {
      "tpu.region"() ({
        %run_scoped3A = tpu.sem_alloc : memref<!tpu.dma_semaphore, #tpu.memory_space<semaphore_mem>>
        %dma_start3A_34 = arith.constant 0 : i32
        %dma_start3A_35 = tpu.memref_slice %arg5[%mul3A_26, %dma_start3A_34] : memref<10112x128xf32, #tpu.memory_space<hbm>> -> memref<632x128xf32, #tpu.memory_space<hbm>>
        %dma_start3A_36 = arith.constant 0 : i32
        %dma_start3A_37 = tpu.memref_slice %arg11[%mul3A_26, %dma_start3A_36] : memref<10112x128xf32, #tpu.memory_space<vmem_shared>> -> memref<632x128xf32, #tpu.memory_space<vmem_shared>>
        tpu.enqueue_dma source(%dma_start3A_37 : memref<632x128xf32, #tpu.memory_space<vmem_shared>>) target(%dma_start3A_35 : memref<632x128xf32, #tpu.memory_space<hbm>>) target_semaphore(%run_scoped3A : memref<!tpu.dma_semaphore, #tpu.memory_space<semaphore_mem>>)
        %dma_wait3A_38 = arith.constant 0 : i32
        %dma_wait3A_39 = tpu.memref_slice %arg5[%mul3A_26, %dma_wait3A_38] : memref<10112x128xf32, #tpu.memory_space<hbm>> -> memref<632x128xf32, #tpu.memory_space<hbm>>
        %dma_wait3A_40 = arith.constant 0 : i32
        %dma_wait3A_41 = tpu.memref_slice %arg11[%mul3A_26, %dma_wait3A_40] : memref<10112x128xf32, #tpu.memory_space<vmem_shared>> -> memref<632x128xf32, #tpu.memory_space<vmem_shared>>
        tpu.wait_dma2 semaphore(%run_scoped3A : memref<!tpu.dma_semaphore, #tpu.memory_space<semaphore_mem>>) src(%dma_wait3A_41 : memref<632x128xf32, #tpu.memory_space<vmem_shared>>) dst(%dma_wait3A_39 : memref<632x128xf32, #tpu.memory_space<hbm>>)
        tpu.yield
      }) : () -> ()
    } else {
    }
    %eq3A_29 = arith.constant 1 : i32
    %eq3A_30 = arith.cmpi eq, %arg0, %eq3A_29 : i32
    %convert_element_type3A_31 = arith.extui %eq3A_30 : i1 to i32
    %cond3A_32 = arith.constant 0 : i32
    %cond3A_33 = arith.cmpi ne, %convert_element_type3A_31, %cond3A_32 : i32
    scf.if %cond3A_33 {
      "tpu.region"() ({
        %run_scoped3A = tpu.sem_alloc : memref<!tpu.dma_semaphore, #tpu.memory_space<semaphore_mem>>
        %dma_start3A_34 = arith.constant 0 : i32
        %dma_start3A_35 = tpu.memref_slice %arg6[%mul3A_26, %dma_start3A_34] : memref<10112x128xf32, #tpu.memory_space<hbm>> -> memref<632x128xf32, #tpu.memory_space<hbm>>
        %dma_start3A_36 = arith.constant 0 : i32
        %dma_start3A_37 = tpu.memref_slice %arg11[%mul3A_26, %dma_start3A_36] : memref<10112x128xf32, #tpu.memory_space<vmem_shared>> -> memref<632x128xf32, #tpu.memory_space<vmem_shared>>
        tpu.enqueue_dma source(%dma_start3A_37 : memref<632x128xf32, #tpu.memory_space<vmem_shared>>) target(%dma_start3A_35 : memref<632x128xf32, #tpu.memory_space<hbm>>) target_semaphore(%run_scoped3A : memref<!tpu.dma_semaphore, #tpu.memory_space<semaphore_mem>>)
        %dma_wait3A_38 = arith.constant 0 : i32
        %dma_wait3A_39 = tpu.memref_slice %arg6[%mul3A_26, %dma_wait3A_38] : memref<10112x128xf32, #tpu.memory_space<hbm>> -> memref<632x128xf32, #tpu.memory_space<hbm>>
        %dma_wait3A_40 = arith.constant 0 : i32
        %dma_wait3A_41 = tpu.memref_slice %arg11[%mul3A_26, %dma_wait3A_40] : memref<10112x128xf32, #tpu.memory_space<vmem_shared>> -> memref<632x128xf32, #tpu.memory_space<vmem_shared>>
        tpu.wait_dma2 semaphore(%run_scoped3A : memref<!tpu.dma_semaphore, #tpu.memory_space<semaphore_mem>>) src(%dma_wait3A_41 : memref<632x128xf32, #tpu.memory_space<vmem_shared>>) dst(%dma_wait3A_39 : memref<632x128xf32, #tpu.memory_space<hbm>>)
        tpu.yield
      }) : () -> ()
    } else {
    }
    return
  }
}

module attributes {stable_mosaic.version = 14 : i64} {
  func.func @_node_pre_body(%arg0: i32, %arg1: memref<2000x128xf32, #tpu.memory_space<vmem>>, %arg2: memref<128x32xf32, #tpu.memory_space<vmem>>, %arg3: memref<1x32xf32, #tpu.memory_space<vmem>>, %arg4: memref<1x32xf32, #tpu.memory_space<vmem>>, %arg5: memref<1x32xf32, #tpu.memory_space<vmem>>, %arg6: memref<128x128xf32, #tpu.memory_space<vmem>>, %arg7: memref<1x128xf32, #tpu.memory_space<vmem>>, %arg8: memref<128x2xf32, #tpu.memory_space<vmem>>, %arg9: memref<1x2xf32, #tpu.memory_space<vmem>>, %arg10: memref<2000x32xf32, #tpu.memory_space<vmem>>, %arg11: memref<2000x128xf32, #tpu.memory_space<vmem>>, %arg12: memref<2000x2xf32, #tpu.memory_space<vmem>>) attributes {dimension_semantics = [#tpu.dimension_semantics<arbitrary>], iteration_bounds = array<i64: 5>, scalar_prefetch = 0 : i64, scratch_operands = 0 : i64, tpu.core_type = #tpu.core_type<tc>, window_params = [{transform_indices = @transform_0, window_bounds = array<i64: 2000, 128>}, {pipeline_mode = #tpu.pipeline_mode<synchronous>, transform_indices = @transform_1, window_bounds = array<i64: 128, 32>}, {pipeline_mode = #tpu.pipeline_mode<synchronous>, transform_indices = @transform_2, window_bounds = array<i64: 1, 32>}, {pipeline_mode = #tpu.pipeline_mode<synchronous>, transform_indices = @transform_3, window_bounds = array<i64: 1, 32>}, {pipeline_mode = #tpu.pipeline_mode<synchronous>, transform_indices = @transform_4, window_bounds = array<i64: 1, 32>}, {pipeline_mode = #tpu.pipeline_mode<synchronous>, transform_indices = @transform_5, window_bounds = array<i64: 128, 128>}, {pipeline_mode = #tpu.pipeline_mode<synchronous>, transform_indices = @transform_6, window_bounds = array<i64: 1, 128>}, {pipeline_mode = #tpu.pipeline_mode<synchronous>, transform_indices = @transform_7, window_bounds = array<i64: 128, 2>}, {pipeline_mode = #tpu.pipeline_mode<synchronous>, transform_indices = @transform_8, window_bounds = array<i64: 1, 2>}, {transform_indices = @transform_9, window_bounds = array<i64: 2000, 32>}, {transform_indices = @transform_10, window_bounds = array<i64: 2000, 128>}, {transform_indices = @transform_11, window_bounds = array<i64: 2000, 2>}]} {
    %get3A = arith.constant 0 : index
    %get3A_0 = arith.constant 0 : index
    %get3A_1 = vector.load %arg1[%get3A, %get3A_0] : memref<2000x128xf32, #tpu.memory_space<vmem>>, vector<2000x128xf32>
    %get3A_2 = arith.constant 0 : index
    %get3A_3 = arith.constant 0 : index
    %get3A_4 = vector.load %arg2[%get3A_2, %get3A_3] : memref<128x32xf32, #tpu.memory_space<vmem>>, vector<128x32xf32>
    %dot_general3A = arith.constant dense<0.000000e+00> : vector<2000x32xf32>
    %dot_general3A_5 = tpu.matmul %get3A_1, %get3A_4, %dot_general3A {dimension_numbers = #tpu.dot_dimension_numbers<[1], [0], [0], [1], [0, 0, 1, 1], [], []>, transpose_lhs_hint = false} : vector<2000x128xf32>, vector<128x32xf32>, vector<2000x32xf32> -> vector<2000x32xf32>
    %get3A_6 = arith.constant 0 : index
    %get3A_7 = arith.constant 0 : index
    %get3A_8 = vector.load %arg3[%get3A_6, %get3A_7] : memref<1x32xf32, #tpu.memory_space<vmem>>, vector<1x32xf32>
    %add3A = vector.broadcast %get3A_8 : vector<1x32xf32> to vector<2000x32xf32>
    %add3A_9 = arith.addf %dot_general3A_5, %add3A : vector<2000x32xf32>
    %iota3A = tpu.iota {dimensions = array<i32: 1>} : vector<2000x32xi32>
    %lt3A = arith.constant 20 : i32
    %lt3A_10 = vector.broadcast %lt3A : i32 to vector<2000x32xi32>
    %lt3A_11 = arith.cmpi slt, %iota3A, %lt3A_10 : vector<2000x32xi32>
    %reduce_sum3A = arith.constant dense<0.000000e+00> : vector<2000xf32>
    %reduce_sum3A_12 = vector.multi_reduction <add>, %add3A_9, %reduce_sum3A [1] : vector<2000x32xf32> to vector<2000xf32>
    %broadcast_in_dim3A = vector.shape_cast %reduce_sum3A_12 : vector<2000xf32> to vector<2000x1xf32>
    %mul3A = arith.constant 5.000000e-02 : f32
    %mul3A_13 = vector.broadcast %mul3A : f32 to vector<2000x1xf32>
    %mul3A_14 = arith.mulf %broadcast_in_dim3A, %mul3A_13 : vector<2000x1xf32>
    %sub3A = vector.broadcast %mul3A_14 : vector<2000x1xf32> to vector<2000x32xf32>
    %sub3A_15 = arith.subf %add3A_9, %sub3A : vector<2000x32xf32>
    %jit3A = arith.constant 0.000000e+00 : f32
    %broadcast_in_dim3A_16 = vector.broadcast %jit3A : f32 to vector<2000x32xf32>
    %select_n3A = arith.select %lt3A_11, %sub3A_15, %broadcast_in_dim3A_16 : vector<2000x32xi1>, vector<2000x32xf32>
    %mul3A_17 = arith.mulf %select_n3A, %select_n3A : vector<2000x32xf32>
    %reduce_sum3A_18 = arith.constant dense<0.000000e+00> : vector<2000xf32>
    %reduce_sum3A_19 = vector.multi_reduction <add>, %mul3A_17, %reduce_sum3A_18 [1] : vector<2000x32xf32> to vector<2000xf32>
    %broadcast_in_dim3A_20 = vector.shape_cast %reduce_sum3A_19 : vector<2000xf32> to vector<2000x1xf32>
    %mul3A_21 = arith.constant 5.000000e-02 : f32
    %mul3A_22 = vector.broadcast %mul3A_21 : f32 to vector<2000x1xf32>
    %mul3A_23 = arith.mulf %broadcast_in_dim3A_20, %mul3A_22 : vector<2000x1xf32>
    %add3A_24 = arith.constant 9.99999974E-6 : f32
    %add3A_25 = vector.broadcast %add3A_24 : f32 to vector<2000x1xf32>
    %add3A_26 = arith.addf %mul3A_23, %add3A_25 : vector<2000x1xf32>
    %rsqrt3A = math.rsqrt %add3A_26 : vector<2000x1xf32>
    %mul3A_27 = vector.broadcast %rsqrt3A : vector<2000x1xf32> to vector<2000x32xf32>
    %mul3A_28 = arith.mulf %select_n3A, %mul3A_27 : vector<2000x32xf32>
    %get3A_29 = arith.constant 0 : index
    %get3A_30 = arith.constant 0 : index
    %get3A_31 = vector.load %arg4[%get3A_29, %get3A_30] : memref<1x32xf32, #tpu.memory_space<vmem>>, vector<1x32xf32>
    %mul3A_32 = vector.broadcast %get3A_31 : vector<1x32xf32> to vector<2000x32xf32>
    %mul3A_33 = arith.mulf %mul3A_28, %mul3A_32 : vector<2000x32xf32>
    %get3A_34 = arith.constant 0 : index
    %get3A_35 = arith.constant 0 : index
    %get3A_36 = vector.load %arg5[%get3A_34, %get3A_35] : memref<1x32xf32, #tpu.memory_space<vmem>>, vector<1x32xf32>
    %add3A_37 = vector.broadcast %get3A_36 : vector<1x32xf32> to vector<2000x32xf32>
    %add3A_38 = arith.addf %mul3A_33, %add3A_37 : vector<2000x32xf32>
    %max3A = arith.constant 0.000000e+00 : f32
    %max3A_39 = vector.broadcast %max3A : f32 to vector<2000x32xf32>
    %max3A_40 = arith.maximumf %add3A_38, %max3A_39 : vector<2000x32xf32>
    %jit3A_41 = arith.constant 0.000000e+00 : f32
    %broadcast_in_dim3A_42 = vector.broadcast %jit3A_41 : f32 to vector<2000x32xf32>
    %select_n3A_43 = arith.select %lt3A_11, %max3A_40, %broadcast_in_dim3A_42 : vector<2000x32xi1>, vector<2000x32xf32>
    %swap3A = arith.constant 0 : index
    %swap3A_44 = arith.constant 0 : index
    %swap3A_45 = vector.load %arg10[%swap3A, %swap3A_44] : memref<2000x32xf32, #tpu.memory_space<vmem>>, vector<2000x32xf32>
    tpu.vector_store %arg10[%swap3A, %swap3A_44], %select_n3A_43 {strides = array<i32>} : memref<2000x32xf32, #tpu.memory_space<vmem>>, vector<2000x32xf32>,
    %get3A_46 = arith.constant 0 : index
    %get3A_47 = arith.constant 0 : index
    %get3A_48 = vector.load %arg6[%get3A_46, %get3A_47] : memref<128x128xf32, #tpu.memory_space<vmem>>, vector<128x128xf32>
    %dot_general3A_49 = arith.constant dense<0.000000e+00> : vector<2000x128xf32>
    %dot_general3A_50 = tpu.matmul %get3A_1, %get3A_48, %dot_general3A_49 {dimension_numbers = #tpu.dot_dimension_numbers<[1], [0], [0], [1], [0, 0, 1, 1], [], []>, transpose_lhs_hint = false} : vector<2000x128xf32>, vector<128x128xf32>, vector<2000x128xf32> -> vector<2000x128xf32>
    %get3A_51 = arith.constant 0 : index
    %get3A_52 = arith.constant 0 : index
    %get3A_53 = vector.load %arg7[%get3A_51, %get3A_52] : memref<1x128xf32, #tpu.memory_space<vmem>>, vector<1x128xf32>
    %add3A_54 = vector.broadcast %get3A_53 : vector<1x128xf32> to vector<2000x128xf32>
    %add3A_55 = arith.addf %dot_general3A_50, %add3A_54 : vector<2000x128xf32>
    %swap3A_56 = arith.constant 0 : index
    %swap3A_57 = arith.constant 0 : index
    %swap3A_58 = vector.load %arg11[%swap3A_56, %swap3A_57] : memref<2000x128xf32, #tpu.memory_space<vmem>>, vector<2000x128xf32>
    tpu.vector_store %arg11[%swap3A_56, %swap3A_57], %add3A_55 {strides = array<i32>} : memref<2000x128xf32, #tpu.memory_space<vmem>>, vector<2000x128xf32>,
    %get3A_59 = arith.constant 0 : index
    %get3A_60 = arith.constant 0 : index
    %get3A_61 = vector.load %arg8[%get3A_59, %get3A_60] : memref<128x2xf32, #tpu.memory_space<vmem>>, vector<128x2xf32>
    %dot_general3A_62 = arith.constant dense<0.000000e+00> : vector<2000x2xf32>
    %dot_general3A_63 = tpu.matmul %get3A_1, %get3A_61, %dot_general3A_62 {dimension_numbers = #tpu.dot_dimension_numbers<[1], [0], [0], [1], [0, 0, 1, 1], [], []>, transpose_lhs_hint = false} : vector<2000x128xf32>, vector<128x2xf32>, vector<2000x2xf32> -> vector<2000x2xf32>
    %get3A_64 = arith.constant 0 : index
    %get3A_65 = arith.constant 0 : index
    %get3A_66 = vector.load %arg9[%get3A_64, %get3A_65] : memref<1x2xf32, #tpu.memory_space<vmem>>, vector<1x2xf32>
    %add3A_67 = vector.broadcast %get3A_66 : vector<1x2xf32> to vector<2000x2xf32>
    %add3A_68 = arith.addf %dot_general3A_63, %add3A_67 : vector<2000x2xf32>
    %swap3A_69 = arith.constant 0 : index
    %swap3A_70 = arith.constant 0 : index
    %swap3A_71 = vector.load %arg12[%swap3A_69, %swap3A_70] : memref<2000x2xf32, #tpu.memory_space<vmem>>, vector<2000x2xf32>
    tpu.vector_store %arg12[%swap3A_69, %swap3A_70], %add3A_68 {strides = array<i32>} : memref<2000x2xf32, #tpu.memory_space<vmem>>, vector<2000x2xf32>,
    return
  }
  func.func @transform_0(%arg0: i32) -> (i32, i32) {
    %c0_i32 = arith.constant 0 : i32
    %c0_i32_0 = arith.constant 0 : i32
    return %arg0, %c0_i32 : i32, i32
  }
  func.func @transform_1(%arg0: i32) -> (i32, i32) {
    %c0_i32 = arith.constant 0 : i32
    %c0_i32_0 = arith.constant 0 : i32
    %c0_i32_1 = arith.constant 0 : i32
    return %c0_i32, %c0_i32_0 : i32, i32
  }
  func.func @transform_2(%arg0: i32) -> (i32, i32) {
    %c0_i32 = arith.constant 0 : i32
    %c0_i32_0 = arith.constant 0 : i32
    %c0_i32_1 = arith.constant 0 : i32
    return %c0_i32, %c0_i32_0 : i32, i32
  }
  func.func @transform_3(%arg0: i32) -> (i32, i32) {
    %c0_i32 = arith.constant 0 : i32
    %c0_i32_0 = arith.constant 0 : i32
    %c0_i32_1 = arith.constant 0 : i32
    return %c0_i32, %c0_i32_0 : i32, i32
  }
  func.func @transform_4(%arg0: i32) -> (i32, i32) {
    %c0_i32 = arith.constant 0 : i32
    %c0_i32_0 = arith.constant 0 : i32
    %c0_i32_1 = arith.constant 0 : i32
    return %c0_i32, %c0_i32_0 : i32, i32
  }
  func.func @transform_5(%arg0: i32) -> (i32, i32) {
    %c0_i32 = arith.constant 0 : i32
    %c0_i32_0 = arith.constant 0 : i32
    %c0_i32_1 = arith.constant 0 : i32
    return %c0_i32, %c0_i32_0 : i32, i32
  }
  func.func @transform_6(%arg0: i32) -> (i32, i32) {
    %c0_i32 = arith.constant 0 : i32
    %c0_i32_0 = arith.constant 0 : i32
    %c0_i32_1 = arith.constant 0 : i32
    return %c0_i32, %c0_i32_0 : i32, i32
  }
  func.func @transform_7(%arg0: i32) -> (i32, i32) {
    %c0_i32 = arith.constant 0 : i32
    %c0_i32_0 = arith.constant 0 : i32
    %c0_i32_1 = arith.constant 0 : i32
    return %c0_i32, %c0_i32_0 : i32, i32
  }
  func.func @transform_8(%arg0: i32) -> (i32, i32) {
    %c0_i32 = arith.constant 0 : i32
    %c0_i32_0 = arith.constant 0 : i32
    %c0_i32_1 = arith.constant 0 : i32
    return %c0_i32, %c0_i32_0 : i32, i32
  }
  func.func @transform_9(%arg0: i32) -> (i32, i32) {
    %c0_i32 = arith.constant 0 : i32
    %c0_i32_0 = arith.constant 0 : i32
    return %arg0, %c0_i32 : i32, i32
  }
  func.func @transform_10(%arg0: i32) -> (i32, i32) {
    %c0_i32 = arith.constant 0 : i32
    %c0_i32_0 = arith.constant 0 : i32
    return %arg0, %c0_i32 : i32, i32
  }
  func.func @transform_11(%arg0: i32) -> (i32, i32) {
    %c0_i32 = arith.constant 0 : i32
    %c0_i32_0 = arith.constant 0 : i32
    return %arg0, %c0_i32 : i32, i32
  }
}

module attributes {stable_mosaic.version = 14 : i64} {
  func.func @_kron_body(%arg0: i32, %arg1: memref<2560x32xf32, #tpu.memory_space<vmem>>, %arg2: memref<2560x32xf32, #tpu.memory_space<vmem>>, %arg3: memref<32x640xf32, #tpu.memory_space<vmem>>, %arg4: memref<640x128xf32, #tpu.memory_space<vmem>>, %arg5: memref<1x128xf32, #tpu.memory_space<vmem>>, %arg6: memref<1x128xf32, #tpu.memory_space<vmem>>, %arg7: memref<1x128xf32, #tpu.memory_space<vmem>>, %arg8: memref<2560x128xf32, #tpu.memory_space<vmem>>) attributes {dimension_semantics = [#tpu.dimension_semantics<arbitrary>], iteration_bounds = array<i64: 125>, scalar_prefetch = 0 : i64, scratch_operands = 0 : i64, tpu.core_type = #tpu.core_type<tc>, window_params = [{transform_indices = @transform_0, window_bounds = array<i64: 2560, 32>}, {transform_indices = @transform_1, window_bounds = array<i64: 2560, 32>}, {pipeline_mode = #tpu.pipeline_mode<synchronous>, transform_indices = @transform_2, window_bounds = array<i64: 32, 640>}, {pipeline_mode = #tpu.pipeline_mode<synchronous>, transform_indices = @transform_3, window_bounds = array<i64: 640, 128>}, {pipeline_mode = #tpu.pipeline_mode<synchronous>, transform_indices = @transform_4, window_bounds = array<i64: 1, 128>}, {pipeline_mode = #tpu.pipeline_mode<synchronous>, transform_indices = @transform_5, window_bounds = array<i64: 1, 128>}, {pipeline_mode = #tpu.pipeline_mode<synchronous>, transform_indices = @transform_6, window_bounds = array<i64: 1, 128>}, {transform_indices = @transform_7, window_bounds = array<i64: 2560, 128>}]} {
    %get3A = arith.constant 0 : index
    %get3A_0 = arith.constant 0 : index
    %get3A_1 = vector.load %arg1[%get3A, %get3A_0] : memref<2560x32xf32, #tpu.memory_space<vmem>>, vector<2560x32xf32>
    %get3A_2 = arith.constant 0 : index
    %get3A_3 = arith.constant 0 : index
    %get3A_4 = vector.load %arg2[%get3A_2, %get3A_3] : memref<2560x32xf32, #tpu.memory_space<vmem>>, vector<2560x32xf32>
    %get3A_5 = arith.constant 0 : index
    %get3A_6 = arith.constant 0 : index
    %get3A_7 = vector.load %arg3[%get3A_5, %get3A_6] : memref<32x640xf32, #tpu.memory_space<vmem>>, vector<32x640xf32>
    %dot_general3A = arith.constant dense<0.000000e+00> : vector<2560x640xf32>
    %dot_general3A_8 = tpu.matmul %get3A_1, %get3A_7, %dot_general3A {dimension_numbers = #tpu.dot_dimension_numbers<[1], [0], [0], [1], [0, 0, 1, 1], [], []>, transpose_lhs_hint = false} : vector<2560x32xf32>, vector<32x640xf32>, vector<2560x640xf32> -> vector<2560x640xf32>
    %tile3A = tpu.concatenate %get3A_4, %get3A_4, %get3A_4, %get3A_4, %get3A_4, %get3A_4, %get3A_4, %get3A_4, %get3A_4, %get3A_4, %get3A_4, %get3A_4, %get3A_4, %get3A_4, %get3A_4, %get3A_4, %get3A_4, %get3A_4, %get3A_4, %get3A_4 in 1 : vector<2560x32xf32>, vector<2560x32xf32>, vector<2560x32xf32>, vector<2560x32xf32>, vector<2560x32xf32>, vector<2560x32xf32>, vector<2560x32xf32>, vector<2560x32xf32>, vector<2560x32xf32>, vector<2560x32xf32>, vector<2560x32xf32>, vector<2560x32xf32>, vector<2560x32xf32>, vector<2560x32xf32>, vector<2560x32xf32>, vector<2560x32xf32>, vector<2560x32xf32>, vector<2560x32xf32>, vector<2560x32xf32>, vector<2560x32xf32> -> vector<2560x640xf32>
    %mul3A = arith.mulf %dot_general3A_8, %tile3A : vector<2560x640xf32>
    %get3A_9 = arith.constant 0 : index
    %get3A_10 = arith.constant 0 : index
    %get3A_11 = vector.load %arg4[%get3A_9, %get3A_10] : memref<640x128xf32, #tpu.memory_space<vmem>>, vector<640x128xf32>
    %dot_general3A_12 = arith.constant dense<0.000000e+00> : vector<2560x128xf32>
    %dot_general3A_13 = tpu.matmul %mul3A, %get3A_11, %dot_general3A_12 {dimension_numbers = #tpu.dot_dimension_numbers<[1], [0], [0], [1], [0, 0, 1, 1], [], []>, transpose_lhs_hint = false} : vector<2560x640xf32>, vector<640x128xf32>, vector<2560x128xf32> -> vector<2560x128xf32>
    %get3A_14 = arith.constant 0 : index
    %get3A_15 = arith.constant 0 : index
    %get3A_16 = vector.load %arg5[%get3A_14, %get3A_15] : memref<1x128xf32, #tpu.memory_space<vmem>>, vector<1x128xf32>
    %add3A = vector.broadcast %get3A_16 : vector<1x128xf32> to vector<2560x128xf32>
    %add3A_17 = arith.addf %dot_general3A_13, %add3A : vector<2560x128xf32>
    %reduce_sum3A = arith.constant dense<0.000000e+00> : vector<2560xf32>
    %reduce_sum3A_18 = vector.multi_reduction <add>, %add3A_17, %reduce_sum3A [1] : vector<2560x128xf32> to vector<2560xf32>
    %broadcast_in_dim3A = vector.shape_cast %reduce_sum3A_18 : vector<2560xf32> to vector<2560x1xf32>
    %div3A = arith.constant 1.280000e+02 : f32
    %div3A_19 = vector.broadcast %div3A : f32 to vector<2560x1xf32>
    %div3A_20 = arith.divf %broadcast_in_dim3A, %div3A_19 : vector<2560x1xf32>
    %sub3A = vector.broadcast %div3A_20 : vector<2560x1xf32> to vector<2560x128xf32>
    %sub3A_21 = arith.subf %add3A_17, %sub3A : vector<2560x128xf32>
    %mul3A_22 = arith.mulf %sub3A_21, %sub3A_21 : vector<2560x128xf32>
    %reduce_sum3A_23 = arith.constant dense<0.000000e+00> : vector<2560xf32>
    %reduce_sum3A_24 = vector.multi_reduction <add>, %mul3A_22, %reduce_sum3A_23 [1] : vector<2560x128xf32> to vector<2560xf32>
    %broadcast_in_dim3A_25 = vector.shape_cast %reduce_sum3A_24 : vector<2560xf32> to vector<2560x1xf32>
    %div3A_26 = arith.constant 1.280000e+02 : f32
    %div3A_27 = vector.broadcast %div3A_26 : f32 to vector<2560x1xf32>
    %div3A_28 = arith.divf %broadcast_in_dim3A_25, %div3A_27 : vector<2560x1xf32>
    %add3A_29 = arith.constant 9.99999974E-6 : f32
    %add3A_30 = vector.broadcast %add3A_29 : f32 to vector<2560x1xf32>
    %add3A_31 = arith.addf %div3A_28, %add3A_30 : vector<2560x1xf32>
    %rsqrt3A = math.rsqrt %add3A_31 : vector<2560x1xf32>
    %mul3A_32 = vector.broadcast %rsqrt3A : vector<2560x1xf32> to vector<2560x128xf32>
    %mul3A_33 = arith.mulf %sub3A_21, %mul3A_32 : vector<2560x128xf32>
    %get3A_34 = arith.constant 0 : index
    %get3A_35 = arith.constant 0 : index
    %get3A_36 = vector.load %arg6[%get3A_34, %get3A_35] : memref<1x128xf32, #tpu.memory_space<vmem>>, vector<1x128xf32>
    %mul3A_37 = vector.broadcast %get3A_36 : vector<1x128xf32> to vector<2560x128xf32>
    %mul3A_38 = arith.mulf %mul3A_33, %mul3A_37 : vector<2560x128xf32>
    %get3A_39 = arith.constant 0 : index
    %get3A_40 = arith.constant 0 : index
    %get3A_41 = vector.load %arg7[%get3A_39, %get3A_40] : memref<1x128xf32, #tpu.memory_space<vmem>>, vector<1x128xf32>
    %add3A_42 = vector.broadcast %get3A_41 : vector<1x128xf32> to vector<2560x128xf32>
    %add3A_43 = arith.addf %mul3A_38, %add3A_42 : vector<2560x128xf32>
    %max3A = arith.constant 0.000000e+00 : f32
    %max3A_44 = vector.broadcast %max3A : f32 to vector<2560x128xf32>
    %max3A_45 = arith.maximumf %add3A_43, %max3A_44 : vector<2560x128xf32>
    %swap3A = arith.constant 0 : index
    %swap3A_46 = arith.constant 0 : index
    %swap3A_47 = vector.load %arg8[%swap3A, %swap3A_46] : memref<2560x128xf32, #tpu.memory_space<vmem>>, vector<2560x128xf32>
    tpu.vector_store %arg8[%swap3A, %swap3A_46], %max3A_45 {strides = array<i32>} : memref<2560x128xf32, #tpu.memory_space<vmem>>, vector<2560x128xf32>,
    return
  }
  func.func @transform_0(%arg0: i32) -> (i32, i32) {
    %c0_i32 = arith.constant 0 : i32
    %c0_i32_0 = arith.constant 0 : i32
    return %arg0, %c0_i32 : i32, i32
  }
  func.func @transform_1(%arg0: i32) -> (i32, i32) {
    %c0_i32 = arith.constant 0 : i32
    %c0_i32_0 = arith.constant 0 : i32
    return %arg0, %c0_i32 : i32, i32
  }
  func.func @transform_2(%arg0: i32) -> (i32, i32) {
    %c0_i32 = arith.constant 0 : i32
    %c0_i32_0 = arith.constant 0 : i32
    %c0_i32_1 = arith.constant 0 : i32
    return %c0_i32, %c0_i32_0 : i32, i32
  }
  func.func @transform_3(%arg0: i32) -> (i32, i32) {
    %c0_i32 = arith.constant 0 : i32
    %c0_i32_0 = arith.constant 0 : i32
    %c0_i32_1 = arith.constant 0 : i32
    return %c0_i32, %c0_i32_0 : i32, i32
  }
  func.func @transform_4(%arg0: i32) -> (i32, i32) {
    %c0_i32 = arith.constant 0 : i32
    %c0_i32_0 = arith.constant 0 : i32
    %c0_i32_1 = arith.constant 0 : i32
    return %c0_i32, %c0_i32_0 : i32, i32
  }
  func.func @transform_5(%arg0: i32) -> (i32, i32) {
    %c0_i32 = arith.constant 0 : i32
    %c0_i32_0 = arith.constant 0 : i32
    %c0_i32_1 = arith.constant 0 : i32
    return %c0_i32, %c0_i32_0 : i32, i32
  }
  func.func @transform_6(%arg0: i32) -> (i32, i32) {
    %c0_i32 = arith.constant 0 : i32
    %c0_i32_0 = arith.constant 0 : i32
    %c0_i32_1 = arith.constant 0 : i32
    return %c0_i32, %c0_i32_0 : i32, i32
  }
  func.func @transform_7(%arg0: i32) -> (i32, i32) {
    %c0_i32 = arith.constant 0 : i32
    %c0_i32_0 = arith.constant 0 : i32
    return %arg0, %c0_i32 : i32, i32
  }
}

module attributes {stable_mosaic.version = 14 : i64} {
  func.func @_final_body(%arg0: i32, %arg1: memref<2000x128xf32, #tpu.memory_space<vmem>>, %arg2: memref<2000x128xf32, #tpu.memory_space<vmem>>, %arg3: memref<2000x128xf32, #tpu.memory_space<vmem>>, %arg4: memref<2000x16xf32, #tpu.memory_space<vmem>>, %arg5: memref<2000x16xf32, #tpu.memory_space<vmem>>, %arg6: memref<2000x128xf32, #tpu.memory_space<vmem>>, %arg7: memref<2000x128xf32, #tpu.memory_space<vmem>>, %arg8: memref<128x384xf32, #tpu.memory_space<vmem>>, %arg9: memref<1x384xf32, #tpu.memory_space<vmem>>, %arg10: memref<128x384xf32, #tpu.memory_space<vmem>>, %arg11: memref<1x384xf32, #tpu.memory_space<vmem>>, %arg12: memref<1x128xf32, #tpu.memory_space<vmem>>, %arg13: memref<1x128xf32, #tpu.memory_space<vmem>>, %arg14: memref<128x128xf32, #tpu.memory_space<vmem>>, %arg15: memref<128x128xf32, #tpu.memory_space<vmem>>, %arg16: memref<1x128xf32, #tpu.memory_space<vmem>>, %arg17: memref<1x128xf32, #tpu.memory_space<vmem>>, %arg18: memref<1x128xf32, #tpu.memory_space<vmem>>, %arg19: memref<2000x128xf32, #tpu.memory_space<vmem>>) attributes {dimension_semantics = [#tpu.dimension_semantics<arbitrary>], iteration_bounds = array<i64: 5>, scalar_prefetch = 0 : i64, scratch_operands = 0 : i64, tpu.core_type = #tpu.core_type<tc>, window_params = [{transform_indices = @transform_0, window_bounds = array<i64: 2000, 128>}, {transform_indices = @transform_1, window_bounds = array<i64: 2000, 128>}, {transform_indices = @transform_2, window_bounds = array<i64: 2000, 128>}, {transform_indices = @transform_3, window_bounds = array<i64: 2000, 16>}, {transform_indices = @transform_4, window_bounds = array<i64: 2000, 16>}, {transform_indices = @transform_5, window_bounds = array<i64: 2000, 128>}, {transform_indices = @transform_6, window_bounds = array<i64: 2000, 128>}, {pipeline_mode = #tpu.pipeline_mode<synchronous>, transform_indices = @transform_7, window_bounds = array<i64: 128, 384>}, {pipeline_mode = #tpu.pipeline_mode<synchronous>, transform_indices = @transform_8, window_bounds = array<i64: 1, 384>}, {pipeline_mode = #tpu.pipeline_mode<synchronous>, transform_indices = @transform_9, window_bounds = array<i64: 128, 384>}, {pipeline_mode = #tpu.pipeline_mode<synchronous>, transform_indices = @transform_10, window_bounds = array<i64: 1, 384>}, {pipeline_mode = #tpu.pipeline_mode<synchronous>, transform_indices = @transform_11, window_bounds = array<i64: 1, 128>}, {pipeline_mode = #tpu.pipeline_mode<synchronous>, transform_indices = @transform_12, window_bounds = array<i64: 1, 128>}, {pipeline_mode = #tpu.pipeline_mode<synchronous>, transform_indices = @transform_13, window_bounds = array<i64: 128, 128>}, {pipeline_mode = #tpu.pipeline_mode<synchronous>, transform_indices = @transform_14, window_bounds = array<i64: 128, 128>}, {pipeline_mode = #tpu.pipeline_mode<synchronous>, transform_indices = @transform_15, window_bounds = array<i64: 1, 128>}, {pipeline_mode = #tpu.pipeline_mode<synchronous>, transform_indices = @transform_16, window_bounds = array<i64: 1, 128>}, {pipeline_mode = #tpu.pipeline_mode<synchronous>, transform_indices = @transform_17, window_bounds = array<i64: 1, 128>}, {transform_indices = @transform_18, window_bounds = array<i64: 2000, 128>}]} {
    %get3A = arith.constant 0 : index
    %get3A_0 = arith.constant 0 : index
    %get3A_1 = vector.load %arg1[%get3A, %get3A_0] : memref<2000x128xf32, #tpu.memory_space<vmem>>, vector<2000x128xf32>
    %get3A_2 = arith.constant 0 : index
    %get3A_3 = arith.constant 0 : index
    %get3A_4 = vector.load %arg4[%get3A_2, %get3A_3] : memref<2000x16xf32, #tpu.memory_space<vmem>>, vector<2000x1xf32>
    %get3A_5 = arith.constant 0 : index
    %get3A_6 = arith.constant 0 : index
    %get3A_7 = vector.load %arg5[%get3A_5, %get3A_6] : memref<2000x16xf32, #tpu.memory_space<vmem>>, vector<2000x1xf32>
    %add3A = arith.addf %get3A_4, %get3A_7 : vector<2000x1xf32>
    %get3A_8 = arith.constant 0 : index
    %get3A_9 = arith.constant 0 : index
    %get3A_10 = vector.load %arg2[%get3A_8, %get3A_9] : memref<2000x128xf32, #tpu.memory_space<vmem>>, vector<2000x128xf32>
    %get3A_11 = arith.constant 0 : index
    %get3A_12 = arith.constant 0 : index
    %get3A_13 = vector.load %arg3[%get3A_11, %get3A_12] : memref<2000x128xf32, #tpu.memory_space<vmem>>, vector<2000x128xf32>
    %add3A_14 = arith.addf %get3A_10, %get3A_13 : vector<2000x128xf32>
    %add3A_15 = arith.constant 9.99999971E-10 : f32
    %add3A_16 = vector.broadcast %add3A_15 : f32 to vector<2000x1xf32>
    %add3A_17 = arith.addf %add3A, %add3A_16 : vector<2000x1xf32>
    %div3A = vector.broadcast %add3A_17 : vector<2000x1xf32> to vector<2000x128xf32>
    %div3A_18 = arith.divf %add3A_14, %div3A : vector<2000x128xf32>
    %max3A = arith.constant 0.000000e+00 : f32
    %max3A_19 = vector.broadcast %max3A : f32 to vector<2000x128xf32>
    %max3A_20 = arith.maximumf %div3A_18, %max3A_19 : vector<2000x128xf32>
    %get3A_21 = arith.constant 0 : index
    %get3A_22 = arith.constant 0 : index
    %get3A_23 = vector.load %arg8[%get3A_21, %get3A_22] : memref<128x384xf32, #tpu.memory_space<vmem>>, vector<128x384xf32>
    %dot_general3A = arith.constant dense<0.000000e+00> : vector<2000x384xf32>
    %dot_general3A_24 = tpu.matmul %max3A_20, %get3A_23, %dot_general3A {dimension_numbers = #tpu.dot_dimension_numbers<[1], [0], [0], [1], [0, 0, 1, 1], [], []>, transpose_lhs_hint = false} : vector<2000x128xf32>, vector<128x384xf32>, vector<2000x384xf32> -> vector<2000x384xf32>
    %get3A_25 = arith.constant 0 : index
    %get3A_26 = arith.constant 0 : index
    %get3A_27 = vector.load %arg9[%get3A_25, %get3A_26] : memref<1x384xf32, #tpu.memory_space<vmem>>, vector<1x384xf32>
    %add3A_28 = vector.broadcast %get3A_27 : vector<1x384xf32> to vector<2000x384xf32>
    %add3A_29 = arith.addf %dot_general3A_24, %add3A_28 : vector<2000x384xf32>
    %get3A_30 = arith.constant 0 : index
    %get3A_31 = arith.constant 0 : index
    %get3A_32 = vector.load %arg10[%get3A_30, %get3A_31] : memref<128x384xf32, #tpu.memory_space<vmem>>, vector<128x384xf32>
    %dot_general3A_33 = arith.constant dense<0.000000e+00> : vector<2000x384xf32>
    %dot_general3A_34 = tpu.matmul %get3A_1, %get3A_32, %dot_general3A_33 {dimension_numbers = #tpu.dot_dimension_numbers<[1], [0], [0], [1], [0, 0, 1, 1], [], []>, transpose_lhs_hint = false} : vector<2000x128xf32>, vector<128x384xf32>, vector<2000x384xf32> -> vector<2000x384xf32>
    %get3A_35 = arith.constant 0 : index
    %get3A_36 = arith.constant 0 : index
    %get3A_37 = vector.load %arg11[%get3A_35, %get3A_36] : memref<1x384xf32, #tpu.memory_space<vmem>>, vector<1x384xf32>
    %add3A_38 = vector.broadcast %get3A_37 : vector<1x384xf32> to vector<2000x384xf32>
    %add3A_39 = arith.addf %dot_general3A_34, %add3A_38 : vector<2000x384xf32>
    %slice3A = vector.extract_strided_slice %add3A_29 {offsets = [0, 0], sizes = [2000, 128], strides = [1, 1]} : vector<2000x384xf32> to vector<2000x128xf32>
    %slice3A_40 = vector.extract_strided_slice %add3A_39 {offsets = [0, 0], sizes = [2000, 128], strides = [1, 1]} : vector<2000x384xf32> to vector<2000x128xf32>
    %add3A_41 = arith.addf %slice3A, %slice3A_40 : vector<2000x128xf32>
    %logistic3A = arith.negf %add3A_41 : vector<2000x128xf32>
    %logistic3A_42 = math.exp %logistic3A : vector<2000x128xf32>
    %logistic3A_43 = arith.constant 1.000000e+00 : f32
    %logistic3A_44 = vector.broadcast %logistic3A_43 : f32 to vector<2000x128xf32>
    %logistic3A_45 = arith.addf %logistic3A_44, %logistic3A_42 : vector<2000x128xf32>
    %logistic3A_46 = arith.divf %logistic3A_44, %logistic3A_45 : vector<2000x128xf32>
    %slice3A_47 = vector.extract_strided_slice %add3A_29 {offsets = [0, 128], sizes = [2000, 128], strides = [1, 1]} : vector<2000x384xf32> to vector<2000x128xf32>
    %slice3A_48 = vector.extract_strided_slice %add3A_39 {offsets = [0, 128], sizes = [2000, 128], strides = [1, 1]} : vector<2000x384xf32> to vector<2000x128xf32>
    %add3A_49 = arith.addf %slice3A_47, %slice3A_48 : vector<2000x128xf32>
    %logistic3A_50 = arith.negf %add3A_49 : vector<2000x128xf32>
    %logistic3A_51 = math.exp %logistic3A_50 : vector<2000x128xf32>
    %logistic3A_52 = arith.constant 1.000000e+00 : f32
    %logistic3A_53 = vector.broadcast %logistic3A_52 : f32 to vector<2000x128xf32>
    %logistic3A_54 = arith.addf %logistic3A_53, %logistic3A_51 : vector<2000x128xf32>
    %logistic3A_55 = arith.divf %logistic3A_53, %logistic3A_54 : vector<2000x128xf32>
    %slice3A_56 = vector.extract_strided_slice %add3A_29 {offsets = [0, 256], sizes = [2000, 128], strides = [1, 1]} : vector<2000x384xf32> to vector<2000x128xf32>
    %slice3A_57 = vector.extract_strided_slice %add3A_39 {offsets = [0, 256], sizes = [2000, 128], strides = [1, 1]} : vector<2000x384xf32> to vector<2000x128xf32>
    %mul3A = arith.mulf %logistic3A_46, %slice3A_57 : vector<2000x128xf32>
    %add3A_58 = arith.addf %slice3A_56, %mul3A : vector<2000x128xf32>
    %tanh3A = math.tanh %add3A_58 : vector<2000x128xf32>
    %sub3A = arith.constant 1.000000e+00 : f32
    %sub3A_59 = vector.broadcast %sub3A : f32 to vector<2000x128xf32>
    %sub3A_60 = arith.subf %sub3A_59, %logistic3A_55 : vector<2000x128xf32>
    %mul3A_61 = arith.mulf %sub3A_60, %tanh3A : vector<2000x128xf32>
    %mul3A_62 = arith.mulf %logistic3A_55, %get3A_1 : vector<2000x128xf32>
    %add3A_63 = arith.addf %mul3A_61, %mul3A_62 : vector<2000x128xf32>
    %max3A_64 = arith.constant 0.000000e+00 : f32
    %max3A_65 = vector.broadcast %max3A_64 : f32 to vector<2000x128xf32>
    %max3A_66 = arith.maximumf %add3A_63, %max3A_65 : vector<2000x128xf32>
    %reduce_sum3A = arith.constant dense<0.000000e+00> : vector<2000xf32>
    %reduce_sum3A_67 = vector.multi_reduction <add>, %max3A_66, %reduce_sum3A [1] : vector<2000x128xf32> to vector<2000xf32>
    %broadcast_in_dim3A = vector.shape_cast %reduce_sum3A_67 : vector<2000xf32> to vector<2000x1xf32>
    %div3A_68 = arith.constant 1.280000e+02 : f32
    %div3A_69 = vector.broadcast %div3A_68 : f32 to vector<2000x1xf32>
    %div3A_70 = arith.divf %broadcast_in_dim3A, %div3A_69 : vector<2000x1xf32>
    %sub3A_71 = vector.broadcast %div3A_70 : vector<2000x1xf32> to vector<2000x128xf32>
    %sub3A_72 = arith.subf %max3A_66, %sub3A_71 : vector<2000x128xf32>
    %mul3A_73 = arith.mulf %sub3A_72, %sub3A_72 : vector<2000x128xf32>
    %reduce_sum3A_74 = arith.constant dense<0.000000e+00> : vector<2000xf32>
    %reduce_sum3A_75 = vector.multi_reduction <add>, %mul3A_73, %reduce_sum3A_74 [1] : vector<2000x128xf32> to vector<2000xf32>
    %broadcast_in_dim3A_76 = vector.shape_cast %reduce_sum3A_75 : vector<2000xf32> to vector<2000x1xf32>
    %div3A_77 = arith.constant 1.280000e+02 : f32
    %div3A_78 = vector.broadcast %div3A_77 : f32 to vector<2000x1xf32>
    %div3A_79 = arith.divf %broadcast_in_dim3A_76, %div3A_78 : vector<2000x1xf32>
    %add3A_80 = arith.constant 9.99999974E-6 : f32
    %add3A_81 = vector.broadcast %add3A_80 : f32 to vector<2000x1xf32>
    %add3A_82 = arith.addf %div3A_79, %add3A_81 : vector<2000x1xf32>
    %rsqrt3A = math.rsqrt %add3A_82 : vector<2000x1xf32>
    %mul3A_83 = vector.broadcast %rsqrt3A : vector<2000x1xf32> to vector<2000x128xf32>
    %mul3A_84 = arith.mulf %sub3A_72, %mul3A_83 : vector<2000x128xf32>
    %get3A_85 = arith.constant 0 : index
    %get3A_86 = arith.constant 0 : index
    %get3A_87 = vector.load %arg12[%get3A_85, %get3A_86] : memref<1x128xf32, #tpu.memory_space<vmem>>, vector<1x128xf32>
    %mul3A_88 = vector.broadcast %get3A_87 : vector<1x128xf32> to vector<2000x128xf32>
    %mul3A_89 = arith.mulf %mul3A_84, %mul3A_88 : vector<2000x128xf32>
    %get3A_90 = arith.constant 0 : index
    %get3A_91 = arith.constant 0 : index
    %get3A_92 = vector.load %arg13[%get3A_90, %get3A_91] : memref<1x128xf32, #tpu.memory_space<vmem>>, vector<1x128xf32>
    %add3A_93 = vector.broadcast %get3A_92 : vector<1x128xf32> to vector<2000x128xf32>
    %add3A_94 = arith.addf %mul3A_89, %add3A_93 : vector<2000x128xf32>
    %get3A_95 = arith.constant 0 : index
    %get3A_96 = arith.constant 0 : index
    %get3A_97 = vector.load %arg6[%get3A_95, %get3A_96] : memref<2000x128xf32, #tpu.memory_space<vmem>>, vector<2000x128xf32>
    %get3A_98 = arith.constant 0 : index
    %get3A_99 = arith.constant 0 : index
    %get3A_100 = vector.load %arg7[%get3A_98, %get3A_99] : memref<2000x128xf32, #tpu.memory_space<vmem>>, vector<2000x128xf32>
    %add3A_101 = arith.addf %get3A_97, %get3A_100 : vector<2000x128xf32>
    %get3A_102 = arith.constant 0 : index
    %get3A_103 = arith.constant 0 : index
    %get3A_104 = vector.load %arg14[%get3A_102, %get3A_103] : memref<128x128xf32, #tpu.memory_space<vmem>>, vector<128x128xf32>
    %dot_general3A_105 = arith.constant dense<0.000000e+00> : vector<2000x128xf32>
    %dot_general3A_106 = tpu.matmul %add3A_94, %get3A_104, %dot_general3A_105 {dimension_numbers = #tpu.dot_dimension_numbers<[1], [0], [0], [1], [0, 0, 1, 1], [], []>, transpose_lhs_hint = false} : vector<2000x128xf32>, vector<128x128xf32>, vector<2000x128xf32> -> vector<2000x128xf32>
    %get3A_107 = arith.constant 0 : index
    %get3A_108 = arith.constant 0 : index
    %get3A_109 = vector.load %arg15[%get3A_107, %get3A_108] : memref<128x128xf32, #tpu.memory_space<vmem>>, vector<128x128xf32>
    %dot_general3A_110 = arith.constant dense<0.000000e+00> : vector<2000x128xf32>
    %dot_general3A_111 = tpu.matmul %add3A_101, %get3A_109, %dot_general3A_110 {dimension_numbers = #tpu.dot_dimension_numbers<[1], [0], [0], [1], [0, 0, 1, 1], [], []>, transpose_lhs_hint = false} : vector<2000x128xf32>, vector<128x128xf32>, vector<2000x128xf32> -> vector<2000x128xf32>
    %add3A_112 = arith.addf %dot_general3A_106, %dot_general3A_111 : vector<2000x128xf32>
    %get3A_113 = arith.constant 0 : index
    %get3A_114 = arith.constant 0 : index
    %get3A_115 = vector.load %arg16[%get3A_113, %get3A_114] : memref<1x128xf32, #tpu.memory_space<vmem>>, vector<1x128xf32>
    %add3A_116 = vector.broadcast %get3A_115 : vector<1x128xf32> to vector<2000x128xf32>
    %add3A_117 = arith.addf %add3A_112, %add3A_116 : vector<2000x128xf32>
    %reduce_sum3A_118 = arith.constant dense<0.000000e+00> : vector<2000xf32>
    %reduce_sum3A_119 = vector.multi_reduction <add>, %add3A_117, %reduce_sum3A_118 [1] : vector<2000x128xf32> to vector<2000xf32>
    %broadcast_in_dim3A_120 = vector.shape_cast %reduce_sum3A_119 : vector<2000xf32> to vector<2000x1xf32>
    %div3A_121 = arith.constant 1.280000e+02 : f32
    %div3A_122 = vector.broadcast %div3A_121 : f32 to vector<2000x1xf32>
    %div3A_123 = arith.divf %broadcast_in_dim3A_120, %div3A_122 : vector<2000x1xf32>
    %sub3A_124 = vector.broadcast %div3A_123 : vector<2000x1xf32> to vector<2000x128xf32>
    %sub3A_125 = arith.subf %add3A_117, %sub3A_124 : vector<2000x128xf32>
    %mul3A_126 = arith.mulf %sub3A_125, %sub3A_125 : vector<2000x128xf32>
    %reduce_sum3A_127 = arith.constant dense<0.000000e+00> : vector<2000xf32>
    %reduce_sum3A_128 = vector.multi_reduction <add>, %mul3A_126, %reduce_sum3A_127 [1] : vector<2000x128xf32> to vector<2000xf32>
    %broadcast_in_dim3A_129 = vector.shape_cast %reduce_sum3A_128 : vector<2000xf32> to vector<2000x1xf32>
    %div3A_130 = arith.constant 1.280000e+02 : f32
    %div3A_131 = vector.broadcast %div3A_130 : f32 to vector<2000x1xf32>
    %div3A_132 = arith.divf %broadcast_in_dim3A_129, %div3A_131 : vector<2000x1xf32>
    %add3A_133 = arith.constant 9.99999974E-6 : f32
    %add3A_134 = vector.broadcast %add3A_133 : f32 to vector<2000x1xf32>
    %add3A_135 = arith.addf %div3A_132, %add3A_134 : vector<2000x1xf32>
    %rsqrt3A_136 = math.rsqrt %add3A_135 : vector<2000x1xf32>
    %mul3A_137 = vector.broadcast %rsqrt3A_136 : vector<2000x1xf32> to vector<2000x128xf32>
    %mul3A_138 = arith.mulf %sub3A_125, %mul3A_137 : vector<2000x128xf32>
    %get3A_139 = arith.constant 0 : index
    %get3A_140 = arith.constant 0 : index
    %get3A_141 = vector.load %arg17[%get3A_139, %get3A_140] : memref<1x128xf32, #tpu.memory_space<vmem>>, vector<1x128xf32>
    %mul3A_142 = vector.broadcast %get3A_141 : vector<1x128xf32> to vector<2000x128xf32>
    %mul3A_143 = arith.mulf %mul3A_138, %mul3A_142 : vector<2000x128xf32>
    %get3A_144 = arith.constant 0 : index
    %get3A_145 = arith.constant 0 : index
    %get3A_146 = vector.load %arg18[%get3A_144, %get3A_145] : memref<1x128xf32, #tpu.memory_space<vmem>>, vector<1x128xf32>
    %add3A_147 = vector.broadcast %get3A_146 : vector<1x128xf32> to vector<2000x128xf32>
    %add3A_148 = arith.addf %mul3A_143, %add3A_147 : vector<2000x128xf32>
    %max3A_149 = arith.constant 0.000000e+00 : f32
    %max3A_150 = vector.broadcast %max3A_149 : f32 to vector<2000x128xf32>
    %max3A_151 = arith.maximumf %add3A_148, %max3A_150 : vector<2000x128xf32>
    %swap3A = arith.constant 0 : index
    %swap3A_152 = arith.constant 0 : index
    %swap3A_153 = vector.load %arg19[%swap3A, %swap3A_152] : memref<2000x128xf32, #tpu.memory_space<vmem>>, vector<2000x128xf32>
    tpu.vector_store %arg19[%swap3A, %swap3A_152], %max3A_151 {strides = array<i32>} : memref<2000x128xf32, #tpu.memory_space<vmem>>, vector<2000x128xf32>,
    return
  }
  func.func @transform_0(%arg0: i32) -> (i32, i32) {
    %c0_i32 = arith.constant 0 : i32
    %c0_i32_0 = arith.constant 0 : i32
    return %arg0, %c0_i32 : i32, i32
  }
  func.func @transform_1(%arg0: i32) -> (i32, i32) {
    %c0_i32 = arith.constant 0 : i32
    %c0_i32_0 = arith.constant 0 : i32
    return %arg0, %c0_i32 : i32, i32
  }
  func.func @transform_2(%arg0: i32) -> (i32, i32) {
    %c0_i32 = arith.constant 0 : i32
    %c0_i32_0 = arith.constant 0 : i32
    return %arg0, %c0_i32 : i32, i32
  }
  func.func @transform_3(%arg0: i32) -> (i32, i32) {
    %c0_i32 = arith.constant 0 : i32
    %c0_i32_0 = arith.constant 0 : i32
    return %arg0, %c0_i32 : i32, i32
  }
  func.func @transform_4(%arg0: i32) -> (i32, i32) {
    %c0_i32 = arith.constant 0 : i32
    %c0_i32_0 = arith.constant 0 : i32
    return %arg0, %c0_i32 : i32, i32
  }
  func.func @transform_5(%arg0: i32) -> (i32, i32) {
    %c0_i32 = arith.constant 0 : i32
    %c0_i32_0 = arith.constant 0 : i32
    return %arg0, %c0_i32 : i32, i32
  }
  func.func @transform_6(%arg0: i32) -> (i32, i32) {
    %c0_i32 = arith.constant 0 : i32
    %c0_i32_0 = arith.constant 0 : i32
    return %arg0, %c0_i32 : i32, i32
  }
  func.func @transform_7(%arg0: i32) -> (i32, i32) {
    %c0_i32 = arith.constant 0 : i32
    %c0_i32_0 = arith.constant 0 : i32
    %c0_i32_1 = arith.constant 0 : i32
    return %c0_i32, %c0_i32_0 : i32, i32
  }
  func.func @transform_8(%arg0: i32) -> (i32, i32) {
    %c0_i32 = arith.constant 0 : i32
    %c0_i32_0 = arith.constant 0 : i32
    %c0_i32_1 = arith.constant 0 : i32
    return %c0_i32, %c0_i32_0 : i32, i32
  }
  func.func @transform_9(%arg0: i32) -> (i32, i32) {
    %c0_i32 = arith.constant 0 : i32
    %c0_i32_0 = arith.constant 0 : i32
    %c0_i32_1 = arith.constant 0 : i32
    return %c0_i32, %c0_i32_0 : i32, i32
  }
  func.func @transform_10(%arg0: i32) -> (i32, i32) {
    %c0_i32 = arith.constant 0 : i32
    %c0_i32_0 = arith.constant 0 : i32
    %c0_i32_1 = arith.constant 0 : i32
    return %c0_i32, %c0_i32_0 : i32, i32
  }
  func.func @transform_11(%arg0: i32) -> (i32, i32) {
    %c0_i32 = arith.constant 0 : i32
    %c0_i32_0 = arith.constant 0 : i32
    %c0_i32_1 = arith.constant 0 : i32
    return %c0_i32, %c0_i32_0 : i32, i32
  }
  func.func @transform_12(%arg0: i32) -> (i32, i32) {
    %c0_i32 = arith.constant 0 : i32
    %c0_i32_0 = arith.constant 0 : i32
    %c0_i32_1 = arith.constant 0 : i32
    return %c0_i32, %c0_i32_0 : i32, i32
  }
  func.func @transform_13(%arg0: i32) -> (i32, i32) {
    %c0_i32 = arith.constant 0 : i32
    %c0_i32_0 = arith.constant 0 : i32
    %c0_i32_1 = arith.constant 0 : i32
    return %c0_i32, %c0_i32_0 : i32, i32
  }
  func.func @transform_14(%arg0: i32) -> (i32, i32) {
    %c0_i32 = arith.constant 0 : i32
    %c0_i32_0 = arith.constant 0 : i32
    %c0_i32_1 = arith.constant 0 : i32
    return %c0_i32, %c0_i32_0 : i32, i32
  }
  func.func @transform_15(%arg0: i32) -> (i32, i32) {
    %c0_i32 = arith.constant 0 : i32
    %c0_i32_0 = arith.constant 0 : i32
    %c0_i32_1 = arith.constant 0 : i32
    return %c0_i32, %c0_i32_0 : i32, i32
  }
  func.func @transform_16(%arg0: i32) -> (i32, i32) {
    %c0_i32 = arith.constant 0 : i32
    %c0_i32_0 = arith.constant 0 : i32
    %c0_i32_1 = arith.constant 0 : i32
    return %c0_i32, %c0_i32_0 : i32, i32
  }
  func.func @transform_17(%arg0: i32) -> (i32, i32) {
    %c0_i32 = arith.constant 0 : i32
    %c0_i32_0 = arith.constant 0 : i32
    %c0_i32_1 = arith.constant 0 : i32
    return %c0_i32, %c0_i32_0 : i32, i32
  }
  func.func @transform_18(%arg0: i32) -> (i32, i32) {
    %c0_i32 = arith.constant 0 : i32
    %c0_i32_0 = arith.constant 0 : i32
    return %arg0, %c0_i32 : i32, i32
  }
}

</mosaic_0001>

<sc_bundles>
// kernel: kernel.11.cloned.1.call-start
scs
__scs_entry_jumppad:
0x0: {  	(pc) =	sbr.rel $0x88, $3  }
0x1: {  	(tag) =	ssettag $0x0;
	lr =	simm.s32 $0x1  }
0x2: {  	[smem:$0x3F89] =	sst lr;
	_ =	strace $0xD0000000  }
0x3: {  	_ = 	snop  }
0x4: {  	_ = 	snop  }
0x5: {  	_ = 	snop  }
0x6: {  	_ = 	snop  }
0x7: {  	_ = 	snop  }
__scs_overlays_trampoline_lowered:
0x8: {  	[smem:$0x3F98] =	sst s0  }
0x9: {  	[smem:$0x3F99] =	sst s1  }
0xa: {  	[smem:$0x3F9A] =	sst s2  }
0xb: {  	[smem:$0x3F9B] =	sst s3  }
0xc: {  	[smem:$0x3F9C] =	sst s4  }
0xd: {  	[smem:$0x3F9D] =	sst s5  }
0xe: {  	[smem:$0x3F9E] =	sst s6  }
0xf: {  	[smem:$0x3F9F] =	sst s7  }
0x10: {  	[smem:$0x3FA0] =	sst s8  }
0x11: {  	[smem:$0x3FA1] =	sst s9;
	s0 =	simm.s32 @!p0 $0x0  }
0x12: {  	s1 =	sld [smem:$0x3F87];
	s0 =	simm.s32 @p0 $0x1  }
0x13: {  	[smem:$0x3FA2] =	sst s0;
	s0 =	simm.s32 @!p1 $0x0  }
0x14: {  	s2 =	sld [smem:$0x3F86];
	s0 =	simm.s32 @p1 $0x1  }
0x15: {  	[smem:$0x3FA3] =	sst s0;
	s0 =	simm.s32 @!p2 $0x0  }
0x16: {  	s3 =	sld [smem:$0x3FDB];
	s0 =	simm.s32 @p2 $0x1  }
0x17: {  	s4 =	simm.s32 $0x1BF5;
	[smem:$0x3FA5] =	sst s0  }
0x18: {  	s0 =	sld [smem:$0x3F88];
	_ =	swait.ge [sflag:s4], $0x0  }
0x19: {  	s7 =	sld [smem:$0x3F89]  }
0x1a: {  	s8 =	sadd.s32 $0xFFFFE003, lr  }
0x1b: {  	s9 =	sadd.s32 $0xFFFFFEF7, lr;
	s5 =	simm.s32 $0xFFFFFFFF;
	p2 =	slt.u32 s8, $0xFFFFF086  }
0x1c: {  	p1 =	slt.u32 s9, $0xF7A;
	s5 =	simm.s32 @!p2 $0x0  }
0x1d: {  	s5 =	simm.s32 @p1 $0x1;
	p0 =	seq.s32 s7, s2  }
0x1e: {  	s7 =	smul.u32 @!p0 $0xF7A, s2;
	p2 =	seq.s32 @!p0 s5, $0x0  }
0x1f: {  	s9 =	smul.u32 $0xF7A, s1;
	s8 =	simm.s32 @!p0 $0x1BF5;
	p2 =	por !p2, p0  }
0x20: {  	[sflag:s8] =	ssyncset.s32 @!p0 $0xFFFFF086;
	s6 =	sadd.s32 @!p0 s3, s7;
	s7 =	simm.s32 @!p0 $0x108  }
0x21: {  	s3 =	sadd.s32 s3, s9;
	s6 =	sadd.s32 @!p0 $0x88, s6;
	s7 =	simm.s32 @p2 $0x1082  }
0x22: {  	[simem:s7], [sflag:s8] =	dma.local @!p0 [hbm:s6], $0xF7A  }
0x23: {  	s9 =	sor.u32 $0xD0000000, s2;
	s6 =	simm.s32 $0x108;
	_ =	swait.ge @!p0 [sflag:s8], $0x0  }
0x24: {  	s3 =	sadd.s32 $0x88, s3;
	s6 =	simm.s32 @!p1 $0x1082;
	[sflag:s4] =	ssyncset.s32 $0xFFFFF086  }
0x25: {  	[simem:s6], [sflag:s4] =	dma.local [hbm:s3], $0xF7A  }
0x26: {  	[smem:$0x3F89] =	sst s1;
	(tag) =	ssettag s2;
	_ =	strace s9  }
0x27: {  	s1 =	sld [smem:$0x3F99]  }
0x28: {  	s2 =	sld [smem:$0x3F9A]  }
0x29: {  	s4 =	sld [smem:$0x3F9C]  }
0x2a: {  	p0 =	seq.s32 s5, $0x0;
	s5 =	sld [smem:$0x3F9D]  }
0x2b: {  	s6 =	sld [smem:$0x3F9E]  }
0x2c: {  	s7 =	sld [smem:$0x3F9F]  }
0x2d: {  	s3 =	simm.s32 $0x108;
	s8 =	sld [smem:$0x3FA0]  }
0x2e: {  	s3 =	simm.s32 @!p0 $0x1082;
	s9 =	sld [smem:$0x3FA1]  }
0x2f: {  	lr =	sadd.s32 s0, s3;
	s0 =	sld [smem:$0x3F98]  }
0x30: {  	s3 =	sld [smem:$0x3F9B]  }
0x31: {  	[smem:$0x3FA4] =	sst s10  }
0x32: {  	s10 =	sld [smem:$0x3FA2];
	_ =	sdelay $0x3  }
0x33: {  	p0 =	seq.s32 s10, $0x1;
	s10 =	sld [smem:$0x3FA4];
	_ =	sdelay $0x3  }
0x34: {  	[smem:$0x3FA4] =	sst s10  }
0x35: {  	s10 =	sld [smem:$0x3FA3];
	_ =	sdelay $0x3  }
0x36: {  	p1 =	seq.s32 s10, $0x1;
	s10 =	sld [smem:$0x3FA4];
	_ =	sdelay $0x3  }
0x37: {  	[smem:$0x3FA4] =	sst s10  }
0x38: {  	s10 =	sld [smem:$0x3FA5]  }
0x39: {  	_ = 	snop;
	(pc) =	sbr.ind lr, $3  }
0x3a: {  	_ = 	snop  }
0x3b: {  	_ = 	snop  }
0x3c: {  	p2 =	seq.s32 s10, $0x1;
	s10 =	sld [smem:$0x3FA4]  }
0x3d: {  	_ =	shalt  }
0x3e: {  	_ =	shalt  }
0x3f: {  	_ =	shalt  }
0x40: {  	_ =	shalt  }
0x41: {  	_ =	shalt  }
0x42: {  	_ =	shalt  }
0x43: {  	_ =	shalt  }
0x44: {  	_ =	shalt  }
0x45: {  	_ =	shalt  }
0x46: {  	_ =	shalt  }
0x47: {  	_ =	shalt  }
0x48: {  	_ =	shalt  }
0x49: {  	_ =	shalt  }
0x4a: {  	_ =	shalt  }
0x4b: {  	_ =	shalt  }
0x4c: {  	_ =	shalt  }
0x4d: {  	_ =	shalt  }
0x4e: {  	_ =	shalt  }
0x4f: {  	_ =	shalt  }
0x50: {  	_ =	shalt  }
0x51: {  	_ =	shalt  }
0x52: {  	_ =	shalt  }
0x53: {  	_ =	shalt  }
0x54: {  	_ =	shalt  }
0x55: {  	_ =	shalt  }
0x56: {  	_ =	shalt  }
0x57: {  	_ =	shalt  }
0x58: {  	_ =	shalt  }
0x59: {  	_ =	shalt  }
0x5a: {  	_ =	shalt  }
0x5b: {  	_ =	shalt  }
0x5c: {  	_ =	shalt  }
0x5d: {  	_ =	shalt  }
0x5e: {  	_ =	shalt  }
0x5f: {  	_ =	shalt  }
0x60: {  	_ =	shalt  }
0x61: {  	_ =	shalt  }
0x62: {  	_ =	shalt  }
0x63: {  	_ =	shalt  }
0x64: {  	_ =	shalt  }
0x65: {  	_ =	shalt  }
0x66: {  	_ =	shalt  }
0x67: {  	_ =	shalt  }
0x68: {  	_ =	shalt  }
0x69: {  	_ =	shalt  }
0x6a: {  	_ =	shalt  }
0x6b: {  	_ =	shalt  }
0x6c: {  	_ =	shalt  }
0x6d: {  	_ =	shalt  }
0x6e: {  	_ =	shalt  }
0x6f: {  	_ =	shalt  }
0x70: {  	_ =	shalt  }
0x71: {  	_ =	shalt  }
0x72: {  	_ =	shalt  }
0x73: {  	_ =	shalt  }
0x74: {  	_ =	shalt  }
0x75: {  	_ =	shalt  }
0x76: {  	_ =	shalt  }
0x77: {  	_ =	shalt  }
0x78: {  	_ =	shalt  }
0x79: {  	_ =	shalt  }
0x7a: {  	_ =	shalt  }
0x7b: {  	_ =	shalt  }
0x7c: {  	_ =	shalt  }
0x7d: {  	_ =	shalt  }
0x7e: {  	_ =	shalt  }
0x7f: {  	_ =	shalt  }
0x80: {  	_ =	shalt  }
0x81: {  	_ =	shalt  }
0x82: {  	_ =	shalt  }
0x83: {  	_ =	shalt  }
0x84: {  	_ =	shalt  }
0x85: {  	_ =	shalt  }
0x86: {  	_ =	shalt  }
0x87: {  	_ =	shalt  }
.Lfunc_end0:
.L_simem_size_0:
called_computation.1_lowered:
.L_overlay_start_0:
0x88: {  	s2 =	sld [smem:$0x3FD9]  }
0x89: {  	s3 =	sld [smem:$0x3FFE];
	_ =	sdelay $0x1  }
0x8a: {  	s1 =	srdreg.scid  }
0x8b: {  	s0 =	sand.u32 $0x1, s1  }
0x8c: {  	s17 =	sshll.u32 s0, $0xA;
	s2 =	sadd.s32 s3, s2  }
0x8d: {  	s2 =	sadd.s32 s2, s17  }
0x8e: {  	[smem:$0x3FB0] =	sst s2  }
0x8f: {  	_ = 	snop  }
0x90: {  	s18 =	sld [smem:$0x3FD0];
	(tm) =	ssettm $0x1  }
0x91: {  	s19 =	sld [smem:$0x3FFB];
	_ =	sdelay $0x3  }
0x92: {  	_ =	strace s19  }
0x93: {  	s2 =	sld [smem:$0x3FFC];
	_ =	sdelay $0x3  }
0x94: {  	_ =	strace s2  }
0x95: {  	s2 =	sld [smem:$0x3FFD];
	_ =	sdelay $0x3  }
0x96: {  	_ =	strace s2  }
0x97: {  	_ =	strace $0x8FFFFFFF  }
0x98: {  	s20 =	sld [smem:$0x3FDB];
	_ =	sdelay $0x1  }
0x99: {  	s4 =	simm.s32 $_scs_section_size  }
0x9a: {  	s5 =	simm.s32 $_size__tile_overlayer_lowered;
	s6 =	simm.s32 $_tile_overlayer_lowered  }
0x9b: {  	s7 =	simm.s32 $0x1BFF;
	s21 =	sshll.u32 s6, $0x1;
	s4 =	sadd.s32 s4, s20  }
0x9c: {  	s22 =	simm.s32 $0x0;
	s5 =	sshll.u32 s5, $0x1;
	s6 =	sadd.s32 s21, s4  }
0x9d: {  	[timem:s22], [sflag:s7] =	dma.local [hbm:s6], s5  }
0x9e: {  	_ =	swait.ge [sflag:s7], s5  }
0x9f: {  	s5 =	ssub.s32 $0x0, s5;
	[sflag:s7] =	ssyncset.done $0x0  }
0xa0: {  	[sflag:s7] =	ssyncadd.s32 s5;
	_ =	sdelay $0x1  }
0xa1: {  	s23 =	simm.s32 $0x1B8B  }
0xa2: {  	_ =	swait.ge [sflag:s23], $0x1  }
0xa3: {  	[sflag:s23] =	ssyncset.done $0x0  }
0xa4: {  	[sflag:s23] =	ssyncadd.s32 $0xFFFFFFFF  }
0xa5: {  	s5 =	sld [smem:$0x0]  }
0xa6: {  	s6 =	sand.u32 $0xFFFFFFFE, s1  }
0xa7: {  	p0 =	sne.s32 s1, s6  }
0xa8: {  	s6 =	sshll.u32 @p0 s6, $0xE  }
0xa9: {  	s6 =	sadd.s32 @p0 $0x11B8D, s6;
	s7 =	sshll.u32 @p0 s5, $0x11  }
0xaa: {  	s6 =	sor.u32 @p0 s7, s6  }
0xab: {  	[sflag:s6] =	ssyncadd.remote.s32 @p0 $0x1;
	_ =	sdelay $0x1  }
0xac: {  	s6 =	simm.s32 @p0 $0x1B8D  }
0xad: {  	_ =	swait.eq @p0 [sflag:s6], $0x1  }
0xae: {  	[sflag:s6] =	ssyncadd.s32 @p0 $0xFFFFFFFF  }
0xaf: {  	s7 =	sshll.u32 @!p0 s1, $0xE  }
0xb0: {  	s7 =	sor.u32 @!p0 $0x4000, s7;
	s6 =	simm.s32 @!p0 $0x1B8D  }
0xb1: {  	s5 =	sshll.u32 @!p0 s5, $0x11;
	s7 =	sadd.s32 @!p0 $0x11B8D, s7;
	_ =	swait.eq @!p0 [sflag:s6], $0x1  }
0xb2: {  	s5 =	sor.u32 @!p0 s5, s7;
	[sflag:s6] =	ssyncadd.s32 @!p0 $0xFFFFFFFF  }
0xb3: {  	s25 =	simm.s32 $0x1B8E;
	s24 =	sld [smem:$0x3FFE];
	[sflag:s5] =	ssyncadd.remote.s32 @!p0 $0x1  }
0xb4: {  	s26 =	simm.s32 $execute0_lowered;
	[smem:$0x3FD2] =	sst s25  }
0xb5: {  	s6 =	sshll.u32 s26, $0x1;
	_ =	strace $0x80000049;
	[dreg:$0x1] =	wrdreg $0xFFFFFFFF  }
0xb6: {  	s28 =	simm.s32 $_size_execute0_lowered;
	s4 =	sadd.s32 s4, s6;
	[dreg:$0x0] =	wrdreg $0x0  }
0xb7: {  	s6 =	sshll.u32 s28, $0x1;
	[dreg:$0x2] =	wrdreg s4  }
0xb8: {  	[dreg:$0x3] =	wrdreg s6  }
0xb9: {  	[dreg:$0x4] =	wrdreg $0xC0  }
0xba: {  	_ =	task [dreg:s22], $0x5FFFF  }
0xbb: {  	[dreg:$0x1] =	wrdreg $0xFFFFFFFF  }
0xbc: {  	[dreg:$0x0] =	wrdreg $0x60  }
0xbd: {  	[dreg:$0x2] =	wrdreg s24  }
0xbe: {  	[dreg:$0x3] =	wrdreg s18  }
0xbf: {  	[dreg:$0x4] =	wrdreg $0x7C100  }
0xc0: {  	[dreg:$0x5] =	wrdreg $0x1B8100  }
0xc1: {  	[dreg:$0x6] =	wrdreg $0x9  }
0xc2: {  	_ =	task.clear_ibuf [dreg:s22], $0x7FFFF;
	_ =	strace $0x90000049  }
0xc3: {  	s29 =	simm.s32 $0x9;
	_ =	strace $0x8000004B  }
0xc4: {  	_ =	swait.ge [sflag:s29], $0x1  }
0xc5: {  	[sflag:s29] =	ssyncadd.s32 $0xFFFFFFFF  }
0xc6: {  	_ =	strace $0x9000004B  }
0xc7: {  	_ =	sfence  }
0xc8: {  	s30 =	sld [smem:$0x0];
	_ =	sdelay $0x2  }
0xc9: {  	s31 =	sshll.u32 s1, $0xD;
	s1 =	sshrl.u32 s1, $0x2  }
0xca: {  	s4 =	sand.u32 $0x4000, s31;
	s1 =	sadd.s32 s1, s30  }
0xcb: {  	s0 =	sor.u32 s4, s0;
	s1 =	sshll.u32 s1, $0x11  }
0xcc: {  	s0 =	sor.u32 s1, s0  }
0xcd: {  	s0 =	sadd.s32 $0x8F2B, s0  }
0xce: {  	[sflag:s0] =	ssyncadd.remote.s32 $0x1  }
0xcf: {  	_ =	sfence.sel $0xFFFF  }
0xd0: {  	[dreg:$0x0] =	wrdreg $0xFFFFFFFF;
	(pc) =	sbr.abs _section_cstart, $3  }
0xd1: {  	[dreg:$0x1] =	wrdreg $0xFFFFFFFF  }
0xd2: {  	_ =	task.clear_ibuf [dreg:s22], $0x2FFFF;
	_ =	strace $0x9FFFFFFF  }
0xd3: {  	(tm) =	ssettm $0x7FFFFFFF  }
tec
execute0_lowered:
.L_overlay_start_1:
0x0: {  	(tag) =	ssettag $0x1  }
0x1: {  	s0 =	rddreg [dreg:$0x0]  }
0x2: {  	s1 =	rddreg [dreg:$0x1]  }
0x3: {  	s2 =	rddreg [dreg:$0x2]  }
0x4: {  	s3 =	rddreg [dreg:$0x3]  }
0x5: {  	s4 =	simm.s32 $0x0;
	s11 =	srdreg.scid;
	s23 =	simm.s32 $0xA0  }
0x6: {  	[smem:$0x7FF] =	sst s4;
	s5 =	sadd.s32 $0xE200, s0;
	s6 =	sadd.s32 $0x18000, s0  }
0x7: {  	s25 =	stileid.u32;
	s24 =	sadd.s32 $0x293400, s0;
	s8 =	sadd.s32 $0x292E00, s0  }
0x8: {  	s28 =	simm.s32 $0x0;
	s9 =	sadd.s32 $0x293A00, s0;
	s10 =	sadd.s32 $0x296200, s0  }
0x9: {  	s11 =	sand.u32 $0x1, s11;
	s15 =	sadd.s32 $0x2A0800, s0;
	s16 =	sadd.s32 $0x296800, s0  }
0xa: {  	s14 =	sadd.s32 $0x2C8000, s0;
	s0 =	sadd.s32 $0x29B800, s0;
	s18 =	smul.u32 $0x13C00, s25  }
0xb: {  	s26 =	sshll.u32 s25, $0x1;
	s29 =	sshll.u32 s25, $0x6;
	s19 =	smul.u32 $0x2780, s25  }
0xc: {  	s25 =	simm.s32 $0x1;
	_ =	strace $0x8000004A;
	[dreg:$0x5] =	wrdreg s24  }
0xd: {  	s12 =	ssub.s32 $0x2, s11;
	s20 =	sor.u32 s11, s26;
	p0 =	seq.s32 s11, $0x1  }
0xe: {  	s24 =	simm.s32 $0x28A0;
	s26 =	simm.s32 $0x2DA0;
	s13 =	sshrl.u32 s12, $0x1  }
0xf: {  	s21 =	sadd.s32 s18, s2;
	s22 =	sadd.s32 s19, s3;
	s30 =	sshrl.u32 s18, $0x3  }
0x10: {  	v0 =	vlaneseq.u32;
	s31 =	sshrl.u32 s19, $0x3;
	s15 =	smov.u32 @p0 s14;
	s16 =	smov.u32 @p0 s0  }
0x11: {  	v0 =	vmul.u32 $0x10, v0;
	s18 =	simm.s32 $0x2;
	s17 =	ssub.s32 s12, s13;
	s12 =	sor.u32 $0x1C02, s29  }
0x12: {  	s13 =	smul.u32 $0x2710, s20;
	s15 =	sadd.s32 s15, s30;
	s16 =	sadd.s32 s16, s31  }
0x13: {  	v1 =	vimm.f32 $0.0e+00;
	v2 =	vor.u32 $0x100, v0;
	s19 =	sshrl.u32 s22, $0x3;
	s20 =	simm.s32 $0x2DF0;
	s22 =	simm.s32 $0x50  }
0x14: {  	v3 =	vor.u32 $0x200, v0;
	v4 =	vor.u32 $0x300, v0;
	v5 =	vor.u32 $0x400, v0;
	s14 =	smax.u32 s17, $0x1;
	s17 =	sshrl.u32 s21, $0x3;
	s21 =	simm.s32 $0x5500  }
.LBB2_1:
0x15: {  	[spmem:s17], [sflag:s12] =	dma.local [hbm:s9], $0x2780  }
0x16: {  	_ =	swait.ge [sflag:s18], $0x2780  }
0x17: {  	[sflag:s18] =	ssyncset.done $0x0  }
0x18: {  	[sflag:s18] =	ssyncadd.s32 $0xFFFFD880  }
0x19: {  	[spmem:s19], [sflag:s12] =	dma.local [hbm:s10], $0x4F0  }
0x1a: {  	_ =	swait.ge [sflag:s18], $0x4F0  }
0x1b: {  	[sflag:s18] =	ssyncset.done $0x0  }
0x1c: {  	s0 =	simm.s32 $0x0;
	s4 =	rddreg [dreg:$0x5];
	[sflag:s18] =	ssyncadd.s32 $0xFFFFFB10  }
0x1d: {  	[tilespmem:s20], [sflag:$0x2] =	stream.linear.gather [hbm4b:s4+s0], $0x2710, $0x38;
	[tilespmem:$0x1DF90] =	vst v63  }
0x1e: {  	_ =	swait.ge [sflag:s18], $0x2710  }
0x1f: {  	[sflag:s18] =	ssyncset.done $0x0  }
0x20: {  	[sflag:s18] =	ssyncadd.s32 $0xFFFFD8F0  }
0x21: {  	[tilespmem:s21], [sflag:$0x2] =	stream.linear.gather [hbm4b:s8+s0], $0x2710, $0x38;
	[tilespmem:$0x1DF90] =	vst v63  }
0x22: {  	_ =	swait.ge [sflag:s18], $0x2710  }
0x23: {  	[sflag:s18] =	ssyncset.done $0x0  }
0x24: {  	[sflag:s18] =	ssyncadd.s32 $0xFFFFD8F0  }
0x25: {  	[tilespmem:$0x28A0] =	vst v1  }
0x26: {  	[tilespmem:$0x28B0] =	vst v1  }
0x27: {  	[tilespmem:$0x28C0] =	vst v1  }
0x28: {  	[tilespmem:$0x28D0] =	vst v1  }
0x29: {  	[tilespmem:$0x28E0] =	vst v1  }
0x2a: {  	[tilespmem:$0x28F0] =	vst v1  }
0x2b: {  	[tilespmem:$0x2900] =	vst v1  }
0x2c: {  	[tilespmem:$0x2910] =	vst v1  }
0x2d: {  	[tilespmem:$0x2920] =	vst v1  }
0x2e: {  	[tilespmem:$0x2930] =	vst v1  }
0x2f: {  	[tilespmem:$0x2940] =	vst v1  }
0x30: {  	[tilespmem:$0x2950] =	vst v1  }
0x31: {  	[tilespmem:$0x2960] =	vst v1  }
0x32: {  	[tilespmem:$0x2970] =	vst v1  }
0x33: {  	[tilespmem:$0x2980] =	vst v1  }
0x34: {  	[tilespmem:$0x2990] =	vst v1  }
0x35: {  	[tilespmem:$0x29A0] =	vst v1  }
0x36: {  	[tilespmem:$0x29B0] =	vst v1  }
0x37: {  	[tilespmem:$0x29C0] =	vst v1  }
0x38: {  	[tilespmem:$0x29D0] =	vst v1  }
0x39: {  	[tilespmem:$0x29E0] =	vst v1  }
0x3a: {  	[tilespmem:$0x29F0] =	vst v1  }
0x3b: {  	[tilespmem:$0x2A00] =	vst v1  }
0x3c: {  	[tilespmem:$0x2A10] =	vst v1  }
0x3d: {  	[tilespmem:$0x2A20] =	vst v1  }
0x3e: {  	[tilespmem:$0x2A30] =	vst v1  }
0x3f: {  	[tilespmem:$0x2A40] =	vst v1  }
0x40: {  	[tilespmem:$0x2A50] =	vst v1  }
0x41: {  	[tilespmem:$0x2A60] =	vst v1  }
0x42: {  	[tilespmem:$0x2A70] =	vst v1  }
0x43: {  	[tilespmem:$0x2A80] =	vst v1  }
0x44: {  	[tilespmem:$0x2A90] =	vst v1  }
0x45: {  	[tilespmem:$0x2AA0] =	vst v1  }
0x46: {  	[tilespmem:$0x2AB0] =	vst v1  }
0x47: {  	[tilespmem:$0x2AC0] =	vst v1  }
0x48: {  	[tilespmem:$0x2AD0] =	vst v1  }
0x49: {  	[tilespmem:$0x2AE0] =	vst v1  }
0x4a: {  	[tilespmem:$0x2AF0] =	vst v1  }
0x4b: {  	[tilespmem:$0x2B00] =	vst v1  }
0x4c: {  	[tilespmem:$0x2B10] =	vst v1  }
0x4d: {  	[tilespmem:$0x2B20] =	vst v1  }
0x4e: {  	[tilespmem:$0x2B30] =	vst v1  }
0x4f: {  	[tilespmem:$0x2B40] =	vst v1  }
0x50: {  	[tilespmem:$0x2B50] =	vst v1  }
0x51: {  	[tilespmem:$0x2B60] =	vst v1  }
0x52: {  	[tilespmem:$0x2B70] =	vst v1  }
0x53: {  	[tilespmem:$0x2B80] =	vst v1  }
0x54: {  	[tilespmem:$0x2B90] =	vst v1  }
0x55: {  	[tilespmem:$0x2BA0] =	vst v1  }
0x56: {  	[tilespmem:$0x2BB0] =	vst v1  }
0x57: {  	[tilespmem:$0x2BC0] =	vst v1  }
0x58: {  	[tilespmem:$0x2BD0] =	vst v1  }
0x59: {  	[tilespmem:$0x2BE0] =	vst v1  }
0x5a: {  	[tilespmem:$0x2BF0] =	vst v1  }
0x5b: {  	[tilespmem:$0x2C00] =	vst v1  }
0x5c: {  	[tilespmem:$0x2C10] =	vst v1  }
0x5d: {  	[tilespmem:$0x2C20] =	vst v1  }
0x5e: {  	[tilespmem:$0x2C30] =	vst v1  }
0x5f: {  	[tilespmem:$0x2C40] =	vst v1  }
0x60: {  	[tilespmem:$0x2C50] =	vst v1  }
0x61: {  	[tilespmem:$0x2C60] =	vst v1  }
0x62: {  	[tilespmem:$0x2C70] =	vst v1  }
0x63: {  	[tilespmem:$0x2C80] =	vst v1  }
0x64: {  	[tilespmem:$0x2C90] =	vst v1  }
0x65: {  	[tilespmem:$0x2CA0] =	vst v1  }
0x66: {  	[tilespmem:$0x2CB0] =	vst v1  }
0x67: {  	[tilespmem:$0x2CC0] =	vst v1  }
0x68: {  	[tilespmem:$0x2CD0] =	vst v1  }
0x69: {  	[tilespmem:$0x2CE0] =	vst v1  }
0x6a: {  	[tilespmem:$0x2CF0] =	vst v1  }
0x6b: {  	[tilespmem:$0x2D00] =	vst v1  }
0x6c: {  	[tilespmem:$0x2D10] =	vst v1  }
0x6d: {  	[tilespmem:$0x2D20] =	vst v1  }
0x6e: {  	[tilespmem:$0x2D30] =	vst v1  }
0x6f: {  	[tilespmem:$0x2D40] =	vst v1  }
0x70: {  	[tilespmem:$0x2D50] =	vst v1  }
0x71: {  	[tilespmem:$0x2D60] =	vst v1  }
0x72: {  	[tilespmem:$0x2D70] =	vst v1  }
0x73: {  	[tilespmem:$0x2D80] =	vst v1  }
0x74: {  	[tilespmem:$0x2D90] =	vst v1  }
0x75: {  	s29 =	simm.s32 $0x0;
	[bflag:$0x0] =	sbarrier.arrive $0xFFFF  }
.LBB2_2:
0x76: {  	s0 =	smul.u32 $0x50, s29;
	_ =	sdelay $0x1  }
0x77: {  	s0 =	sadd.s32 s13, s0  }
0x78: {  	s0 =	sshrl.u32 s0, $0x3  }
0x79: {  	s30 =	simm.s32 $0x0;
	s11 =	sadd.s32 s5, s0  }
0x7a: {  	[tilespmem:s30], [sflag:$0x2] =	stream.linear.gather [hbm4b:s11+s30], $0x50, $0x38;
	[tilespmem:$0x1DF90] =	vst v63  }
0x7b: {  	_ =	swait.ge [sflag:s18], $0x50  }
0x7c: {  	[sflag:s18] =	ssyncset.done $0x0  }
0x7d: {  	s0 =	sadd.s32 s6, s0;
	[sflag:s18] =	ssyncadd.s32 $0xFFFFFFB0  }
0x7e: {  	[tilespmem:s22], [sflag:$0x2] =	stream.linear.gather [hbm4b:s0+s30], $0x50, $0x38;
	[tilespmem:$0x1DF90] =	vst v63  }
0x7f: {  	_ =	swait.ge [sflag:s18], $0x50  }
0x80: {  	[sflag:s18] =	ssyncset.done $0x0  }
0x81: {  	[sflag:s18] =	ssyncadd.s32 $0xFFFFFFB0  }
0x82: {  	[tilespmem:s23], [sflag:$0x1] =	stream.indirect.gather [hbm4b:s1+s22], $0x80, s30, s22, $0xb8;
	[tilespmem:$0x1DF90] =	vst v63  }
0x83: {  	v6 =	vld [tilespmem:$0x50]  }
0x84: {  	v7 =	vld [tilespmem:$0x0];
	_ =	sdelay $0x6  }
0x85: {  	v6 =	vld.idx.msk [tilespmem:v6+s20+$0x0], $0xffff  }
0x86: {  	v7 =	vld.idx.msk [tilespmem:v7+s21+$0x0], $0xffff;
	_ =	sdelay $0x4  }
0x87: {  	v6 =	vadd.f32 v7, v6;
	_ =	sdelay $0x1  }
0x88: {  	v6 =	vmax.f32 v6, $0.0e+00  }
0x89: {  	v6 =	vmul.f32 $1.442695020e+00, v6;
	_ =	sdelay $0x1  }
0x8a: {  	(erf) = vpow2.f32 v6;
	_ =	sdelay $0x8  }
0x8b: {  	v6 =	vpop (erf)  }
0x8c: {  	[tilespmem:$0x2DA0] =	vst v6  }
0x8d: {  	[tilespmem:v0+s24+$0x0] =	vst.idx.msk $0xffff, v6  }
0x8e: {  	v6 =	vld [tilespmem:$0x60]  }
0x8f: {  	v7 =	vld [tilespmem:$0x10];
	_ =	sdelay $0x6  }
0x90: {  	v6 =	vld.idx.msk [tilespmem:v6+s20+$0x0], $0xffff  }
0x91: {  	v7 =	vld.idx.msk [tilespmem:v7+s21+$0x0], $0xffff;
	_ =	sdelay $0x4  }
0x92: {  	v6 =	vadd.f32 v7, v6;
	_ =	sdelay $0x1  }
0x93: {  	v6 =	vmax.f32 v6, $0.0e+00  }
0x94: {  	v6 =	vmul.f32 $1.442695020e+00, v6;
	_ =	sdelay $0x1  }
0x95: {  	(erf) = vpow2.f32 v6;
	_ =	sdelay $0x8  }
0x96: {  	v6 =	vpop (erf)  }
0x97: {  	[tilespmem:$0x2DB0] =	vst v6  }
0x98: {  	[tilespmem:v2+s24+$0x0] =	vst.idx.msk $0xffff, v6  }
0x99: {  	v6 =	vld [tilespmem:$0x70]  }
0x9a: {  	v7 =	vld [tilespmem:$0x20];
	_ =	sdelay $0x6  }
0x9b: {  	v6 =	vld.idx.msk [tilespmem:v6+s20+$0x0], $0xffff  }
0x9c: {  	v7 =	vld.idx.msk [tilespmem:v7+s21+$0x0], $0xffff;
	_ =	sdelay $0x4  }
0x9d: {  	v6 =	vadd.f32 v7, v6;
	_ =	sdelay $0x1  }
0x9e: {  	v6 =	vmax.f32 v6, $0.0e+00  }
0x9f: {  	v6 =	vmul.f32 $1.442695020e+00, v6;
	_ =	sdelay $0x1  }
0xa0: {  	(erf) = vpow2.f32 v6;
	_ =	sdelay $0x8  }
0xa1: {  	v6 =	vpop (erf)  }
0xa2: {  	[tilespmem:$0x2DC0] =	vst v6  }
0xa3: {  	[tilespmem:v3+s24+$0x0] =	vst.idx.msk $0xffff, v6  }
0xa4: {  	v6 =	vld [tilespmem:$0x80]  }
0xa5: {  	v7 =	vld [tilespmem:$0x30];
	_ =	sdelay $0x6  }
0xa6: {  	v6 =	vld.idx.msk [tilespmem:v6+s20+$0x0], $0xffff  }
0xa7: {  	v7 =	vld.idx.msk [tilespmem:v7+s21+$0x0], $0xffff;
	_ =	sdelay $0x4  }
0xa8: {  	v6 =	vadd.f32 v7, v6;
	_ =	sdelay $0x1  }
0xa9: {  	v6 =	vmax.f32 v6, $0.0e+00  }
0xaa: {  	v6 =	vmul.f32 $1.442695020e+00, v6;
	_ =	sdelay $0x1  }
0xab: {  	(erf) = vpow2.f32 v6;
	_ =	sdelay $0x8  }
0xac: {  	v6 =	vpop (erf)  }
0xad: {  	[tilespmem:$0x2DD0] =	vst v6  }
0xae: {  	[tilespmem:v4+s24+$0x0] =	vst.idx.msk $0xffff, v6  }
0xaf: {  	v6 =	vld [tilespmem:$0x90]  }
0xb0: {  	v7 =	vld [tilespmem:$0x40];
	_ =	sdelay $0x6  }
0xb1: {  	v6 =	vld.idx.msk [tilespmem:v6+s20+$0x0], $0xffff  }
0xb2: {  	v7 =	vld.idx.msk [tilespmem:v7+s21+$0x0], $0xffff;
	_ =	sdelay $0x4  }
0xb3: {  	v6 =	vadd.f32 v7, v6;
	_ =	sdelay $0x1  }
0xb4: {  	v6 =	vmax.f32 v6, $0.0e+00  }
0xb5: {  	v6 =	vmul.f32 $1.442695020e+00, v6;
	_ =	sdelay $0x1  }
0xb6: {  	(erf) = vpow2.f32 v6;
	_ =	sdelay $0x7  }
0xb7: {  	v6 =	vmov s30  }
0xb8: {  	v6 =	vand.u32 $0xFFFFFFFC, v6;
	v7 =	vpop (erf)  }
0xb9: {  	v6 =	vbroadcast v6, $0x0;
	[tilespmem:$0x2DE0] =	vst v7  }
0xba: {  	[tilespmem:v5+s24+$0x0] =	vst.idx.msk $0xffff, v7  }
0xbb: {  	_ =	swait.ge [sflag:s25], $0x2800  }
0xbc: {  	[sflag:s25] =	ssyncset.done $0x0  }
0xbd: {  	s31 =	simm.s32 $0x1A0;
	[sflag:s25] =	ssyncadd.s32 $0xFFFFD800  }
0xbe: {  	v7 =	vld [tilespmem:s31+$0xFFFFFF70]  }
0xbf: {  	v6 =	vld.idx.msk [tilespmem:v6+s26+$0x0], $0xffff  }
0xc0: {  	v8 =	vld [tilespmem:s31+$0xFFFFFF00]  }
0xc1: {  	v9 =	vld [tilespmem:s31+$0xFFFFFF20]  }
0xc2: {  	v10 =	vld [tilespmem:s31+$0xFFFFFF50]  }
0xc3: {  	v11 =	vld [tilespmem:s31+$0xFFFFFF40]  }
0xc4: {  	v12 =	vld [tilespmem:s31+$0xFFFFFF60];
	v7 =	vmul.f32 v7, v6  }
0xc5: {  	s7 =	simm.s32 $0x1;
	v13 =	vld [tilespmem:s31+$0xFFFFFF30];
	v8 =	vmul.f32 v8, v6  }
0xc6: {  	v14 =	vld [tilespmem:s31+$0xFFFFFF10];
	v9 =	vmul.f32 v9, v6;
	[tilespmem:s31+$0xFFFFFF70] =	vst v7;
	v7 =	vmov s7  }
0xc7: {  	v10 =	vmul.f32 v10, v6;
	[tilespmem:s31+$0xFFFFFF00] =	vst v8;
	v7 =	vand.u32 $0xFFFFFFFD, v7  }
0xc8: {  	v8 =	vmul.f32 v11, v6;
	[tilespmem:s31+$0xFFFFFF20] =	vst v9;
	v7 =	vbroadcast v7, $0x0  }
0xc9: {  	v9 =	vmul.f32 v12, v6;
	[tilespmem:s31+$0xFFFFFF50] =	vst v10  }
0xca: {  	v10 =	vmul.f32 v13, v6;
	[tilespmem:s31+$0xFFFFFF40] =	vst v8  }
0xcb: {  	v6 =	vmul.f32 v14, v6;
	[tilespmem:s31+$0xFFFFFF60] =	vst v9  }
0xcc: {  	[tilespmem:s31+$0xFFFFFF30] =	vst v10  }
0xcd: {  	[tilespmem:s31+$0xFFFFFF10] =	vst v6;
	v6 =	vld [tilespmem:s31+$0xFFFFFF90]  }
0xce: {  	v8 =	vld.idx.msk [tilespmem:v7+s26+$0x0], $0xffff  }
0xcf: {  	v7 =	vld [tilespmem:s31+$0xFFFFFFA0]  }
0xd0: {  	v9 =	vld [tilespmem:s31+$0xFFFFFF80]  }
0xd1: {  	v10 =	vld [tilespmem:s31+$0xFFFFFFB0]  }
0xd2: {  	v11 =	vld [tilespmem:s31+$0xFFFFFFC0]  }
0xd3: {  	v12 =	vld [tilespmem:s31+$0xFFFFFFD0];
	v6 =	vmul.f32 v6, v8  }
0xd4: {  	s11 =	simm.s32 $0x2;
	v13 =	vld [tilespmem:s31+$0xFFFFFFF0];
	v7 =	vmul.f32 v7, v8  }
0xd5: {  	v14 =	vld [tilespmem:s31+$0xFFFFFFE0];
	v9 =	vmul.f32 v9, v8;
	[tilespmem:s31+$0xFFFFFF90] =	vst v6;
	v6 =	vmov s11  }
0xd6: {  	v10 =	vmul.f32 v10, v8;
	[tilespmem:s31+$0xFFFFFFA0] =	vst v7;
	v6 =	vand.u32 $0xFFFFFFFE, v6  }
0xd7: {  	v7 =	vmul.f32 v11, v8;
	[tilespmem:s31+$0xFFFFFF80] =	vst v9;
	v11 =	vld [tilespmem:s31+$0x60];
	v15 =	vbroadcast v6, $0x0  }
0xd8: {  	v9 =	vmul.f32 v12, v8;
	[tilespmem:s31+$0xFFFFFFB0] =	vst v10;
	v12 =	vld [tilespmem:s31+$0x0]  }
0xd9: {  	v10 =	vmul.f32 v13, v8;
	v6 =	vld [tilespmem:s31+$0x20];
	[tilespmem:s31+$0xFFFFFFC0] =	vst v7  }
0xda: {  	v8 =	vmul.f32 v14, v8;
	v7 =	vld [tilespmem:s31+$0x30];
	[tilespmem:s31+$0xFFFFFFD0] =	vst v9  }
0xdb: {  	[tilespmem:s31+$0xFFFFFFF0] =	vst v10;
	v9 =	vld [tilespmem:s31+$0x40]  }
0xdc: {  	[tilespmem:s31+$0xFFFFFFE0] =	vst v8;
	v10 =	vld [tilespmem:s31+$0x10]  }
0xdd: {  	s0 =	simm.s32 $0x4;
	s11 =	simm.s32 $0x1A0;
	v8 =	vld.idx.msk [tilespmem:v15+s26+$0x0], $0xffff  }
.LBB2_3:
0xde: {  	p0 =	slt.u32 s0, $0x4C  }
0xdf: {  	v13 =	vld [tilespmem:s31+$0x50];
	s11 =	sadd.s32 $0x200, s11;
	s4 =	smov.u32 s0;
	s0 =	sadd.s32 $0x4, s0  }
0xe0: {  	v14 =	vld [tilespmem:s31+$0x70];
	_ =	sdelay $0x1  }
0xe1: {  	v11 =	vmul.f32 v11, v8;
	v12 =	vmul.f32 v12, v8  }
0xe2: {  	v9 =	vmul.f32 v9, v8;
	v10 =	vmul.f32 v10, v8  }
0xe3: {  	v6 =	vmul.f32 v6, v8;
	v7 =	vmul.f32 v7, v8;
	[tilespmem:s31+$0x60] =	vst v11  }
0xe4: {  	[tilespmem:s31+$0x40] =	vst v9;
	v9 =	vmul.f32 v13, v8;
	v8 =	vmul.f32 v14, v8  }
0xe5: {  	s7 =	sadd.s32 $0x3, s30;
	s30 =	smov.u32 s4;
	[tilespmem:s31+$0x20] =	vst v6;
	v11 =	vld [tilespmem:s31+$0x80]  }
0xe6: {  	v6 =	vld [tilespmem:s11+$0x20];
	[tilespmem:s31+$0x0] =	vst v12;
	v12 =	vmov s7  }
0xe7: {  	[tilespmem:s31+$0x50] =	vst v9;
	v9 =	vld [tilespmem:s31+$0xE0]  }
0xe8: {  	[tilespmem:s31+$0x30] =	vst v7;
	v13 =	vld [tilespmem:s31+$0xC0]  }
0xe9: {  	v7 =	vld [tilespmem:s11+$0x30];
	[tilespmem:s31+$0x10] =	vst v10  }
0xea: {  	[tilespmem:s31+$0x70] =	vst v8;
	v8 =	vld [tilespmem:s31+$0xA0]  }
0xeb: {  	v10 =	vld.idx.msk [tilespmem:v12+s26+$0x0], $0xffff  }
0xec: {  	v12 =	vld [tilespmem:s31+$0x90]  }
0xed: {  	v14 =	vld [tilespmem:s31+$0xB0]  }
0xee: {  	v15 =	vld [tilespmem:s31+$0xD0]  }
0xef: {  	v16 =	vld [tilespmem:s31+$0xF0];
	_ =	sdelay $0x1  }
0xf0: {  	v11 =	vmul.f32 v11, v10;
	v12 =	vmul.f32 v12, v10  }
0xf1: {  	v8 =	vmul.f32 v8, v10;
	v14 =	vmul.f32 v14, v10  }
0xf2: {  	v17 =	vmov s30;
	[tilespmem:s31+$0x80] =	vst v11;
	v11 =	vmul.f32 v13, v10;
	v13 =	vmul.f32 v15, v10  }
0xf3: {  	v15 =	vand.u32 $0xFFFFFFFC, v17;
	[tilespmem:s31+$0xA0] =	vst v8;
	v8 =	vmul.f32 v9, v10;
	v9 =	vmul.f32 v16, v10  }
0xf4: {  	v10 =	vbroadcast v15, $0x0;
	[tilespmem:s31+$0xC0] =	vst v11  }
0xf5: {  	[tilespmem:s31+$0xF0] =	vst v9  }
0xf6: {  	v9 =	vld [tilespmem:s11+$0xFFFFFF40];
	[tilespmem:s31+$0xE0] =	vst v8  }
0xf7: {  	v8 =	vld [tilespmem:s11+$0xFFFFFF50];
	[tilespmem:s31+$0x90] =	vst v12  }
0xf8: {  	v11 =	vld [tilespmem:s11+$0xFFFFFF60];
	[tilespmem:s31+$0xB0] =	vst v14  }
0xf9: {  	v12 =	vld [tilespmem:s11+$0xFFFFFF70];
	[tilespmem:s31+$0xD0] =	vst v13;
	s31 =	smov.u32 s11  }
0xfa: {  	v10 =	vld.idx.msk [tilespmem:v10+s26+$0x0], $0xffff  }
0xfb: {  	v13 =	vld [tilespmem:s11+$0xFFFFFF00]  }
0xfc: {  	v14 =	vld [tilespmem:s11+$0xFFFFFF20]  }
0xfd: {  	v15 =	vld [tilespmem:s11+$0xFFFFFF10]  }
0xfe: {  	v16 =	vld [tilespmem:s11+$0xFFFFFF30];
	_ =	sdelay $0x1  }
0xff: {  	v12 =	vmul.f32 v12, v10;
	v13 =	vmul.f32 v13, v10  }
0x100: {  	s4 =	sadd.s32 $0x1, s30;
	v11 =	vmul.f32 v11, v10;
	v14 =	vmul.f32 v14, v10  }
0x101: {  	v8 =	vmul.f32 v8, v10;
	v15 =	vmul.f32 v15, v10;
	[tilespmem:s11+$0xFFFFFF70] =	vst v12;
	v12 =	vmov s4  }
0x102: {  	v9 =	vmul.f32 v9, v10;
	[tilespmem:s11+$0xFFFFFF00] =	vst v13;
	v13 =	vmul.f32 v16, v10;
	v10 =	vand.u32 $0xFFFFFFFD, v12  }
0x103: {  	[tilespmem:s11+$0xFFFFFF20] =	vst v14;
	v10 =	vbroadcast v10, $0x0  }
0x104: {  	[tilespmem:s11+$0xFFFFFF50] =	vst v8  }
0x105: {  	[tilespmem:s11+$0xFFFFFF40] =	vst v9;
	v8 =	vld [tilespmem:s11+$0xFFFFFFF0]  }
0x106: {  	[tilespmem:s11+$0xFFFFFF60] =	vst v11;
	v9 =	vld [tilespmem:s11+$0xFFFFFFC0]  }
0x107: {  	[tilespmem:s11+$0xFFFFFF30] =	vst v13;
	v11 =	vld [tilespmem:s11+$0xFFFFFFD0]  }
0x108: {  	[tilespmem:s11+$0xFFFFFF10] =	vst v15;
	v12 =	vld [tilespmem:s11+$0xFFFFFF90]  }
0x109: {  	v10 =	vld.idx.msk [tilespmem:v10+s26+$0x0], $0xffff  }
0x10a: {  	v13 =	vld [tilespmem:s11+$0xFFFFFF80]  }
0x10b: {  	v14 =	vld [tilespmem:s11+$0xFFFFFFA0]  }
0x10c: {  	v15 =	vld [tilespmem:s11+$0xFFFFFFB0]  }
0x10d: {  	v16 =	vld [tilespmem:s11+$0xFFFFFFE0];
	_ =	sdelay $0x1  }
0x10e: {  	v12 =	vmul.f32 v12, v10;
	v13 =	vmul.f32 v13, v10  }
0x10f: {  	s4 =	sadd.s32 $0x2, s30;
	v11 =	vmul.f32 v11, v10;
	v14 =	vmul.f32 v14, v10  }
0x110: {  	v9 =	vmul.f32 v9, v10;
	[tilespmem:s11+$0xFFFFFF90] =	vst v12;
	v12 =	vmul.f32 v15, v10;
	v15 =	vmov s4  }
0x111: {  	v8 =	vmul.f32 v8, v10;
	[tilespmem:s11+$0xFFFFFFA0] =	vst v14;
	v14 =	vmul.f32 v16, v10;
	v10 =	vand.u32 $0xFFFFFFFE, v15  }
0x112: {  	[tilespmem:s11+$0xFFFFFF80] =	vst v13;
	v10 =	vbroadcast v10, $0x0  }
0x113: {  	[tilespmem:s11+$0xFFFFFFB0] =	vst v12  }
0x114: {  	[tilespmem:s11+$0xFFFFFFC0] =	vst v9  }
0x115: {  	[tilespmem:s11+$0xFFFFFFD0] =	vst v11  }
.Ltmp0:
0x116: {  	[tilespmem:s11+$0xFFFFFFF0] =	vst v8;
	v9 =	vld [tilespmem:s11+$0x40];
	(pc) =	sbr.rel @p0 .LBB2_3-.Ltmp0, $4  }
0x117: {  	[tilespmem:s11+$0xFFFFFFE0] =	vst v14;
	v11 =	vld [tilespmem:s11+$0x60]  }
0x118: {  	v8 =	vld.idx.msk [tilespmem:v10+s26+$0x0], $0xffff  }
0x119: {  	v12 =	vld [tilespmem:s11+$0x0]  }
0x11a: {  	v10 =	vld [tilespmem:s11+$0x10]  }
0x11b: {  	_ =	sdelay $0x1  }
0x11c: {  	v11 =	vmul.f32 v11, v8  }
0x11d: {  	v13 =	vld [tilespmem:s31+$0x50];
	v9 =	vmul.f32 v9, v8  }
0x11e: {  	v14 =	vld [tilespmem:s31+$0x70];
	v6 =	vmul.f32 v6, v8;
	[tilespmem:s31+$0x60] =	vst v11  }
0x11f: {  	v50 =	vmul.f32 v12, v8;
	[tilespmem:s31+$0x40] =	vst v9  }
0x120: {  	s0 =	sadd.s32 $0x3, s30;
	[tilespmem:s31+$0x20] =	vst v6;
	v6 =	vmul.f32 v7, v8  }
0x121: {  	v52 =	vmov s0;
	v10 =	vmul.f32 v10, v8;
	[tilespmem:s31+$0x0] =	vst v50  }
0x122: {  	v51 =	vmul.f32 v13, v8;
	[tilespmem:s31+$0x30] =	vst v6  }
0x123: {  	v53 =	vmul.f32 v14, v8;
	[tilespmem:s31+$0x10] =	vst v10  }
0x124: {  	[tilespmem:s31+$0x50] =	vst v51  }
0x125: {  	v7 =	vld [tilespmem:s31+$0x80];
	[tilespmem:s31+$0x70] =	vst v53  }
0x126: {  	v6 =	vld.idx.msk [tilespmem:v52+s26+$0x0], $0xffff  }
0x127: {  	v54 =	vld [tilespmem:s31+$0xA0]  }
0x128: {  	v56 =	vld [tilespmem:s31+$0xF0]  }
0x129: {  	v57 =	vld [tilespmem:s31+$0xE0]  }
0x12a: {  	v55 =	vld [tilespmem:s31+$0xC0]  }
0x12b: {  	v59 =	vld [tilespmem:s31+$0xB0];
	v7 =	vmul.f32 v7, v6  }
0x12c: {  	v58 =	vld [tilespmem:s31+$0x90];
	v8 =	vmul.f32 v54, v6  }
0x12d: {  	v60 =	vld [tilespmem:s31+$0xD0];
	v61 =	vmul.f32 v56, v6;
	[tilespmem:s31+$0x80] =	vst v7  }
0x12e: {  	v62 =	vmul.f32 v57, v6;
	[tilespmem:s31+$0xA0] =	vst v8  }
0x12f: {  	v7 =	vmul.f32 v55, v6;
	[tilespmem:s31+$0xF0] =	vst v61  }
0x130: {  	v63 =	vmul.f32 v59, v6;
	[tilespmem:s31+$0xE0] =	vst v62  }
0x131: {  	[tilespmem:s31+$0xC0] =	vst v7;
	v7 =	vmul.f32 v58, v6  }
0x132: {  	[tilespmem:s31+$0xB0] =	vst v63;
	v6 =	vmul.f32 v60, v6  }
0x133: {  	[tilespmem:s31+$0x90] =	vst v7  }
0x134: {  	[tilespmem:s31+$0xD0] =	vst v6  }
0x135: {  	[spmem:s3] =	stream.indirect.scatter.add.f32 [tilespmem:s24], [sflag:$0x2], $0x10, s22, s22, $0xb8;
	[tilespmem:$0x1DF90] =	vst v63  }
0x136: {  	s29 =	sadd.s32 $0x1, s29;
	_ =	swait.ge [sflag:s18], $0x500  }
0x137: {  	p0 =	sne.s32 s29, $0x7D;
	[sflag:s18] =	ssyncset.done $0x0  }
.Ltmp1:
0x138: {  	[sflag:s18] =	ssyncadd.s32 $0xFFFFFB00;
	(pc) =	sbr.rel @p0 .LBB2_2-.Ltmp1, $4  }
0x139: {  	[spmem:s2] =	stream.indirect.scatter.add.f32 [tilespmem:s23], [sflag:$0x2], $0x80, s22, s22, $0xb8;
	[tilespmem:$0x1DF90] =	vst v63  }
0x13a: {  	_ =	swait.ge [sflag:s18], $0x2800  }
0x13b: {  	[sflag:s18] =	ssyncset.done $0x0  }
0x13c: {  	[sflag:s18] =	ssyncadd.s32 $0xFFFFD800  }
0x13d: {  	[bflag:$0x0] =	sbarrier.arrive $0xFFFF  }
0x13e: {  	[hbm:s15], [sflag:s12] =	dma.local [spmem:s17], $0x2780  }
0x13f: {  	s28 =	sadd.s32 $0x1, s28;
	_ =	swait.ge [sflag:s18], $0x2780  }
0x140: {  	p0 =	sne.s32 s28, s14;
	[sflag:s18] =	ssyncset.done $0x0  }
.Ltmp2:
0x141: {  	[sflag:s18] =	ssyncadd.s32 $0xFFFFD880;
	(pc) =	sbr.rel @p0 .LBB2_1-.Ltmp2, $4  }
0x142: {  	[hbm:s16], [sflag:s12] =	dma.local [spmem:s19], $0x4F0  }
0x143: {  	_ =	swait.ge [sflag:s18], $0x4F0  }
0x144: {  	[sflag:s18] =	ssyncset.done $0x0  }
0x145: {  	[sflag:s18] =	ssyncadd.s32 $0xFFFFFB10  }
0x146: {  	_ =	sfence.sel $0x180000  }
0x147: {  	[bflag:$0x0] =	sbarrier.arrive $0xFFFF  }
0x148: {  	_ =	strace $0x9000004A  }
0x149: {  	s0 =	stileid.u32;
	[bflag:$0x2] =	sbarrier.arrive $0xFFFF  }
0x14a: {  	p0 =	sne.s32 s0, $0x0;
	s0 =	rddreg [dreg:$0x4]  }
0x14b: {  	s0 =	sadd.s32 @!p0 $0x100000, s0  }
0x14c: {  	[sflag:s0] =	ssyncadd.tile.s32 @!p0 $0x1;
	_ =	shalt  }
.Lfunc_end2:
_tile_overlayer_lowered:
.L_overlay_start_2:
0x14d: {  	(tag) =	ssettag $0x2  }
0x14e: {  	s0 =	rddreg [dreg:$0x0];
	s2 =	stileid.u32  }
0x14f: {  	s1 =	rddreg [dreg:$0x1];
	p0 =	sne.s32 s2, $0x0  }
0x150: {  	s3 =	rddreg [dreg:$0x2];
	[bflag:$0x3] =	sbarrier.arrive $0xFFFF;
	s2 =	simm.s32 @!p0 $0x1C02  }
0x151: {  	[timem:s3], [sflag:s2] =	dma.local @!p0 [hbm:s0], s1  }
0x152: {  	s0 =	simm.s32 @!p0 $0x2  }
0x153: {  	_ =	swait.ge @!p0 [sflag:s0], s1  }
0x154: {  	s1 =	ssub.s32 @!p0 $0x0, s1;
	[sflag:s0] =	ssyncset.done @!p0 $0x0  }
0x155: {  	[sflag:s0] =	ssyncadd.s32 @!p0 s1  }
0x156: {  	[bflag:$0x3] =	sbarrier.arrive $0xFFFF  }
0x157: {  	_ =	shalt  }

// kernel: kernel.14.cloned.1.call-start
scs
__scs_entry_jumppad:
0x0: {  	(pc) =	sbr.rel $0x88, $3  }
0x1: {  	(tag) =	ssettag $0x0;
	lr =	simm.s32 $0x1  }
0x2: {  	[smem:$0x3F89] =	sst lr;
	_ =	strace $0xD0000000  }
0x3: {  	_ = 	snop  }
0x4: {  	_ = 	snop  }
0x5: {  	_ = 	snop  }
0x6: {  	_ = 	snop  }
0x7: {  	_ = 	snop  }
__scs_overlays_trampoline_lowered:
0x8: {  	[smem:$0x3F98] =	sst s0  }
0x9: {  	[smem:$0x3F99] =	sst s1  }
0xa: {  	[smem:$0x3F9A] =	sst s2  }
0xb: {  	[smem:$0x3F9B] =	sst s3  }
0xc: {  	[smem:$0x3F9C] =	sst s4  }
0xd: {  	[smem:$0x3F9D] =	sst s5  }
0xe: {  	[smem:$0x3F9E] =	sst s6  }
0xf: {  	[smem:$0x3F9F] =	sst s7  }
0x10: {  	[smem:$0x3FA0] =	sst s8  }
0x11: {  	[smem:$0x3FA1] =	sst s9;
	s0 =	simm.s32 @!p0 $0x0  }
0x12: {  	s1 =	sld [smem:$0x3F87];
	s0 =	simm.s32 @p0 $0x1  }
0x13: {  	[smem:$0x3FA2] =	sst s0;
	s0 =	simm.s32 @!p1 $0x0  }
0x14: {  	s2 =	sld [smem:$0x3F86];
	s0 =	simm.s32 @p1 $0x1  }
0x15: {  	[smem:$0x3FA3] =	sst s0;
	s0 =	simm.s32 @!p2 $0x0  }
0x16: {  	s3 =	sld [smem:$0x3FDB];
	s0 =	simm.s32 @p2 $0x1  }
0x17: {  	s4 =	simm.s32 $0x1BF5;
	[smem:$0x3FA5] =	sst s0  }
0x18: {  	s0 =	sld [smem:$0x3F88];
	_ =	swait.ge [sflag:s4], $0x0  }
0x19: {  	s7 =	sld [smem:$0x3F89]  }
0x1a: {  	s8 =	sadd.s32 $0xFFFFE003, lr  }
0x1b: {  	s9 =	sadd.s32 $0xFFFFFEF7, lr;
	s5 =	simm.s32 $0xFFFFFFFF;
	p2 =	slt.u32 s8, $0xFFFFF086  }
0x1c: {  	p1 =	slt.u32 s9, $0xF7A;
	s5 =	simm.s32 @!p2 $0x0  }
0x1d: {  	s5 =	simm.s32 @p1 $0x1;
	p0 =	seq.s32 s7, s2  }
0x1e: {  	s7 =	smul.u32 @!p0 $0xF7A, s2;
	p2 =	seq.s32 @!p0 s5, $0x0  }
0x1f: {  	s9 =	smul.u32 $0xF7A, s1;
	s8 =	simm.s32 @!p0 $0x1BF5;
	p2 =	por !p2, p0  }
0x20: {  	[sflag:s8] =	ssyncset.s32 @!p0 $0xFFFFF086;
	s6 =	sadd.s32 @!p0 s3, s7;
	s7 =	simm.s32 @!p0 $0x108  }
0x21: {  	s3 =	sadd.s32 s3, s9;
	s6 =	sadd.s32 @!p0 $0x88, s6;
	s7 =	simm.s32 @p2 $0x1082  }
0x22: {  	[simem:s7], [sflag:s8] =	dma.local @!p0 [hbm:s6], $0xF7A  }
0x23: {  	s9 =	sor.u32 $0xD0000000, s2;
	s6 =	simm.s32 $0x108;
	_ =	swait.ge @!p0 [sflag:s8], $0x0  }
0x24: {  	s3 =	sadd.s32 $0x88, s3;
	s6 =	simm.s32 @!p1 $0x1082;
	[sflag:s4] =	ssyncset.s32 $0xFFFFF086  }
0x25: {  	[simem:s6], [sflag:s4] =	dma.local [hbm:s3], $0xF7A  }
0x26: {  	[smem:$0x3F89] =	sst s1;
	(tag) =	ssettag s2;
	_ =	strace s9  }
0x27: {  	s1 =	sld [smem:$0x3F99]  }
0x28: {  	s2 =	sld [smem:$0x3F9A]  }
0x29: {  	s4 =	sld [smem:$0x3F9C]  }
0x2a: {  	p0 =	seq.s32 s5, $0x0;
	s5 =	sld [smem:$0x3F9D]  }
0x2b: {  	s6 =	sld [smem:$0x3F9E]  }
0x2c: {  	s7 =	sld [smem:$0x3F9F]  }
0x2d: {  	s3 =	simm.s32 $0x108;
	s8 =	sld [smem:$0x3FA0]  }
0x2e: {  	s3 =	simm.s32 @!p0 $0x1082;
	s9 =	sld [smem:$0x3FA1]  }
0x2f: {  	lr =	sadd.s32 s0, s3;
	s0 =	sld [smem:$0x3F98]  }
0x30: {  	s3 =	sld [smem:$0x3F9B]  }
0x31: {  	[smem:$0x3FA4] =	sst s10  }
0x32: {  	s10 =	sld [smem:$0x3FA2];
	_ =	sdelay $0x3  }
0x33: {  	p0 =	seq.s32 s10, $0x1;
	s10 =	sld [smem:$0x3FA4];
	_ =	sdelay $0x3  }
0x34: {  	[smem:$0x3FA4] =	sst s10  }
0x35: {  	s10 =	sld [smem:$0x3FA3];
	_ =	sdelay $0x3  }
0x36: {  	p1 =	seq.s32 s10, $0x1;
	s10 =	sld [smem:$0x3FA4];
	_ =	sdelay $0x3  }
0x37: {  	[smem:$0x3FA4] =	sst s10  }
0x38: {  	s10 =	sld [smem:$0x3FA5]  }
0x39: {  	_ = 	snop;
	(pc) =	sbr.ind lr, $3  }
0x3a: {  	_ = 	snop  }
0x3b: {  	_ = 	snop  }
0x3c: {  	p2 =	seq.s32 s10, $0x1;
	s10 =	sld [smem:$0x3FA4]  }
0x3d: {  	_ =	shalt  }
0x3e: {  	_ =	shalt  }
0x3f: {  	_ =	shalt  }
0x40: {  	_ =	shalt  }
0x41: {  	_ =	shalt  }
0x42: {  	_ =	shalt  }
0x43: {  	_ =	shalt  }
0x44: {  	_ =	shalt  }
0x45: {  	_ =	shalt  }
0x46: {  	_ =	shalt  }
0x47: {  	_ =	shalt  }
0x48: {  	_ =	shalt  }
0x49: {  	_ =	shalt  }
0x4a: {  	_ =	shalt  }
0x4b: {  	_ =	shalt  }
0x4c: {  	_ =	shalt  }
0x4d: {  	_ =	shalt  }
0x4e: {  	_ =	shalt  }
0x4f: {  	_ =	shalt  }
0x50: {  	_ =	shalt  }
0x51: {  	_ =	shalt  }
0x52: {  	_ =	shalt  }
0x53: {  	_ =	shalt  }
0x54: {  	_ =	shalt  }
0x55: {  	_ =	shalt  }
0x56: {  	_ =	shalt  }
0x57: {  	_ =	shalt  }
0x58: {  	_ =	shalt  }
0x59: {  	_ =	shalt  }
0x5a: {  	_ =	shalt  }
0x5b: {  	_ =	shalt  }
0x5c: {  	_ =	shalt  }
0x5d: {  	_ =	shalt  }
0x5e: {  	_ =	shalt  }
0x5f: {  	_ =	shalt  }
0x60: {  	_ =	shalt  }
0x61: {  	_ =	shalt  }
0x62: {  	_ =	shalt  }
0x63: {  	_ =	shalt  }
0x64: {  	_ =	shalt  }
0x65: {  	_ =	shalt  }
0x66: {  	_ =	shalt  }
0x67: {  	_ =	shalt  }
0x68: {  	_ =	shalt  }
0x69: {  	_ =	shalt  }
0x6a: {  	_ =	shalt  }
0x6b: {  	_ =	shalt  }
0x6c: {  	_ =	shalt  }
0x6d: {  	_ =	shalt  }
0x6e: {  	_ =	shalt  }
0x6f: {  	_ =	shalt  }
0x70: {  	_ =	shalt  }
0x71: {  	_ =	shalt  }
0x72: {  	_ =	shalt  }
0x73: {  	_ =	shalt  }
0x74: {  	_ =	shalt  }
0x75: {  	_ =	shalt  }
0x76: {  	_ =	shalt  }
0x77: {  	_ =	shalt  }
0x78: {  	_ =	shalt  }
0x79: {  	_ =	shalt  }
0x7a: {  	_ =	shalt  }
0x7b: {  	_ =	shalt  }
0x7c: {  	_ =	shalt  }
0x7d: {  	_ =	shalt  }
0x7e: {  	_ =	shalt  }
0x7f: {  	_ =	shalt  }
0x80: {  	_ =	shalt  }
0x81: {  	_ =	shalt  }
0x82: {  	_ =	shalt  }
0x83: {  	_ =	shalt  }
0x84: {  	_ =	shalt  }
0x85: {  	_ =	shalt  }
0x86: {  	_ =	shalt  }
0x87: {  	_ =	shalt  }
.Lfunc_end0:
.L_simem_size_0:
called_computation.2_lowered:
.L_overlay_start_0:
0x88: {  	s2 =	sld [smem:$0x3FD9]  }
0x89: {  	s3 =	sld [smem:$0x3FFE];
	_ =	sdelay $0x1  }
0x8a: {  	s1 =	srdreg.scid  }
0x8b: {  	s0 =	sand.u32 $0x1, s1  }
0x8c: {  	s17 =	sshll.u32 s0, $0xA;
	s2 =	sadd.s32 s3, s2  }
0x8d: {  	s2 =	sadd.s32 s2, s17  }
0x8e: {  	[smem:$0x3FB0] =	sst s2  }
0x8f: {  	_ = 	snop  }
0x90: {  	(tm) =	ssettm $0x1  }
0x91: {  	s18 =	sld [smem:$0x3FFB];
	_ =	sdelay $0x3  }
0x92: {  	_ =	strace s18  }
0x93: {  	s2 =	sld [smem:$0x3FFC];
	_ =	sdelay $0x3  }
0x94: {  	_ =	strace s2  }
0x95: {  	s2 =	sld [smem:$0x3FFD];
	_ =	sdelay $0x3  }
0x96: {  	_ =	strace s2  }
0x97: {  	_ =	strace $0x8FFFFFFF  }
0x98: {  	s19 =	sld [smem:$0x3FDB];
	_ =	sdelay $0x1  }
0x99: {  	s20 =	simm.s32 $_scs_section_size  }
0x9a: {  	s4 =	simm.s32 $_size__tile_overlayer_lowered;
	s5 =	simm.s32 $_tile_overlayer_lowered  }
0x9b: {  	s6 =	simm.s32 $0x1BFF;
	s21 =	sshll.u32 s5, $0x1;
	s3 =	sadd.s32 s20, s19  }
0x9c: {  	s22 =	simm.s32 $0x0;
	s4 =	sshll.u32 s4, $0x1;
	s5 =	sadd.s32 s21, s3  }
0x9d: {  	[timem:s22], [sflag:s6] =	dma.local [hbm:s5], s4  }
0x9e: {  	_ =	swait.ge [sflag:s6], s4  }
0x9f: {  	s4 =	ssub.s32 $0x0, s4;
	[sflag:s6] =	ssyncset.done $0x0  }
0xa0: {  	[sflag:s6] =	ssyncadd.s32 s4;
	_ =	sdelay $0x1  }
0xa1: {  	s23 =	simm.s32 $0x1B8B  }
0xa2: {  	_ =	swait.ge [sflag:s23], $0x1  }
0xa3: {  	[sflag:s23] =	ssyncset.done $0x0  }
0xa4: {  	[sflag:s23] =	ssyncadd.s32 $0xFFFFFFFF  }
0xa5: {  	s4 =	sld [smem:$0x0]  }
0xa6: {  	s5 =	sand.u32 $0xFFFFFFFE, s1  }
0xa7: {  	p0 =	sne.s32 s1, s5  }
0xa8: {  	s5 =	sshll.u32 @p0 s5, $0xE  }
0xa9: {  	s5 =	sadd.s32 @p0 $0x11B8D, s5;
	s6 =	sshll.u32 @p0 s4, $0x11  }
0xaa: {  	s5 =	sor.u32 @p0 s6, s5  }
0xab: {  	[sflag:s5] =	ssyncadd.remote.s32 @p0 $0x1;
	_ =	sdelay $0x1  }
0xac: {  	s5 =	simm.s32 @p0 $0x1B8D  }
0xad: {  	_ =	swait.eq @p0 [sflag:s5], $0x1  }
0xae: {  	[sflag:s5] =	ssyncadd.s32 @p0 $0xFFFFFFFF  }
0xaf: {  	s6 =	sshll.u32 @!p0 s1, $0xE  }
0xb0: {  	s6 =	sor.u32 @!p0 $0x4000, s6;
	s5 =	simm.s32 @!p0 $0x1B8D  }
0xb1: {  	s4 =	sshll.u32 @!p0 s4, $0x11;
	s6 =	sadd.s32 @!p0 $0x11B8D, s6;
	_ =	swait.eq @!p0 [sflag:s5], $0x1  }
0xb2: {  	s4 =	sor.u32 @!p0 s4, s6;
	[sflag:s5] =	ssyncadd.s32 @!p0 $0xFFFFFFFF  }
0xb3: {  	s25 =	simm.s32 $0x1B8E;
	s24 =	sld [smem:$0x3FFE];
	[sflag:s4] =	ssyncadd.remote.s32 @!p0 $0x1  }
0xb4: {  	s26 =	simm.s32 $execute0_lowered;
	[smem:$0x3FD2] =	sst s25  }
0xb5: {  	s5 =	sshll.u32 s26, $0x1;
	_ =	strace $0x8000004C;
	[dreg:$0x1] =	wrdreg $0xFFFFFFFF  }
0xb6: {  	s28 =	simm.s32 $_size_execute0_lowered;
	s3 =	sadd.s32 s3, s5;
	[dreg:$0x0] =	wrdreg $0x0  }
0xb7: {  	s5 =	sshll.u32 s28, $0x1;
	[dreg:$0x2] =	wrdreg s3  }
0xb8: {  	[dreg:$0x3] =	wrdreg s5  }
0xb9: {  	[dreg:$0x4] =	wrdreg $0xC0  }
0xba: {  	_ =	task [dreg:s22], $0x5FFFF  }
0xbb: {  	[dreg:$0x1] =	wrdreg $0xFFFFFFFF  }
0xbc: {  	[dreg:$0x0] =	wrdreg $0x60  }
0xbd: {  	[dreg:$0x2] =	wrdreg s24  }
0xbe: {  	[dreg:$0x3] =	wrdreg $0x50A00  }
0xbf: {  	[dreg:$0x4] =	wrdreg $0xA  }
0xc0: {  	_ =	task.clear_ibuf [dreg:s22], $0x5FFFF;
	_ =	strace $0x9000004C  }
0xc1: {  	s29 =	simm.s32 $0xA;
	_ =	strace $0x8000004E  }
0xc2: {  	_ =	swait.ge [sflag:s29], $0x1  }
0xc3: {  	[sflag:s29] =	ssyncadd.s32 $0xFFFFFFFF  }
0xc4: {  	_ =	strace $0x9000004E  }
0xc5: {  	_ =	sfence  }
0xc6: {  	s30 =	sld [smem:$0x0];
	_ =	sdelay $0x2  }
0xc7: {  	s31 =	sshll.u32 s1, $0xD;
	s1 =	sshrl.u32 s1, $0x2  }
0xc8: {  	s4 =	sand.u32 $0x4000, s31;
	s1 =	sadd.s32 s1, s30  }
0xc9: {  	s0 =	sor.u32 s4, s0;
	s1 =	sshll.u32 s1, $0x11  }
0xca: {  	s0 =	sor.u32 s1, s0  }
0xcb: {  	s0 =	sadd.s32 $0x8F2B, s0  }
0xcc: {  	[sflag:s0] =	ssyncadd.remote.s32 $0x1  }
0xcd: {  	_ =	sfence.sel $0xFFFF  }
0xce: {  	[dreg:$0x0] =	wrdreg $0xFFFFFFFF;
	(pc) =	sbr.abs _section_cstart, $3  }
0xcf: {  	[dreg:$0x1] =	wrdreg $0xFFFFFFFF  }
0xd0: {  	_ =	task.clear_ibuf [dreg:s22], $0x2FFFF;
	_ =	strace $0x9FFFFFFF  }
0xd1: {  	(tm) =	ssettm $0x7FFFFFFF  }
tec
execute0_lowered:
.L_overlay_start_1:
0x0: {  	(tag) =	ssettag $0x1  }
0x1: {  	s0 =	rddreg [dreg:$0x0]  }
0x2: {  	s1 =	rddreg [dreg:$0x1];
	s2 =	simm.s32 $0x0  }
0x3: {  	s6 =	srdreg.scid;
	s3 =	stileid.u32;
	s21 =	simm.s32 $0xA0  }
0x4: {  	s22 =	simm.s32 $0x50;
	s23 =	simm.s32 $0x28A0;
	s19 =	sadd.s32 $0xCB3800, s0  }
0x5: {  	[smem:$0x7FF] =	sst s2;
	s4 =	sadd.s32 $0x18000, s0;
	s5 =	sadd.s32 $0x293A00, s0  }
0x6: {  	s12 =	sand.u32 $0x1, s6;
	s24 =	sshll.u32 s3, $0x1;
	s13 =	smul.u32 $0x13C00, s3  }
0x7: {  	s9 =	sshll.u32 s3, $0x6;
	s28 =	smul.u32 $0x4E20, s3;
	_ =	strace $0x8000004D  }
0x8: {  	s7 =	ssub.s32 $0x2, s12;
	s8 =	sor.u32 s12, s24;
	s18 =	smul.u32 $0x2710, s12  }
0x9: {  	p0 =	seq.s32 s12, $0x1;
	s24 =	simm.s32 $0x1;
	s14 =	smul.u32 $0x2710, s8  }
0xa: {  	s25 =	sshrl.u32 s7, $0x1;
	s6 =	sadd.s32 s13, s1;
	s10 =	smul.u32 $0x27100, s8  }
0xb: {  	s17 =	sshrl.u32 s13, $0x3;
	s15 =	ssub.s32 s7, s25;
	s7 =	sor.u32 $0x1C03, s9  }
0xc: {  	s25 =	simm.s32 $0x2;
	s26 =	sshrl.u32 s14, $0x3;
	s11 =	sadd.s32 $0x50, s14  }
0xd: {  	s9 =	sadd.s32 s19, s10;
	s14 =	sadd.s32 $0x26C0, s14;
	s12 =	smax.u32 s15, $0x1  }
0xe: {  	s15 =	simm.s32 $0x49600;
	s8 =	sadd.s32 s4, s26;
	s16 =	sshrl.u32 s11, $0x3  }
0xf: {  	s11 =	sshll.u32 s11, $0x4;
	s29 =	sshrl.u32 s14, $0x3;
	s14 =	sshll.u32 s14, $0x4  }
0x10: {  	s15 =	simm.s32 @!p0 $0x21E00;
	s26 =	simm.s32 $0x0;
	s10 =	sadd.s32 s4, s16  }
0x11: {  	s11 =	sadd.s32 s19, s11;
	s13 =	sadd.s32 s4, s29;
	s16 =	sadd.s32 s18, s28  }
0x12: {  	s14 =	sadd.s32 s19, s14;
	s0 =	sadd.s32 s15, s0;
	s18 =	sadd.s32 $0xF0, s16  }
0x13: {  	s15 =	sadd.s32 s0, s17;
	s16 =	sadd.s32 $0xA0, s16;
	s30 =	sshll.u32 s18, $0x4  }
0x14: {  	s31 =	sshrl.u32 s18, $0x3;
	s20 =	sshll.u32 s16, $0x4;
	s17 =	sadd.s32 s30, s19  }
0x15: {  	s18 =	sadd.s32 s31, s4;
	s19 =	sadd.s32 s20, s19;
	s20 =	simm.s32 $0x3  }
.LBB2_1:
0x16: {  	s28 =	sshrl.u32 s6, $0x3  }
0x17: {  	[spmem:s28], [sflag:s7] =	dma.local [hbm:s5], $0x2780  }
0x18: {  	_ =	swait.ge [sflag:s20], $0x2780  }
0x19: {  	[sflag:s20] =	ssyncset.done $0x0  }
0x1a: {  	[sflag:s20] =	ssyncadd.s32 $0xFFFFD880  }
0x1b: {  	[bflag:$0x0] =	sbarrier.arrive $0xFFFF  }
0x1c: {  	[tilespmem:s2], [sflag:$0x3] =	stream.linear.gather [hbm4b:s8+s2], $0x50, $0x38;
	[tilespmem:$0x18CA0] =	vst v63  }
0x1d: {  	_ =	swait.ge [sflag:s20], $0x50  }
0x1e: {  	[sflag:s20] =	ssyncset.done $0x0  }
0x1f: {  	[sflag:s20] =	ssyncadd.s32 $0xFFFFFFB0  }
0x20: {  	[tilespmem:s21], [sflag:$0x1] =	stream.linear.gather [hbm4b:s9+s2], $0x2800, $0x38;
	[tilespmem:$0x18CA0] =	vst v63  }
0x21: {  	_ = 	snop  }
0x22: {  	[tilespmem:s22], [sflag:$0x3] =	stream.linear.gather [hbm4b:s10+s2], $0x50, $0x38;
	[tilespmem:$0x18CA0] =	vst v63  }
0x23: {  	_ =	swait.ge [sflag:s20], $0x50  }
0x24: {  	[sflag:s20] =	ssyncset.done $0x0  }
0x25: {  	[sflag:s20] =	ssyncadd.s32 $0xFFFFFFB0  }
0x26: {  	[tilespmem:s23], [sflag:$0x2] =	stream.linear.gather [hbm4b:s11+s2], $0x2800, $0x38;
	[tilespmem:$0x18CA0] =	vst v63  }
0x27: {  	_ =	swait.ge [sflag:s24], $0x2800  }
0x28: {  	[sflag:s24] =	ssyncset.done $0x0  }
0x29: {  	[sflag:s24] =	ssyncadd.s32 $0xFFFFD800  }
0x2a: {  	[spmem:s1] =	stream.indirect.scatter.add.f32 [tilespmem:s21], [sflag:$0x3], $0x80, s2, s22, $0xb8;
	[tilespmem:$0x18CA0] =	vst v63  }
0x2b: {  	_ =	swait.ge [sflag:s20], $0x2800  }
0x2c: {  	s0 =	sshrl.u32 s16, $0x3;
	[sflag:s20] =	ssyncset.done $0x0  }
0x2d: {  	s0 =	sadd.s32 s4, s0;
	[sflag:s20] =	ssyncadd.s32 $0xFFFFD800  }
0x2e: {  	[tilespmem:s2], [sflag:$0x3] =	stream.linear.gather [hbm4b:s0+s2], $0x50, $0x38;
	[tilespmem:$0x18CA0] =	vst v63  }
0x2f: {  	_ =	swait.ge [sflag:s20], $0x50  }
0x30: {  	[sflag:s20] =	ssyncset.done $0x0  }
0x31: {  	s3 =	sadd.s32 $0x0, s19;
	[sflag:s20] =	ssyncadd.s32 $0xFFFFFFB0  }
0x32: {  	[tilespmem:s21], [sflag:$0x1] =	stream.linear.gather [hbm4b:s3+s2], $0x2800, $0x38;
	[tilespmem:$0x18CA0] =	vst v63  }
0x33: {  	_ =	swait.ge [sflag:s25], $0x2800  }
0x34: {  	[sflag:s25] =	ssyncset.done $0x0  }
0x35: {  	[sflag:s25] =	ssyncadd.s32 $0xFFFFD800  }
0x36: {  	[spmem:s1] =	stream.indirect.scatter.add.f32 [tilespmem:s23], [sflag:$0x3], $0x80, s22, s22, $0xb8;
	[tilespmem:$0x18CA0] =	vst v63  }
0x37: {  	_ =	swait.ge [sflag:s20], $0x2800  }
0x38: {  	[sflag:s20] =	ssyncset.done $0x0  }
0x39: {  	[sflag:s20] =	ssyncadd.s32 $0xFFFFD800  }
0x3a: {  	[tilespmem:s22], [sflag:$0x3] =	stream.linear.gather [hbm4b:s18+s2], $0x50, $0x38;
	[tilespmem:$0x18CA0] =	vst v63  }
0x3b: {  	_ =	swait.ge [sflag:s20], $0x50  }
0x3c: {  	s29 =	simm.s32 $0xA00;
	s30 =	sadd.s32 $0xA0, s16;
	[sflag:s20] =	ssyncset.done $0x0  }
0x3d: {  	s31 =	sadd.s32 $0x14, s18;
	s0 =	sadd.s32 $0x0, s17;
	[sflag:s20] =	ssyncadd.s32 $0xFFFFFFB0  }
.LBB2_2:
0x3e: {  	[tilespmem:s23], [sflag:$0x2] =	stream.linear.gather [hbm4b:s0+s2], $0x2800, $0x38;
	[tilespmem:$0x18CA0] =	vst v63  }
0x3f: {  	s0 =	smov.u32 s29  }
0x40: {  	p0 =	sne.s32 s29, $0x25800;
	s29 =	sadd.s32 $0xA00, s29;
	_ =	swait.ge [sflag:s24], $0x2800  }
0x41: {  	[sflag:s24] =	ssyncset.done $0x0  }
0x42: {  	[sflag:s24] =	ssyncadd.s32 $0xFFFFD800  }
0x43: {  	[spmem:s1] =	stream.indirect.scatter.add.f32 [tilespmem:s21], [sflag:$0x3], $0x80, s2, s22, $0xb8;
	[tilespmem:$0x18CA0] =	vst v63  }
0x44: {  	_ =	swait.ge [sflag:s20], $0x2800  }
0x45: {  	s3 =	sshrl.u32 s30, $0x3;
	[sflag:s20] =	ssyncset.done $0x0  }
0x46: {  	s3 =	sadd.s32 s4, s3;
	[sflag:s20] =	ssyncadd.s32 $0xFFFFD800  }
0x47: {  	[tilespmem:s2], [sflag:$0x3] =	stream.linear.gather [hbm4b:s3+s2], $0x50, $0x38;
	[tilespmem:$0x18CA0] =	vst v63  }
0x48: {  	_ =	swait.ge [sflag:s20], $0x50  }
0x49: {  	[sflag:s20] =	ssyncset.done $0x0  }
0x4a: {  	s3 =	sadd.s32 s0, s19;
	[sflag:s20] =	ssyncadd.s32 $0xFFFFFFB0  }
0x4b: {  	[tilespmem:s21], [sflag:$0x1] =	stream.linear.gather [hbm4b:s3+s2], $0x2800, $0x38;
	[tilespmem:$0x18CA0] =	vst v63  }
0x4c: {  	_ =	swait.ge [sflag:s25], $0x2800  }
0x4d: {  	[sflag:s25] =	ssyncset.done $0x0  }
0x4e: {  	[sflag:s25] =	ssyncadd.s32 $0xFFFFD800  }
0x4f: {  	[spmem:s1] =	stream.indirect.scatter.add.f32 [tilespmem:s23], [sflag:$0x3], $0x80, s22, s22, $0xb8;
	[tilespmem:$0x18CA0] =	vst v63  }
0x50: {  	_ =	swait.ge [sflag:s20], $0x2800  }
0x51: {  	[sflag:s20] =	ssyncset.done $0x0  }
.Ltmp0:
0x52: {  	[sflag:s20] =	ssyncadd.s32 $0xFFFFD800;
	(pc) =	sbr.rel @p0 .LBB2_2-.Ltmp0, $4  }
0x53: {  	[tilespmem:s22], [sflag:$0x3] =	stream.linear.gather [hbm4b:s31+s2], $0x50, $0x38;
	[tilespmem:$0x18CA0] =	vst v63  }
0x54: {  	_ =	swait.ge [sflag:s20], $0x50  }
0x55: {  	s30 =	sadd.s32 $0xA0, s30;
	[sflag:s20] =	ssyncset.done $0x0  }
0x56: {  	s0 =	sadd.s32 s0, s17;
	s31 =	sadd.s32 $0x14, s31;
	[sflag:s20] =	ssyncadd.s32 $0xFFFFFFB0  }
0x57: {  	[tilespmem:s23], [sflag:$0x2] =	stream.linear.gather [hbm4b:s0+s2], $0x2800, $0x38;
	[tilespmem:$0x18CA0] =	vst v63  }
0x58: {  	_ =	swait.ge [sflag:s24], $0x2800  }
0x59: {  	[sflag:s24] =	ssyncset.done $0x0  }
0x5a: {  	[sflag:s24] =	ssyncadd.s32 $0xFFFFD800  }
0x5b: {  	[spmem:s1] =	stream.indirect.scatter.add.f32 [tilespmem:s21], [sflag:$0x3], $0x80, s2, s22, $0xb8;
	[tilespmem:$0x18CA0] =	vst v63  }
0x5c: {  	_ =	swait.ge [sflag:s20], $0x2800  }
0x5d: {  	[sflag:s20] =	ssyncset.done $0x0  }
0x5e: {  	[sflag:s20] =	ssyncadd.s32 $0xFFFFD800  }
0x5f: {  	[tilespmem:s2], [sflag:$0x3] =	stream.linear.gather [hbm4b:s13+s2], $0x50, $0x38;
	[tilespmem:$0x18CA0] =	vst v63  }
0x60: {  	_ =	swait.ge [sflag:s20], $0x50  }
0x61: {  	[sflag:s20] =	ssyncset.done $0x0  }
0x62: {  	[sflag:s20] =	ssyncadd.s32 $0xFFFFFFB0  }
0x63: {  	[tilespmem:s21], [sflag:$0x1] =	stream.linear.gather [hbm4b:s14+s2], $0x2800, $0x38;
	[tilespmem:$0x18CA0] =	vst v63  }
0x64: {  	_ =	swait.ge [sflag:s25], $0x2800  }
0x65: {  	[sflag:s25] =	ssyncset.done $0x0  }
0x66: {  	[sflag:s25] =	ssyncadd.s32 $0xFFFFD800  }
0x67: {  	[spmem:s1] =	stream.indirect.scatter.add.f32 [tilespmem:s23], [sflag:$0x3], $0x80, s22, s22, $0xb8;
	[tilespmem:$0x18CA0] =	vst v63  }
0x68: {  	_ =	swait.ge [sflag:s20], $0x2800  }
0x69: {  	[sflag:s20] =	ssyncset.done $0x0  }
0x6a: {  	[sflag:s20] =	ssyncadd.s32 $0xFFFFD800  }
0x6b: {  	_ =	swait.ge [sflag:s24], $0x2800  }
0x6c: {  	[sflag:s24] =	ssyncset.done $0x0  }
0x6d: {  	[sflag:s24] =	ssyncadd.s32 $0xFFFFD800  }
0x6e: {  	[spmem:s1] =	stream.indirect.scatter.add.f32 [tilespmem:s21], [sflag:$0x3], $0x80, s2, s22, $0xb8;
	[tilespmem:$0x18CA0] =	vst v63  }
0x6f: {  	_ =	swait.ge [sflag:s20], $0x2800  }
0x70: {  	s26 =	sadd.s32 $0x1, s26;
	[sflag:s20] =	ssyncset.done $0x0  }
0x71: {  	p0 =	sne.s32 s26, s12;
	[sflag:s20] =	ssyncadd.s32 $0xFFFFD800  }
.Ltmp1:
0x72: {  	[bflag:$0x0] =	sbarrier.arrive $0xFFFF;
	(pc) =	sbr.rel @p0 .LBB2_1-.Ltmp1, $4  }
0x73: {  	[hbm:s15], [sflag:s7] =	dma.local [spmem:s28], $0x2780  }
0x74: {  	_ =	swait.ge [sflag:s20], $0x2780  }
0x75: {  	[sflag:s20] =	ssyncset.done $0x0  }
0x76: {  	[sflag:s20] =	ssyncadd.s32 $0xFFFFD880  }
0x77: {  	_ =	sfence.sel $0x180000  }
0x78: {  	[bflag:$0x0] =	sbarrier.arrive $0xFFFF  }
0x79: {  	_ =	strace $0x9000004D  }
0x7a: {  	s0 =	stileid.u32;
	[bflag:$0x2] =	sbarrier.arrive $0xFFFF  }
0x7b: {  	p0 =	sne.s32 s0, $0x0;
	s0 =	rddreg [dreg:$0x2]  }
0x7c: {  	s0 =	sadd.s32 @!p0 $0x100000, s0  }
0x7d: {  	[sflag:s0] =	ssyncadd.tile.s32 @!p0 $0x1;
	_ =	shalt  }
.Lfunc_end2:
_tile_overlayer_lowered:
.L_overlay_start_2:
0x7e: {  	(tag) =	ssettag $0x2  }
0x7f: {  	s0 =	rddreg [dreg:$0x0];
	s2 =	stileid.u32  }
0x80: {  	s1 =	rddreg [dreg:$0x1];
	p0 =	sne.s32 s2, $0x0  }
0x81: {  	s3 =	rddreg [dreg:$0x2];
	[bflag:$0x3] =	sbarrier.arrive $0xFFFF;
	s2 =	simm.s32 @!p0 $0x1C03  }
0x82: {  	[timem:s3], [sflag:s2] =	dma.local @!p0 [hbm:s0], s1  }
0x83: {  	s0 =	simm.s32 @!p0 $0x3  }
0x84: {  	_ =	swait.ge @!p0 [sflag:s0], s1  }
0x85: {  	s1 =	ssub.s32 @!p0 $0x0, s1;
	[sflag:s0] =	ssyncset.done @!p0 $0x0  }
0x86: {  	[sflag:s0] =	ssyncadd.s32 @!p0 s1  }
0x87: {  	[bflag:$0x3] =	sbarrier.arrive $0xFFFF  }
0x88: {  	_ =	shalt  }

// kernel: kernel.8.cloned.1.call-start
scs
__scs_entry_jumppad:
0x0: {  	(pc) =	sbr.rel $0x88, $3  }
0x1: {  	(tag) =	ssettag $0x0;
	lr =	simm.s32 $0x1  }
0x2: {  	[smem:$0x3F89] =	sst lr;
	_ =	strace $0xD0000000  }
0x3: {  	_ = 	snop  }
0x4: {  	_ = 	snop  }
0x5: {  	_ = 	snop  }
0x6: {  	_ = 	snop  }
0x7: {  	_ = 	snop  }
__scs_overlays_trampoline_lowered:
0x8: {  	[smem:$0x3F98] =	sst s0  }
0x9: {  	[smem:$0x3F99] =	sst s1  }
0xa: {  	[smem:$0x3F9A] =	sst s2  }
0xb: {  	[smem:$0x3F9B] =	sst s3  }
0xc: {  	[smem:$0x3F9C] =	sst s4  }
0xd: {  	[smem:$0x3F9D] =	sst s5  }
0xe: {  	[smem:$0x3F9E] =	sst s6  }
0xf: {  	[smem:$0x3F9F] =	sst s7  }
0x10: {  	[smem:$0x3FA0] =	sst s8  }
0x11: {  	[smem:$0x3FA1] =	sst s9;
	s0 =	simm.s32 @!p0 $0x0  }
0x12: {  	s1 =	sld [smem:$0x3F87];
	s0 =	simm.s32 @p0 $0x1  }
0x13: {  	[smem:$0x3FA2] =	sst s0;
	s0 =	simm.s32 @!p1 $0x0  }
0x14: {  	s2 =	sld [smem:$0x3F86];
	s0 =	simm.s32 @p1 $0x1  }
0x15: {  	[smem:$0x3FA3] =	sst s0;
	s0 =	simm.s32 @!p2 $0x0  }
0x16: {  	s3 =	sld [smem:$0x3FDB];
	s0 =	simm.s32 @p2 $0x1  }
0x17: {  	s4 =	simm.s32 $0x1BF5;
	[smem:$0x3FA5] =	sst s0  }
0x18: {  	s0 =	sld [smem:$0x3F88];
	_ =	swait.ge [sflag:s4], $0x0  }
0x19: {  	s7 =	sld [smem:$0x3F89]  }
0x1a: {  	s8 =	sadd.s32 $0xFFFFE003, lr  }
0x1b: {  	s9 =	sadd.s32 $0xFFFFFEF7, lr;
	s5 =	simm.s32 $0xFFFFFFFF;
	p2 =	slt.u32 s8, $0xFFFFF086  }
0x1c: {  	p1 =	slt.u32 s9, $0xF7A;
	s5 =	simm.s32 @!p2 $0x0  }
0x1d: {  	s5 =	simm.s32 @p1 $0x1;
	p0 =	seq.s32 s7, s2  }
0x1e: {  	s7 =	smul.u32 @!p0 $0xF7A, s2;
	p2 =	seq.s32 @!p0 s5, $0x0  }
0x1f: {  	s9 =	smul.u32 $0xF7A, s1;
	s8 =	simm.s32 @!p0 $0x1BF5;
	p2 =	por !p2, p0  }
0x20: {  	[sflag:s8] =	ssyncset.s32 @!p0 $0xFFFFF086;
	s6 =	sadd.s32 @!p0 s3, s7;
	s7 =	simm.s32 @!p0 $0x108  }
0x21: {  	s3 =	sadd.s32 s3, s9;
	s6 =	sadd.s32 @!p0 $0x88, s6;
	s7 =	simm.s32 @p2 $0x1082  }
0x22: {  	[simem:s7], [sflag:s8] =	dma.local @!p0 [hbm:s6], $0xF7A  }
0x23: {  	s9 =	sor.u32 $0xD0000000, s2;
	s6 =	simm.s32 $0x108;
	_ =	swait.ge @!p0 [sflag:s8], $0x0  }
0x24: {  	s3 =	sadd.s32 $0x88, s3;
	s6 =	simm.s32 @!p1 $0x1082;
	[sflag:s4] =	ssyncset.s32 $0xFFFFF086  }
0x25: {  	[simem:s6], [sflag:s4] =	dma.local [hbm:s3], $0xF7A  }
0x26: {  	[smem:$0x3F89] =	sst s1;
	(tag) =	ssettag s2;
	_ =	strace s9  }
0x27: {  	s1 =	sld [smem:$0x3F99]  }
0x28: {  	s2 =	sld [smem:$0x3F9A]  }
0x29: {  	s4 =	sld [smem:$0x3F9C]  }
0x2a: {  	p0 =	seq.s32 s5, $0x0;
	s5 =	sld [smem:$0x3F9D]  }
0x2b: {  	s6 =	sld [smem:$0x3F9E]  }
0x2c: {  	s7 =	sld [smem:$0x3F9F]  }
0x2d: {  	s3 =	simm.s32 $0x108;
	s8 =	sld [smem:$0x3FA0]  }
0x2e: {  	s3 =	simm.s32 @!p0 $0x1082;
	s9 =	sld [smem:$0x3FA1]  }
0x2f: {  	lr =	sadd.s32 s0, s3;
	s0 =	sld [smem:$0x3F98]  }
0x30: {  	s3 =	sld [smem:$0x3F9B]  }
0x31: {  	[smem:$0x3FA4] =	sst s10  }
0x32: {  	s10 =	sld [smem:$0x3FA2];
	_ =	sdelay $0x3  }
0x33: {  	p0 =	seq.s32 s10, $0x1;
	s10 =	sld [smem:$0x3FA4];
	_ =	sdelay $0x3  }
0x34: {  	[smem:$0x3FA4] =	sst s10  }
0x35: {  	s10 =	sld [smem:$0x3FA3];
	_ =	sdelay $0x3  }
0x36: {  	p1 =	seq.s32 s10, $0x1;
	s10 =	sld [smem:$0x3FA4];
	_ =	sdelay $0x3  }
0x37: {  	[smem:$0x3FA4] =	sst s10  }
0x38: {  	s10 =	sld [smem:$0x3FA5]  }
0x39: {  	_ = 	snop;
	(pc) =	sbr.ind lr, $3  }
0x3a: {  	_ = 	snop  }
0x3b: {  	_ = 	snop  }
0x3c: {  	p2 =	seq.s32 s10, $0x1;
	s10 =	sld [smem:$0x3FA4]  }
0x3d: {  	_ =	shalt  }
0x3e: {  	_ =	shalt  }
0x3f: {  	_ =	shalt  }
0x40: {  	_ =	shalt  }
0x41: {  	_ =	shalt  }
0x42: {  	_ =	shalt  }
0x43: {  	_ =	shalt  }
0x44: {  	_ =	shalt  }
0x45: {  	_ =	shalt  }
0x46: {  	_ =	shalt  }
0x47: {  	_ =	shalt  }
0x48: {  	_ =	shalt  }
0x49: {  	_ =	shalt  }
0x4a: {  	_ =	shalt  }
0x4b: {  	_ =	shalt  }
0x4c: {  	_ =	shalt  }
0x4d: {  	_ =	shalt  }
0x4e: {  	_ =	shalt  }
0x4f: {  	_ =	shalt  }
0x50: {  	_ =	shalt  }
0x51: {  	_ =	shalt  }
0x52: {  	_ =	shalt  }
0x53: {  	_ =	shalt  }
0x54: {  	_ =	shalt  }
0x55: {  	_ =	shalt  }
0x56: {  	_ =	shalt  }
0x57: {  	_ =	shalt  }
0x58: {  	_ =	shalt  }
0x59: {  	_ =	shalt  }
0x5a: {  	_ =	shalt  }
0x5b: {  	_ =	shalt  }
0x5c: {  	_ =	shalt  }
0x5d: {  	_ =	shalt  }
0x5e: {  	_ =	shalt  }
0x5f: {  	_ =	shalt  }
0x60: {  	_ =	shalt  }
0x61: {  	_ =	shalt  }
0x62: {  	_ =	shalt  }
0x63: {  	_ =	shalt  }
0x64: {  	_ =	shalt  }
0x65: {  	_ =	shalt  }
0x66: {  	_ =	shalt  }
0x67: {  	_ =	shalt  }
0x68: {  	_ =	shalt  }
0x69: {  	_ =	shalt  }
0x6a: {  	_ =	shalt  }
0x6b: {  	_ =	shalt  }
0x6c: {  	_ =	shalt  }
0x6d: {  	_ =	shalt  }
0x6e: {  	_ =	shalt  }
0x6f: {  	_ =	shalt  }
0x70: {  	_ =	shalt  }
0x71: {  	_ =	shalt  }
0x72: {  	_ =	shalt  }
0x73: {  	_ =	shalt  }
0x74: {  	_ =	shalt  }
0x75: {  	_ =	shalt  }
0x76: {  	_ =	shalt  }
0x77: {  	_ =	shalt  }
0x78: {  	_ =	shalt  }
0x79: {  	_ =	shalt  }
0x7a: {  	_ =	shalt  }
0x7b: {  	_ =	shalt  }
0x7c: {  	_ =	shalt  }
0x7d: {  	_ =	shalt  }
0x7e: {  	_ =	shalt  }
0x7f: {  	_ =	shalt  }
0x80: {  	_ =	shalt  }
0x81: {  	_ =	shalt  }
0x82: {  	_ =	shalt  }
0x83: {  	_ =	shalt  }
0x84: {  	_ =	shalt  }
0x85: {  	_ =	shalt  }
0x86: {  	_ =	shalt  }
0x87: {  	_ =	shalt  }
.Lfunc_end0:
.L_simem_size_0:
called_computation_lowered:
.L_overlay_start_0:
0x88: {  	s2 =	sld [smem:$0x3FD9]  }
0x89: {  	s3 =	sld [smem:$0x3FFE];
	_ =	sdelay $0x1  }
0x8a: {  	s1 =	srdreg.scid  }
0x8b: {  	s0 =	sand.u32 $0x1, s1  }
0x8c: {  	s16 =	sshll.u32 s0, $0xA;
	s2 =	sadd.s32 s3, s2  }
0x8d: {  	s2 =	sadd.s32 s2, s16  }
0x8e: {  	[smem:$0x3FB0] =	sst s2  }
0x8f: {  	_ = 	snop  }
0x90: {  	(tm) =	ssettm $0x1  }
0x91: {  	s17 =	sld [smem:$0x3FFB];
	_ =	sdelay $0x3  }
0x92: {  	_ =	strace s17  }
0x93: {  	s2 =	sld [smem:$0x3FFC];
	_ =	sdelay $0x3  }
0x94: {  	_ =	strace s2  }
0x95: {  	s2 =	sld [smem:$0x3FFD];
	_ =	sdelay $0x3  }
0x96: {  	_ =	strace s2  }
0x97: {  	_ =	strace $0x8FFFFFFF  }
0x98: {  	s18 =	sld [smem:$0x3FDB];
	_ =	sdelay $0x1  }
0x99: {  	s19 =	simm.s32 $_scs_section_size  }
0x9a: {  	s4 =	simm.s32 $_size__tile_overlayer_lowered;
	s5 =	simm.s32 $_tile_overlayer_lowered  }
0x9b: {  	s22 =	simm.s32 $0x1BFF;
	s21 =	sshll.u32 s5, $0x1;
	s2 =	sadd.s32 s19, s18  }
0x9c: {  	s6 =	simm.s32 $0x0;
	s20 =	sshll.u32 s4, $0x1;
	s4 =	sadd.s32 s21, s2  }
0x9d: {  	[timem:s6], [sflag:s22] =	dma.local [hbm:s4], s20  }
0x9e: {  	_ =	swait.ge [sflag:s22], s20  }
0x9f: {  	s3 =	ssub.s32 $0x0, s20;
	[sflag:s22] =	ssyncset.done $0x0  }
0xa0: {  	[sflag:s22] =	ssyncadd.s32 s3;
	_ =	sdelay $0x1  }
0xa1: {  	s23 =	simm.s32 $0x1B8B  }
0xa2: {  	_ =	swait.ge [sflag:s23], $0x1  }
0xa3: {  	[sflag:s23] =	ssyncset.done $0x0  }
0xa4: {  	s25 =	simm.s32 $0x1B8E;
	s24 =	sld [smem:$0x3FFE];
	[sflag:s23] =	ssyncadd.s32 $0xFFFFFFFF  }
0xa5: {  	s26 =	simm.s32 $execute0_lowered;
	[smem:$0x3FD2] =	sst s25  }
0xa6: {  	s4 =	sshll.u32 s26, $0x1;
	_ =	strace $0x80000046;
	[dreg:$0x1] =	wrdreg $0xFFFFFFFF  }
0xa7: {  	s28 =	simm.s32 $_size_execute0_lowered;
	s2 =	sadd.s32 s2, s4;
	[dreg:$0x0] =	wrdreg $0x0  }
0xa8: {  	s4 =	sshll.u32 s28, $0x1;
	[dreg:$0x2] =	wrdreg s2  }
0xa9: {  	[dreg:$0x3] =	wrdreg s4  }
0xaa: {  	[dreg:$0x4] =	wrdreg $0xC0  }
0xab: {  	_ =	task [dreg:s6], $0x5FFFF  }
0xac: {  	[dreg:$0x1] =	wrdreg $0xFFFFFFFF  }
0xad: {  	[dreg:$0x0] =	wrdreg $0x60  }
0xae: {  	[dreg:$0x2] =	wrdreg s24  }
0xaf: {  	[dreg:$0x3] =	wrdreg $0xA  }
0xb0: {  	_ =	task.clear_ibuf [dreg:s6], $0x4FFFF;
	_ =	strace $0x90000046  }
0xb1: {  	s29 =	simm.s32 $0xA;
	_ =	strace $0x80000048  }
0xb2: {  	_ =	swait.ge [sflag:s29], $0x1  }
0xb3: {  	[sflag:s29] =	ssyncadd.s32 $0xFFFFFFFF  }
0xb4: {  	_ =	strace $0x90000048  }
0xb5: {  	_ =	sfence  }
0xb6: {  	s30 =	sld [smem:$0x0];
	_ =	sdelay $0x2  }
0xb7: {  	s31 =	sshll.u32 s1, $0xD;
	s1 =	sshrl.u32 s1, $0x2  }
0xb8: {  	s3 =	sand.u32 $0x4000, s31;
	s1 =	sadd.s32 s1, s30  }
0xb9: {  	s0 =	sor.u32 s3, s0;
	s1 =	sshll.u32 s1, $0x11  }
0xba: {  	s0 =	sor.u32 s1, s0  }
0xbb: {  	s0 =	sadd.s32 $0x8F2B, s0  }
0xbc: {  	[sflag:s0] =	ssyncadd.remote.s32 $0x1  }
0xbd: {  	_ =	sfence.sel $0xFFFF  }
0xbe: {  	[dreg:$0x0] =	wrdreg $0xFFFFFFFF;
	(pc) =	sbr.abs _section_cstart, $3  }
0xbf: {  	[dreg:$0x1] =	wrdreg $0xFFFFFFFF  }
0xc0: {  	_ =	task.clear_ibuf [dreg:s6], $0x2FFFF;
	_ =	strace $0x9FFFFFFF  }
0xc1: {  	(tm) =	ssettm $0x7FFFFFFF  }
tec
execute0_lowered:
.L_overlay_start_1:
0x0: {  	(tag) =	ssettag $0x1  }
0x1: {  	s0 =	rddreg [dreg:$0x0]  }
0x2: {  	s2 =	simm.s32 $0x0;
	s1 =	srdreg.scid;
	s16 =	stileid.u32  }
0x3: {  	s28 =	simm.s32 $0x1F40;
	s29 =	simm.s32 $0x1;
	s30 =	simm.s32 $0x2  }
0x4: {  	s31 =	simm.s32 $0x0;
	[smem:$0x7FF] =	sst s2;
	s1 =	sand.u32 $0x1, s1  }
0x5: {  	s5 =	sshll.u32 s16, $0x1;
	s3 =	sadd.s32 $0xE200, s0;
	s10 =	smul.u32 $0x4E20, s16  }
0x6: {  	s4 =	sadd.s32 $0x18000, s0;
	s13 =	sadd.s32 $0x15A600, s0;
	s17 =	smul.u32 $0x13880, s16  }
0x7: {  	_ =	strace $0x80000047;
	s6 =	sor.u32 s1, s5;
	s21 =	smul.u32 $0x2710, s1  }
0x8: {  	s5 =	sadd.s32 $0x4400, s0;
	s8 =	ssub.s32 $0x2, s1;
	s1 =	smul.u32 $0x9C40, s1  }
0x9: {  	s0 =	sadd.s32 $0x21E00, s0;
	s7 =	smul.u32 $0x2710, s6;
	s9 =	sshrl.u32 s8, $0x1  }
0xa: {  	s6 =	smul.u32 $0x4E200, s6;
	s18 =	sadd.s32 s17, s0;
	s12 =	ssub.s32 s8, s9  }
0xb: {  	s14 =	sadd.s32 s21, s10;
	s18 =	sadd.s32 s1, s18;
	s21 =	simm.s32 $0xA0  }
0xc: {  	s7 =	sshrl.u32 s7, $0x3;
	s6 =	sshrl.u32 s6, $0x3;
	s24 =	sadd.s32 $0xF0, s14  }
0xd: {  	s12 =	smax.u32 s12, $0x1;
	s15 =	sshll.u32 s14, $0x2;
	s20 =	sadd.s32 s3, s7  }
0xe: {  	s22 =	sadd.s32 s4, s7;
	s7 =	sadd.s32 $0xA, s7;
	s6 =	sadd.s32 $0x9B00, s6  }
0xf: {  	s25 =	sshrl.u32 s24, $0x3;
	s26 =	sadd.s32 $0x140, s15;
	[dreg:$0x2] =	wrdreg s20  }
0x10: {  	s24 =	simm.s32 $0x1540;
	[dreg:$0x3] =	wrdreg s22;
	s23 =	sadd.s32 s3, s7  }
0x11: {  	s7 =	sadd.s32 s4, s7;
	s10 =	sadd.s32 s13, s6;
	s11 =	sadd.s32 s0, s6  }
.Ltmp0:
0x12: {  	s6 =	sadd.s32 s25, s3;
	s15 =	sadd.s32 s26, s13;
	(pc) =	sbr.rel .LBB2_1-.Ltmp0, $4  }
0x13: {  	s16 =	sadd.s32 s26, s0;
	s0 =	sadd.s32 $0xA0, s14;
	s13 =	sadd.s32 s17, s13  }
0x14: {  	s20 =	simm.s32 $0x3;
	s22 =	simm.s32 $0x50;
	[dreg:$0x4] =	wrdreg s23  }
0x15: {  	s26 =	simm.s32 $0xB40;
	[dreg:$0x5] =	wrdreg s7;
	s7 =	sadd.s32 s25, s4  }
0x16: {  	s19 =	sadd.s32 s1, s13;
	s23 =	simm.s32 $0x140;
	s25 =	simm.s32 $0xF0  }
.LBB2_4:
0x17: {  	_ =	swait.ge [sflag:s29], $0xA00  }
0x18: {  	[sflag:s29] =	ssyncset.done $0x0  }
0x19: {  	[sflag:s29] =	ssyncadd.s32 $0xFFFFF600  }
0x1a: {  	_ =	swait.ge [sflag:s29], $0xA00  }
0x1b: {  	[sflag:s29] =	ssyncset.done $0x0  }
0x1c: {  	[sflag:s29] =	ssyncadd.s32 $0xFFFFF600  }
0x1d: {  	[hbm4b:s10+s2] =	stream.linear.scatter [tilespmem:s23], [sflag:$0x3], $0xA00, $0x38;
	[tilespmem:$0x2940] =	vst v63  }
0x1e: {  	s31 =	sadd.s32 $0x1, s31;
	_ =	swait.ge [sflag:s20], $0xA00  }
0x1f: {  	p0 =	sne.s32 s31, s12;
	[sflag:s20] =	ssyncset.done $0x0  }
.Ltmp1:
0x20: {  	[sflag:s20] =	ssyncadd.s32 $0xFFFFF600;
	(pc) =	sbr.rel @!p0 .LBB2_5-.Ltmp1, $4  }
0x21: {  	[hbm4b:s11+s2] =	stream.linear.scatter [tilespmem:s24], [sflag:$0x3], $0xA00, $0x38;
	[tilespmem:$0x2940] =	vst v63  }
0x22: {  	_ =	swait.ge [sflag:s20], $0xA00  }
0x23: {  	[sflag:s20] =	ssyncset.done $0x0  }
0x24: {  	[sflag:s20] =	ssyncadd.s32 $0xFFFFF600  }
.LBB2_1:
0x25: {  	s1 =	rddreg [dreg:$0x2]  }
0x26: {  	[tilespmem:s2], [sflag:$0x3] =	stream.linear.gather [hbm4b:s1+s2], $0x50, $0x38;
	[tilespmem:$0x2940] =	vst v63  }
0x27: {  	_ =	swait.ge [sflag:s20], $0x50  }
0x28: {  	[sflag:s20] =	ssyncset.done $0x0  }
0x29: {  	s13 =	rddreg [dreg:$0x3];
	[sflag:s20] =	ssyncadd.s32 $0xFFFFFFB0  }
0x2a: {  	[tilespmem:s21], [sflag:$0x3] =	stream.linear.gather [hbm4b:s13+s2], $0x50, $0x38;
	[tilespmem:$0x2940] =	vst v63  }
0x2b: {  	_ =	swait.ge [sflag:s20], $0x50  }
0x2c: {  	[sflag:s20] =	ssyncset.done $0x0  }
0x2d: {  	[sflag:s20] =	ssyncadd.s32 $0xFFFFFFB0  }
0x2e: {  	[tilespmem:s23], [sflag:$0x1] =	stream.indirect.gather [hbm4b:s5+s22], $0x20, s2, s22, $0xb8;
	[tilespmem:$0x2940] =	vst v63  }
0x2f: {  	_ = 	snop  }
0x30: {  	[tilespmem:s24], [sflag:$0x1] =	stream.indirect.gather [hbm4b:s5+s22], $0x20, s21, s22, $0xb8;
	[tilespmem:$0x2940] =	vst v63  }
0x31: {  	s14 =	rddreg [dreg:$0x4]  }
0x32: {  	[tilespmem:s22], [sflag:$0x3] =	stream.linear.gather [hbm4b:s14+s2], $0x50, $0x38;
	[tilespmem:$0x2940] =	vst v63  }
0x33: {  	_ =	swait.ge [sflag:s20], $0x50  }
0x34: {  	[sflag:s20] =	ssyncset.done $0x0  }
0x35: {  	s17 =	rddreg [dreg:$0x5];
	[sflag:s20] =	ssyncadd.s32 $0xFFFFFFB0  }
0x36: {  	[tilespmem:s25], [sflag:$0x3] =	stream.linear.gather [hbm4b:s17+s2], $0x50, $0x38;
	[tilespmem:$0x2940] =	vst v63  }
0x37: {  	_ =	swait.ge [sflag:s20], $0x50  }
0x38: {  	[sflag:s20] =	ssyncset.done $0x0  }
0x39: {  	s1 =	simm.s32 $0x0;
	[sflag:s20] =	ssyncadd.s32 $0xFFFFFFB0  }
0x3a: {  	[tilespmem:s26], [sflag:$0x2] =	stream.indirect.gather [hbm4b:s5+s22], $0x20, s22, s22, $0xb8;
	[tilespmem:$0x2940] =	vst v63  }
0x3b: {  	s13 =	smov.u32 s7;
	s14 =	smov.u32 s6;
	s17 =	smov.u32 s0  }
0x3c: {  	[tilespmem:s28], [sflag:$0x2] =	stream.indirect.gather [hbm4b:s5+s22], $0x20, s25, s22, $0xb8;
	[tilespmem:$0x2940] =	vst v63  }
.LBB2_2:
0x3d: {  	_ =	swait.ge [sflag:s29], $0xA00  }
0x3e: {  	[sflag:s29] =	ssyncset.done $0x0  }
0x3f: {  	[sflag:s29] =	ssyncadd.s32 $0xFFFFF600  }
0x40: {  	_ =	swait.ge [sflag:s29], $0xA00  }
0x41: {  	[sflag:s29] =	ssyncset.done $0x0  }
0x42: {  	s8 =	sadd.s32 s1, s19;
	[sflag:s29] =	ssyncadd.s32 $0xFFFFF600  }
0x43: {  	[hbm4b:s8+s2] =	stream.linear.scatter [tilespmem:s23], [sflag:$0x3], $0xA00, $0x38;
	[tilespmem:$0x2940] =	vst v63  }
0x44: {  	_ =	swait.ge [sflag:s20], $0xA00  }
0x45: {  	[sflag:s20] =	ssyncset.done $0x0  }
0x46: {  	s9 =	sadd.s32 s1, s18;
	[sflag:s20] =	ssyncadd.s32 $0xFFFFF600  }
0x47: {  	[hbm4b:s9+s2] =	stream.linear.scatter [tilespmem:s24], [sflag:$0x3], $0xA00, $0x38;
	[tilespmem:$0x2940] =	vst v63  }
0x48: {  	_ =	swait.ge [sflag:s20], $0xA00  }
0x49: {  	s8 =	sshrl.u32 s17, $0x3;
	[sflag:s20] =	ssyncset.done $0x0  }
0x4a: {  	s9 =	sadd.s32 s3, s8;
	[sflag:s20] =	ssyncadd.s32 $0xFFFFF600  }
0x4b: {  	[tilespmem:s2], [sflag:$0x3] =	stream.linear.gather [hbm4b:s9+s2], $0x50, $0x38;
	[tilespmem:$0x2940] =	vst v63  }
0x4c: {  	_ =	swait.ge [sflag:s20], $0x50  }
0x4d: {  	[sflag:s20] =	ssyncset.done $0x0  }
0x4e: {  	s8 =	sadd.s32 s4, s8;
	[sflag:s20] =	ssyncadd.s32 $0xFFFFFFB0  }
0x4f: {  	[tilespmem:s21], [sflag:$0x3] =	stream.linear.gather [hbm4b:s8+s2], $0x50, $0x38;
	[tilespmem:$0x2940] =	vst v63  }
0x50: {  	_ =	swait.ge [sflag:s20], $0x50  }
0x51: {  	[sflag:s20] =	ssyncset.done $0x0  }
0x52: {  	[sflag:s20] =	ssyncadd.s32 $0xFFFFFFB0  }
0x53: {  	[tilespmem:s23], [sflag:$0x1] =	stream.indirect.gather [hbm4b:s5+s22], $0x20, s2, s22, $0xb8;
	[tilespmem:$0x2940] =	vst v63  }
0x54: {  	_ = 	snop  }
0x55: {  	[tilespmem:s24], [sflag:$0x1] =	stream.indirect.gather [hbm4b:s5+s22], $0x20, s21, s22, $0xb8;
	[tilespmem:$0x2940] =	vst v63  }
0x56: {  	_ =	swait.ge [sflag:s30], $0xA00  }
0x57: {  	[sflag:s30] =	ssyncset.done $0x0  }
0x58: {  	[sflag:s30] =	ssyncadd.s32 $0xFFFFF600  }
0x59: {  	_ =	swait.ge [sflag:s30], $0xA00  }
0x5a: {  	[sflag:s30] =	ssyncset.done $0x0  }
0x5b: {  	s9 =	sadd.s32 s1, s15;
	[sflag:s30] =	ssyncadd.s32 $0xFFFFF600  }
0x5c: {  	[hbm4b:s9+s2] =	stream.linear.scatter [tilespmem:s26], [sflag:$0x3], $0xA00, $0x38;
	[tilespmem:$0x2940] =	vst v63  }
0x5d: {  	_ =	swait.ge [sflag:s20], $0xA00  }
0x5e: {  	p0 =	seq.s32 s1, $0x9880;
	[sflag:s20] =	ssyncset.done $0x0  }
.Ltmp2:
0x5f: {  	s9 =	sadd.s32 s1, s16;
	[sflag:s20] =	ssyncadd.s32 $0xFFFFF600;
	(pc) =	sbr.rel @p0 .LBB2_4-.Ltmp2, $4  }
0x60: {  	[hbm4b:s9+s2] =	stream.linear.scatter [tilespmem:s28], [sflag:$0x3], $0xA00, $0x38;
	[tilespmem:$0x2940] =	vst v63  }
0x61: {  	_ =	swait.ge [sflag:s20], $0xA00  }
0x62: {  	[sflag:s20] =	ssyncset.done $0x0  }
0x63: {  	[sflag:s20] =	ssyncadd.s32 $0xFFFFF600  }
0x64: {  	[tilespmem:s22], [sflag:$0x3] =	stream.linear.gather [hbm4b:s14+s2], $0x50, $0x38;
	[tilespmem:$0x2940] =	vst v63  }
0x65: {  	_ =	swait.ge [sflag:s20], $0x50  }
0x66: {  	[sflag:s20] =	ssyncset.done $0x0  }
0x67: {  	[sflag:s20] =	ssyncadd.s32 $0xFFFFFFB0  }
0x68: {  	[tilespmem:s25], [sflag:$0x3] =	stream.linear.gather [hbm4b:s13+s2], $0x50, $0x38;
	[tilespmem:$0x2940] =	vst v63  }
0x69: {  	_ =	swait.ge [sflag:s20], $0x50  }
.Ltmp3:
0x6a: {  	[sflag:s20] =	ssyncset.done $0x0;
	(pc) =	sbr.rel .LBB2_2-.Ltmp3, $4  }
0x6b: {  	s14 =	sadd.s32 $0x14, s14;
	[sflag:s20] =	ssyncadd.s32 $0xFFFFFFB0  }
0x6c: {  	[tilespmem:s26], [sflag:$0x2] =	stream.indirect.gather [hbm4b:s5+s22], $0x20, s22, s22, $0xb8;
	[tilespmem:$0x2940] =	vst v63  }
0x6d: {  	s1 =	sadd.s32 $0x280, s1;
	s17 =	sadd.s32 $0xA0, s17;
	s13 =	sadd.s32 $0x14, s13  }
0x6e: {  	[tilespmem:s28], [sflag:$0x2] =	stream.indirect.gather [hbm4b:s5+s22], $0x20, s25, s22, $0xb8;
	[tilespmem:$0x2940] =	vst v63  }
.LBB2_5:
0x6f: {  	_ =	sfence.sel $0x180000  }
0x70: {  	[bflag:$0x0] =	sbarrier.arrive $0xFFFF  }
0x71: {  	_ =	strace $0x90000047  }
0x72: {  	s0 =	stileid.u32;
	[bflag:$0x2] =	sbarrier.arrive $0xFFFF  }
0x73: {  	p0 =	sne.s32 s0, $0x0;
	s0 =	rddreg [dreg:$0x1]  }
0x74: {  	s0 =	sadd.s32 @!p0 $0x100000, s0  }
0x75: {  	[sflag:s0] =	ssyncadd.tile.s32 @!p0 $0x1;
	_ =	shalt  }
.Lfunc_end2:
_tile_overlayer_lowered:
.L_overlay_start_2:
0x76: {  	(tag) =	ssettag $0x2  }
0x77: {  	s0 =	rddreg [dreg:$0x0];
	s2 =	stileid.u32  }
0x78: {  	s1 =	rddreg [dreg:$0x1];
	p0 =	sne.s32 s2, $0x0  }
0x79: {  	s3 =	rddreg [dreg:$0x2];
	[bflag:$0x3] =	sbarrier.arrive $0xFFFF;
	s2 =	simm.s32 @!p0 $0x1C03  }
0x7a: {  	[timem:s3], [sflag:s2] =	dma.local @!p0 [hbm:s0], s1  }
0x7b: {  	s0 =	simm.s32 @!p0 $0x3  }
0x7c: {  	_ =	swait.ge @!p0 [sflag:s0], s1  }
0x7d: {  	s1 =	ssub.s32 @!p0 $0x0, s1;
	[sflag:s0] =	ssyncset.done @!p0 $0x0  }
0x7e: {  	[sflag:s0] =	ssyncadd.s32 @!p0 s1  }
0x7f: {  	[bflag:$0x3] =	sbarrier.arrive $0xFFFF  }
0x80: {  	_ =	shalt  }

</sc_bundles>
